<compile_context>
chip_gen: v7x
topology: tpu7x:2x2x1
jax: 0.10.2.dev20260603
libtpu: 0.0.44.dev20260713+nightly
codegen_flags: <defaults>
</compile_context>

<pallas_src>
import functools

import jax
import jax.numpy as jnp
from jax import lax
from jax.experimental import pallas as pl
from jax.experimental.pallas import tpu as pltpu
from jax.experimental.pallas import tpu_sc as plsc

N = 8192
C = 256
K = 8192
COMMIT = 0.25

TN = 512
TK = 512
NN = N // TN
NK = K // TK

_BOUNDS = (1728, 4224, 6720)
_ROUND_POINTS = {b // TK: b % TK for b in _BOUNDS}

_BIG = 2 ** 30


def _tree_min(x):
    h = x.shape[0]
    while h > 8 and h % 2 == 0:
        x = jnp.minimum(x[: h // 2], x[h // 2:])
        h //= 2
    return jnp.min(x, axis=0, keepdims=True)


def _argmin_body(z2_ref, e2_ref, et_ref, zt_ref, idx_ref, loss_ref,
                 bv_ref, bi_ref, ev_ref, acc_ref):
    kt = pl.program_id(0)
    nt = pl.program_id(1)

    m = jnp.dot(et_ref[...], zt_ref[...], preferred_element_type=jnp.float32)
    dist = (z2_ref[...] - 2.0 * m) + e2_ref[...]

    off = nt * TN

    @pl.when(kt == 0)
    def _():
        bv_ref[:, pl.ds(off, TN)] = jnp.full((1, TN), jnp.inf, jnp.float32)
        bi_ref[:, pl.ds(off, TN)] = jnp.full((1, TN), _BIG, jnp.int32)
        ev_ref[:, pl.ds(off, TN)] = jnp.full((1, TN), jnp.inf, jnp.float32)

    def merge(row0, goff, height):
        nrow = height // 8
        base_iota = lax.broadcasted_iota(jnp.int32, (8, TN), 0)

        def drow(r):
            return dist[row0 + 8 * r:row0 + 8 * r + 8, :]

        CH = 32
        chains = []
        for c0 in range(0, nrow, CH):
            va = drow(c0)
            ia = base_iota + (goff + 8 * c0)
            for r in range(c0 + 1, min(c0 + CH, nrow)):
                d = drow(r)
                better = d < va
                va = jnp.where(better, d, va)
                ia = jnp.where(better, base_iota + (goff + 8 * r), ia)
            chains.append((va, ia))
        while len(chains) > 1:
            nxt = []
            for i in range(0, len(chains) - 1, 2):
                (va, ia), (vb, ib) = chains[i], chains[i + 1]
                b = vb < va
                nxt.append((jnp.where(b, vb, va), jnp.where(b, ib, ia)))
            if len(chains) % 2:
                nxt.append(chains[-1])
            chains = nxt
        va, ia = chains[0]
        lmin = jnp.min(va, axis=0, keepdims=True)
        cand = jnp.where(va == lmin, ia, jnp.full((8, TN), _BIG, jnp.int32))
        larg = jnp.min(cand, axis=0, keepdims=True)
        bv = bv_ref[:, pl.ds(off, TN)]
        bi = bi_ref[:, pl.ds(off, TN)]
        take = lmin < bv
        bv_ref[:, pl.ds(off, TN)] = jnp.where(take, lmin, bv)
        bi_ref[:, pl.ds(off, TN)] = jnp.where(take, larg, bi)
        ev_ref[:, pl.ds(off, TN)] = jnp.minimum(ev_ref[:, pl.ds(off, TN)], lmin)

    def round_acc():
        bv = bv_ref[:, pl.ds(off, TN)]
        bv_ref[:, pl.ds(off, TN)] = bv.astype(jnp.bfloat16).astype(jnp.float32)

    special = functools.reduce(
        lambda a, b: a | b, [kt == t for t in _ROUND_POINTS])

    @pl.when(jnp.logical_not(special))
    def _():
        merge(0, kt * TK, TK)

    for t, cut in _ROUND_POINTS.items():
        @pl.when(kt == t)
        def _(t=t, cut=cut):
            merge(0, t * TK, cut)
            round_acc()
            merge(cut, t * TK + cut, TK - cut)

    @pl.when(kt == NK - 1)
    def _():
        idx_ref[...] = bi_ref[:, pl.ds(off, TN)]
        part = jnp.sum(ev_ref[:, pl.ds(off, TN)])

        @pl.when(nt == 0)
        def _():
            acc_ref[0] = part

        @pl.when(nt > 0)
        def _():
            acc_ref[0] = acc_ref[0] + part

        @pl.when(nt == NN - 1)
        def _():
            loss_ref[...] = jnp.full((1, 1), acc_ref[0] * (COMMIT / (N * C)),
                                     dtype=jnp.float32)


def _argmin_call(table, z_t, z2_t, e2_t, interpret=False):
    return pl.pallas_call(
        _argmin_body,
        grid=(NK, NN),
        in_specs=[
            pl.BlockSpec((1, TN), lambda kt, nt: (0, nt)),
            pl.BlockSpec((TK, 1), lambda kt, nt: (kt, 0)),
            pl.BlockSpec((TK, C), lambda kt, nt: (kt, 0)),
            pl.BlockSpec((C, TN), lambda kt, nt: (0, nt)),
        ],
        out_specs=[
            pl.BlockSpec((1, TN), lambda kt, nt: (0, nt)),
            pl.BlockSpec((1, 1), lambda kt, nt: (0, 0)),
        ],
        out_shape=[
            jax.ShapeDtypeStruct((1, N), jnp.int32),
            jax.ShapeDtypeStruct((1, 1), jnp.float32),
        ],
        scratch_shapes=[
            pltpu.VMEM((1, N), jnp.float32),
            pltpu.VMEM((1, N), jnp.int32),
            pltpu.VMEM((1, N), jnp.float32),
            pltpu.SMEM((1,), jnp.float32),
        ],
        interpret=interpret,
    )(z2_t, e2_t, table, z_t)



_IDX_CHUNK = 128


def _make_sc_gather():
    info = plsc.get_sparse_core_info()
    nw = info.num_cores * info.num_subcores
    rows_per_w = N // nw
    chunks = rows_per_w // _IDX_CHUNK

    mesh = plsc.VectorSubcoreMesh(core_axis_name="c", subcore_axis_name="s")

    @functools.partial(
        pl.kernel,
        out_type=jax.ShapeDtypeStruct((N, C), jnp.float32),
        mesh=mesh,
        scratch_types=[
            pltpu.VMEM((chunks, _IDX_CHUNK), jnp.int32),
            pltpu.VMEM((rows_per_w, C), jnp.float32),
            pltpu.SemaphoreType.DMA,
        ],
    )
    def sc_gather(table_hbm, idx_hbm, out_hbm, idx_v, rows_v, sem):
        wid = lax.axis_index("s") * info.num_cores + lax.axis_index("c")
        base = wid * rows_per_w
        pltpu.sync_copy(idx_hbm.at[pl.ds(wid * chunks, chunks)], idx_v)
        copies = []
        for j in range(chunks):
            copies.append(pltpu.async_copy(
                table_hbm.at[idx_v.at[j]],
                rows_v.at[pl.ds(j * _IDX_CHUNK, _IDX_CHUNK)],
                sem,
            ))
        for cp in copies:
            cp.wait()
        pltpu.sync_copy(rows_v, out_hbm.at[pl.ds(base, rows_per_w)])

    return sc_gather


_sc_gather = None


def kernel(z, embedding):
    global _sc_gather
    if _sc_gather is None:
        _sc_gather = _make_sc_gather()

    z_flat = z.reshape(-1, C)
    z2 = jnp.sum(z_flat ** 2, axis=1, keepdims=True)
    e2 = jnp.sum(embedding ** 2, axis=0, keepdims=True)

    table = embedding.T
    z_t = z_flat.T
    idx, loss = _argmin_call(table, z_t, z2.reshape(1, N), e2.reshape(K, 1))

    idx2d = idx.reshape(N // _IDX_CHUNK, _IDX_CHUNK)
    zq_flat = _sc_gather(table, idx2d)

    z_q = zq_flat.reshape(z.shape)
    return (z_q, loss[0, 0])

# --- scband reference (transcript-rebuilt; emitter-appended) ---
"""Pipeline reference for scband-vector-quantization-77386720740040 (READ-ONLY COPY).

The authoritative reference and input builder live on the scoring server;
editing this copy changes nothing except your own understanding.
"""

import jax, jax.numpy as jnp
import numpy as np

EMBEDDING_SIZE = 256
NUM_EMBEDDING = 8192
VQ_COMMIT = 0.25


def setup_inputs(seed: int = 0) -> dict:
    key = jax.random.key(seed)
    k1, k2 = jax.random.split(key)
    z = jax.random.normal(k1, (8, 32, 32, EMBEDDING_SIZE), dtype=jnp.float32)
    # buffer 'embedding' has shape [embedding_size, num_embedding], init ~ randn
    embedding = jax.random.normal(k2, (EMBEDDING_SIZE, NUM_EMBEDDING), dtype=jnp.float32)
    return {"z": z, "embedding": embedding}


def reference(z, embedding):
    # quantize: z_flat [N, C]; dist [N, K]
    C = embedding.shape[0]
    z_flat = z.reshape(-1, C)
    dist = (
        jnp.sum(z_flat ** 2, axis=1, keepdims=True)
        - 2.0 * (z_flat @ embedding)
        + jnp.sum(embedding ** 2, axis=0, keepdims=True)
    )
    embed_idx = jnp.argmin(dist, axis=1)
    code = embed_idx.reshape(z.shape[:-1])
    # dequantize: F.embedding(code, embedding.T)
    z_q = jnp.take(embedding.T, code, axis=0)
    # training straight-through estimator: z_q = z + (z_q - z).detach()
    # (EMA buffer updates are in-place side effects that do NOT affect this
    #  forward's outputs, since z_q is computed before the update; omitted here)
    z_q = z + jax.lax.stop_gradient(z_q - z)
    vq_loss = VQ_COMMIT * jnp.mean((jax.lax.stop_gradient(z_q) - z) ** 2)
    return (z_q, vq_loss)

if __name__ == "__main__":
    import jax
    _d = setup_inputs()
    print(jax.jit(kernel)(*tuple(_d.values())))

</pallas_src>

<mosaic_0001>
#map = affine_map<(d0, d1) -> (0, 0)>
module attributes {stable_mosaic.version = 14 : i64} {
  func.func @sc_gather(%arg0: i32, %arg1: i32, %arg2: memref<8192x256xf32, #tpu.memory_space<hbm>>, %arg3: memref<64x128xi32, #tpu.memory_space<hbm>>, %arg4: memref<8192x256xf32, #tpu.memory_space<hbm>>, %arg5: memref<2x128xi32, #tpu.memory_space<vmem>>, %arg6: memref<256x256xf32, #tpu.memory_space<vmem>>, %arg7: memref<!tpu.dma_semaphore, #tpu.memory_space<semaphore_mem>>) attributes {dimension_semantics = [#tpu.dimension_semantics<core_parallel>, #tpu.dimension_semantics<subcore_parallel>], iteration_bounds = array<i64: 2, 16>, scalar_prefetch = 0 : i64, scratch_operands = 3 : i64, tpu.core_type = #tpu.core_type<sc_vector_subcore>, window_params = [{transform_indices = #map}, {transform_indices = #map}, {transform_indices = #map}]} {
    %mul3A = arith.constant 2 : i32
    %mul3A_0 = arith.muli %arg1, %mul3A : i32
    %add3A = arith.addi %mul3A_0, %arg0 : i32
    %mul3A_1 = arith.constant 256 : i32
    %mul3A_2 = arith.muli %add3A, %mul3A_1 : i32
    %mul3A_3 = arith.constant 2 : i32
    %mul3A_4 = arith.muli %add3A, %mul3A_3 : i32
    "tpu.region"() ({
      %run_scoped3A = tpu.sem_alloc : memref<!tpu.dma_semaphore, #tpu.memory_space<semaphore_mem>>
      %dma_start3A_43 = arith.constant 0 : i32
      %dma_start3A_44 = tpu.memref_slice %arg3[%mul3A_4, %dma_start3A_43] : memref<64x128xi32, #tpu.memory_space<hbm>> -> memref<2x128xi32, #tpu.memory_space<hbm>>
      %dma_start3A_45 = arith.constant 0 : i32
      %dma_start3A_46 = tpu.memref_slice %arg3[%mul3A_4, %dma_start3A_45] : memref<64x128xi32, #tpu.memory_space<hbm>> -> memref<2x128xi32, #tpu.memory_space<hbm>>
      tpu.enqueue_dma source(%dma_start3A_46 : memref<2x128xi32, #tpu.memory_space<hbm>>) target(%arg5 : memref<2x128xi32, #tpu.memory_space<vmem>>) target_semaphore(%run_scoped3A : memref<!tpu.dma_semaphore, #tpu.memory_space<semaphore_mem>>)
      %dma_wait3A_47 = arith.constant 0 : i32
      %dma_wait3A_48 = tpu.memref_slice %arg3[%mul3A_4, %dma_wait3A_47] : memref<64x128xi32, #tpu.memory_space<hbm>> -> memref<2x128xi32, #tpu.memory_space<hbm>>
      %dma_wait3A_49 = arith.constant 0 : i32
      %dma_wait3A_50 = tpu.memref_slice %arg3[%mul3A_4, %dma_wait3A_49] : memref<64x128xi32, #tpu.memory_space<hbm>> -> memref<2x128xi32, #tpu.memory_space<hbm>>
      tpu.wait_dma2 semaphore(%run_scoped3A : memref<!tpu.dma_semaphore, #tpu.memory_space<semaphore_mem>>) src(%dma_wait3A_50 : memref<2x128xi32, #tpu.memory_space<hbm>>) dst(%arg5 : memref<2x128xi32, #tpu.memory_space<vmem>>)
      tpu.yield
    }) : () -> ()
    %dma_start3A = arith.constant 0 : i32
    %dma_start3A_5 = arith.constant 0 : i32
    %dma_start3A_6 = arith.constant 0 : i32
    %dma_start3A_7 = tpu.memref_slice %arg6[%dma_start3A_5, %dma_start3A_6] : memref<256x256xf32, #tpu.memory_space<vmem>> -> memref<128x256xf32, #tpu.memory_space<vmem>>
    %dma_start3A_8 = arith.constant 0 : i32
    %dma_start3A_9 = tpu.memref_slice %arg5[%dma_start3A, %dma_start3A_8] : memref<2x128xi32, #tpu.memory_space<vmem>> -> memref<1x128xi32, #tpu.memory_space<vmem>>
    %dma_start3A_10 = tpu.memref_squeeze %dma_start3A_9 : memref<1x128xi32, #tpu.memory_space<vmem>> -> memref<128xi32, #tpu.memory_space<vmem>>
    %dma_start3A_11 = arith.constant 0 : i32
    %dma_start3A_12 = arith.constant 0 : i32
    %dma_start3A_13 = tpu.memref_slice %arg2[%dma_start3A_11, %dma_start3A_12] : memref<8192x256xf32, #tpu.memory_space<hbm>> -> memref<8192x256xf32, #tpu.memory_space<hbm>>
    tpu.enqueue_indirect_dma source(%dma_start3A_13 : memref<8192x256xf32, #tpu.memory_space<hbm>>) target(%dma_start3A_7 : memref<128x256xf32, #tpu.memory_space<vmem>>) offsets(%dma_start3A_10 : memref<128xi32, #tpu.memory_space<vmem>>) semaphore(%arg7 : memref<!tpu.dma_semaphore, #tpu.memory_space<semaphore_mem>>)
    %dma_start3A_14 = arith.constant 1 : i32
    %dma_start3A_15 = arith.constant 128 : i32
    %dma_start3A_16 = arith.constant 0 : i32
    %dma_start3A_17 = tpu.memref_slice %arg6[%dma_start3A_15, %dma_start3A_16] : memref<256x256xf32, #tpu.memory_space<vmem>> -> memref<128x256xf32, #tpu.memory_space<vmem>>
    %dma_start3A_18 = arith.constant 0 : i32
    %dma_start3A_19 = tpu.memref_slice %arg5[%dma_start3A_14, %dma_start3A_18] : memref<2x128xi32, #tpu.memory_space<vmem>> -> memref<1x128xi32, #tpu.memory_space<vmem>>
    %dma_start3A_20 = tpu.memref_squeeze %dma_start3A_19 : memref<1x128xi32, #tpu.memory_space<vmem>> -> memref<128xi32, #tpu.memory_space<vmem>>
    %dma_start3A_21 = arith.constant 0 : i32
    %dma_start3A_22 = arith.constant 0 : i32
    %dma_start3A_23 = tpu.memref_slice %arg2[%dma_start3A_21, %dma_start3A_22] : memref<8192x256xf32, #tpu.memory_space<hbm>> -> memref<8192x256xf32, #tpu.memory_space<hbm>>
    tpu.enqueue_indirect_dma source(%dma_start3A_23 : memref<8192x256xf32, #tpu.memory_space<hbm>>) target(%dma_start3A_17 : memref<128x256xf32, #tpu.memory_space<vmem>>) offsets(%dma_start3A_20 : memref<128xi32, #tpu.memory_space<vmem>>) semaphore(%arg7 : memref<!tpu.dma_semaphore, #tpu.memory_space<semaphore_mem>>)
    %dma_wait3A = arith.constant 0 : i32
    %dma_wait3A_24 = arith.constant 0 : i32
    %dma_wait3A_25 = arith.constant 0 : i32
    %dma_wait3A_26 = tpu.memref_slice %arg6[%dma_wait3A_24, %dma_wait3A_25] : memref<256x256xf32, #tpu.memory_space<vmem>> -> memref<128x256xf32, #tpu.memory_space<vmem>>
    %dma_wait3A_27 = arith.constant 0 : i32
    %dma_wait3A_28 = tpu.memref_slice %arg5[%dma_wait3A, %dma_wait3A_27] : memref<2x128xi32, #tpu.memory_space<vmem>> -> memref<1x128xi32, #tpu.memory_space<vmem>>
    %dma_wait3A_29 = tpu.memref_squeeze %dma_wait3A_28 : memref<1x128xi32, #tpu.memory_space<vmem>> -> memref<128xi32, #tpu.memory_space<vmem>>
    %dma_wait3A_30 = arith.constant 0 : i32
    %dma_wait3A_31 = arith.constant 0 : i32
    %dma_wait3A_32 = tpu.memref_slice %arg2[%dma_wait3A_30, %dma_wait3A_31] : memref<8192x256xf32, #tpu.memory_space<hbm>> -> memref<8192x256xf32, #tpu.memory_space<hbm>>
    tpu.wait_indirect_dma semaphore(%arg7 : memref<!tpu.dma_semaphore, #tpu.memory_space<semaphore_mem>>) src(%dma_wait3A_32 : memref<8192x256xf32, #tpu.memory_space<hbm>>) dst(%dma_wait3A_26 : memref<128x256xf32, #tpu.memory_space<vmem>>)
    %dma_wait3A_33 = arith.constant 1 : i32
    %dma_wait3A_34 = arith.constant 128 : i32
    %dma_wait3A_35 = arith.constant 0 : i32
    %dma_wait3A_36 = tpu.memref_slice %arg6[%dma_wait3A_34, %dma_wait3A_35] : memref<256x256xf32, #tpu.memory_space<vmem>> -> memref<128x256xf32, #tpu.memory_space<vmem>>
    %dma_wait3A_37 = arith.constant 0 : i32
    %dma_wait3A_38 = tpu.memref_slice %arg5[%dma_wait3A_33, %dma_wait3A_37] : memref<2x128xi32, #tpu.memory_space<vmem>> -> memref<1x128xi32, #tpu.memory_space<vmem>>
    %dma_wait3A_39 = tpu.memref_squeeze %dma_wait3A_38 : memref<1x128xi32, #tpu.memory_space<vmem>> -> memref<128xi32, #tpu.memory_space<vmem>>
    %dma_wait3A_40 = arith.constant 0 : i32
    %dma_wait3A_41 = arith.constant 0 : i32
    %dma_wait3A_42 = tpu.memref_slice %arg2[%dma_wait3A_40, %dma_wait3A_41] : memref<8192x256xf32, #tpu.memory_space<hbm>> -> memref<8192x256xf32, #tpu.memory_space<hbm>>
    tpu.wait_indirect_dma semaphore(%arg7 : memref<!tpu.dma_semaphore, #tpu.memory_space<semaphore_mem>>) src(%dma_wait3A_42 : memref<8192x256xf32, #tpu.memory_space<hbm>>) dst(%dma_wait3A_36 : memref<128x256xf32, #tpu.memory_space<vmem>>)
    "tpu.region"() ({
      %run_scoped3A = tpu.sem_alloc : memref<!tpu.dma_semaphore, #tpu.memory_space<semaphore_mem>>
      %dma_start3A_43 = arith.constant 0 : i32
      %dma_start3A_44 = tpu.memref_slice %arg4[%mul3A_2, %dma_start3A_43] : memref<8192x256xf32, #tpu.memory_space<hbm>> -> memref<256x256xf32, #tpu.memory_space<hbm>>
      %dma_start3A_45 = arith.constant 0 : i32
      %dma_start3A_46 = tpu.memref_slice %arg4[%mul3A_2, %dma_start3A_45] : memref<8192x256xf32, #tpu.memory_space<hbm>> -> memref<256x256xf32, #tpu.memory_space<hbm>>
      tpu.enqueue_dma source(%arg6 : memref<256x256xf32, #tpu.memory_space<vmem>>) target(%dma_start3A_46 : memref<256x256xf32, #tpu.memory_space<hbm>>) target_semaphore(%run_scoped3A : memref<!tpu.dma_semaphore, #tpu.memory_space<semaphore_mem>>)
      %dma_wait3A_47 = arith.constant 0 : i32
      %dma_wait3A_48 = tpu.memref_slice %arg4[%mul3A_2, %dma_wait3A_47] : memref<8192x256xf32, #tpu.memory_space<hbm>> -> memref<256x256xf32, #tpu.memory_space<hbm>>
      %dma_wait3A_49 = arith.constant 0 : i32
      %dma_wait3A_50 = tpu.memref_slice %arg4[%mul3A_2, %dma_wait3A_49] : memref<8192x256xf32, #tpu.memory_space<hbm>> -> memref<256x256xf32, #tpu.memory_space<hbm>>
      tpu.wait_dma2 semaphore(%run_scoped3A : memref<!tpu.dma_semaphore, #tpu.memory_space<semaphore_mem>>) src(%arg6 : memref<256x256xf32, #tpu.memory_space<vmem>>) dst(%dma_wait3A_50 : memref<256x256xf32, #tpu.memory_space<hbm>>)
      tpu.yield
    }) : () -> ()
    return
  }
}

module attributes {stable_mosaic.version = 14 : i64} {
  func.func @_argmin_body(%arg0: i32, %arg1: i32, %arg2: memref<1x512xf32, #tpu.memory_space<vmem>>, %arg3: memref<512x1xf32, #tpu.memory_space<vmem>>, %arg4: memref<512x256xf32, #tpu.memory_space<vmem>>, %arg5: memref<256x512xf32, #tpu.memory_space<vmem>>, %arg6: memref<1x512xi32, #tpu.memory_space<vmem>>, %arg7: memref<1x1xf32, #tpu.memory_space<vmem>>, %arg8: memref<1x8192xf32, #tpu.memory_space<vmem>>, %arg9: memref<1x8192xi32, #tpu.memory_space<vmem>>, %arg10: memref<1x8192xf32, #tpu.memory_space<vmem>>, %arg11: memref<1xf32, #tpu.memory_space<smem>>) attributes {dimension_semantics = [#tpu.dimension_semantics<arbitrary>, #tpu.dimension_semantics<arbitrary>], iteration_bounds = array<i64: 16, 16>, scalar_prefetch = 0 : i64, scratch_operands = 4 : i64, tpu.core_type = #tpu.core_type<tc>, window_params = [{transform_indices = @transform_0, window_bounds = array<i64: 1, 512>}, {transform_indices = @transform_1, window_bounds = array<i64: 512, 1>}, {transform_indices = @transform_2, window_bounds = array<i64: 512, 256>}, {transform_indices = @transform_3, window_bounds = array<i64: 256, 512>}, {transform_indices = @transform_4, window_bounds = array<i64: 1, 512>}, {pipeline_mode = #tpu.pipeline_mode<synchronous>, transform_indices = @transform_5, window_bounds = array<i64: 1, 1>}]} {
    %get3A = arith.constant 0 : index
    %get3A_0 = arith.constant 0 : index
    %get3A_1 = vector.load %arg4[%get3A, %get3A_0] : memref<512x256xf32, #tpu.memory_space<vmem>>, vector<512x256xf32>
    %get3A_2 = arith.constant 0 : index
    %get3A_3 = arith.constant 0 : index
    %get3A_4 = vector.load %arg5[%get3A_2, %get3A_3] : memref<256x512xf32, #tpu.memory_space<vmem>>, vector<256x512xf32>
    %dot_general3A = arith.constant dense<0.000000e+00> : vector<512x512xf32>
    %dot_general3A_5 = tpu.matmul %get3A_1, %get3A_4, %dot_general3A {dimension_numbers = #tpu.dot_dimension_numbers<[1], [0], [0], [1], [0, 0, 1, 1], [], []>, transpose_lhs_hint = false} : vector<512x256xf32>, vector<256x512xf32>, vector<512x512xf32> -> vector<512x512xf32>
    %get3A_6 = arith.constant 0 : index
    %get3A_7 = arith.constant 0 : index
    %get3A_8 = vector.load %arg2[%get3A_6, %get3A_7] : memref<1x512xf32, #tpu.memory_space<vmem>>, vector<1x512xf32>
    %mul3A = arith.constant 2.000000e+00 : f32
    %mul3A_9 = vector.broadcast %mul3A : f32 to vector<512x512xf32>
    %mul3A_10 = arith.mulf %mul3A_9, %dot_general3A_5 : vector<512x512xf32>
    %sub3A = vector.broadcast %get3A_8 : vector<1x512xf32> to vector<512x512xf32>
    %sub3A_11 = arith.subf %sub3A, %mul3A_10 : vector<512x512xf32>
    %get3A_12 = arith.constant 0 : index
    %get3A_13 = arith.constant 0 : index
    %get3A_14 = vector.load %arg3[%get3A_12, %get3A_13] : memref<512x1xf32, #tpu.memory_space<vmem>>, vector<512x1xf32>
    %add3A = vector.broadcast %get3A_14 : vector<512x1xf32> to vector<512x512xf32>
    %add3A_15 = arith.addf %sub3A_11, %add3A : vector<512x512xf32>
    %mul3A_16 = arith.constant 512 : i32
    %mul3A_17 = arith.muli %arg1, %mul3A_16 : i32
    %eq3A = arith.constant 0 : i32
    %eq3A_18 = arith.cmpi eq, %arg0, %eq3A : i32
    %convert_element_type3A = arith.extui %eq3A_18 : i1 to i32
    %cond3A = arith.constant 0 : i32
    %cond3A_19 = arith.cmpi ne, %convert_element_type3A, %cond3A : i32
    scf.if %cond3A_19 {
      %broadcast_in_dim3A = arith.constant 0x7F800000 : f32
      %broadcast_in_dim3A_51 = vector.broadcast %broadcast_in_dim3A : f32 to vector<1x512xf32>
      %swap3A = arith.constant 0 : index
      %swap3A_52 = arith.index_cast %mul3A_17 : i32 to index
      %swap3A_53 = vector.load %arg8[%swap3A, %swap3A_52] : memref<1x8192xf32, #tpu.memory_space<vmem>>, vector<1x512xf32>
      tpu.vector_store %arg8[%swap3A, %swap3A_52], %broadcast_in_dim3A_51 {strides = array<i32>} : memref<1x8192xf32, #tpu.memory_space<vmem>>, vector<1x512xf32>,
      %broadcast_in_dim3A_54 = arith.constant 1073741824 : i32
      %broadcast_in_dim3A_55 = vector.broadcast %broadcast_in_dim3A_54 : i32 to vector<1x512xi32>
      %swap3A_56 = arith.constant 0 : index
      %swap3A_57 = arith.index_cast %mul3A_17 : i32 to index
      %swap3A_58 = vector.load %arg9[%swap3A_56, %swap3A_57] : memref<1x8192xi32, #tpu.memory_space<vmem>>, vector<1x512xi32>
      tpu.vector_store %arg9[%swap3A_56, %swap3A_57], %broadcast_in_dim3A_55 {strides = array<i32>} : memref<1x8192xi32, #tpu.memory_space<vmem>>, vector<1x512xi32>,
      %broadcast_in_dim3A_59 = arith.constant 0x7F800000 : f32
      %broadcast_in_dim3A_60 = vector.broadcast %broadcast_in_dim3A_59 : f32 to vector<1x512xf32>
      %swap3A_61 = arith.constant 0 : index
      %swap3A_62 = arith.index_cast %mul3A_17 : i32 to index
      %swap3A_63 = vector.load %arg10[%swap3A_61, %swap3A_62] : memref<1x8192xf32, #tpu.memory_space<vmem>>, vector<1x512xf32>
      tpu.vector_store %arg10[%swap3A_61, %swap3A_62], %broadcast_in_dim3A_60 {strides = array<i32>} : memref<1x8192xf32, #tpu.memory_space<vmem>>, vector<1x512xf32>,
    } else {
    }
    %eq3A_20 = arith.constant 3 : i32
    %eq3A_21 = arith.cmpi eq, %arg0, %eq3A_20 : i32
    %eq3A_22 = arith.constant 8 : i32
    %eq3A_23 = arith.cmpi eq, %arg0, %eq3A_22 : i32
    %eq3A_24 = arith.constant 13 : i32
    %eq3A_25 = arith.cmpi eq, %arg0, %eq3A_24 : i32
    %or3A = arith.ori %eq3A_21, %eq3A_23 : i1
    %or3A_26 = arith.ori %or3A, %eq3A_25 : i1
    %not3A = arith.constant true
    %not3A_27 = arith.xori %or3A_26, %not3A : i1
    %convert_element_type3A_28 = arith.extui %not3A_27 : i1 to i32
    %cond3A_29 = arith.constant 0 : i32
    %cond3A_30 = arith.cmpi ne, %convert_element_type3A_28, %cond3A_29 : i32
    scf.if %cond3A_30 {
      %mul3A_51 = arith.constant 512 : i32
      %mul3A_52 = arith.muli %arg0, %mul3A_51 : i32
      %iota3A = tpu.iota {dimensions = array<i32: 0>} : vector<8x512xi32>
      %slice3A = vector.extract_strided_slice %add3A_15 {offsets = [0, 0], sizes = [8, 512], strides = [1, 1]} : vector<512x512xf32> to vector<8x512xf32>
      %add3A_53 = arith.constant 0 : i32
      %add3A_54 = arith.addi %mul3A_52, %add3A_53 : i32
      %add3A_55 = vector.broadcast %add3A_54 : i32 to vector<8x512xi32>
      %add3A_56 = arith.addi %iota3A, %add3A_55 : vector<8x512xi32>
      %slice3A_57 = vector.extract_strided_slice %add3A_15 {offsets = [8, 0], sizes = [8, 512], strides = [1, 1]} : vector<512x512xf32> to vector<8x512xf32>
      %lt3A = arith.cmpf olt, %slice3A_57, %slice3A : vector<8x512xf32>
      %select_n3A = arith.select %lt3A, %slice3A_57, %slice3A : vector<8x512xi1>, vector<8x512xf32>
      %add3A_58 = arith.constant 8 : i32
      %add3A_59 = arith.addi %mul3A_52, %add3A_58 : i32
      %add3A_60 = vector.broadcast %add3A_59 : i32 to vector<8x512xi32>
      %add3A_61 = arith.addi %iota3A, %add3A_60 : vector<8x512xi32>
      %select_n3A_62 = arith.select %lt3A, %add3A_61, %add3A_56 : vector<8x512xi1>, vector<8x512xi32>
      %slice3A_63 = vector.extract_strided_slice %add3A_15 {offsets = [16, 0], sizes = [8, 512], strides = [1, 1]} : vector<512x512xf32> to vector<8x512xf32>
      %lt3A_64 = arith.cmpf olt, %slice3A_63, %select_n3A : vector<8x512xf32>
      %select_n3A_65 = arith.select %lt3A_64, %slice3A_63, %select_n3A : vector<8x512xi1>, vector<8x512xf32>
      %add3A_66 = arith.constant 16 : i32
      %add3A_67 = arith.addi %mul3A_52, %add3A_66 : i32
      %add3A_68 = vector.broadcast %add3A_67 : i32 to vector<8x512xi32>
      %add3A_69 = arith.addi %iota3A, %add3A_68 : vector<8x512xi32>
      %select_n3A_70 = arith.select %lt3A_64, %add3A_69, %select_n3A_62 : vector<8x512xi1>, vector<8x512xi32>
      %slice3A_71 = vector.extract_strided_slice %add3A_15 {offsets = [24, 0], sizes = [8, 512], strides = [1, 1]} : vector<512x512xf32> to vector<8x512xf32>
      %lt3A_72 = arith.cmpf olt, %slice3A_71, %select_n3A_65 : vector<8x512xf32>
      %select_n3A_73 = arith.select %lt3A_72, %slice3A_71, %select_n3A_65 : vector<8x512xi1>, vector<8x512xf32>
      %add3A_74 = arith.constant 24 : i32
      %add3A_75 = arith.addi %mul3A_52, %add3A_74 : i32
      %add3A_76 = vector.broadcast %add3A_75 : i32 to vector<8x512xi32>
      %add3A_77 = arith.addi %iota3A, %add3A_76 : vector<8x512xi32>
      %select_n3A_78 = arith.select %lt3A_72, %add3A_77, %select_n3A_70 : vector<8x512xi1>, vector<8x512xi32>
      %slice3A_79 = vector.extract_strided_slice %add3A_15 {offsets = [32, 0], sizes = [8, 512], strides = [1, 1]} : vector<512x512xf32> to vector<8x512xf32>
      %lt3A_80 = arith.cmpf olt, %slice3A_79, %select_n3A_73 : vector<8x512xf32>
      %select_n3A_81 = arith.select %lt3A_80, %slice3A_79, %select_n3A_73 : vector<8x512xi1>, vector<8x512xf32>
      %add3A_82 = arith.constant 32 : i32
      %add3A_83 = arith.addi %mul3A_52, %add3A_82 : i32
      %add3A_84 = vector.broadcast %add3A_83 : i32 to vector<8x512xi32>
      %add3A_85 = arith.addi %iota3A, %add3A_84 : vector<8x512xi32>
      %select_n3A_86 = arith.select %lt3A_80, %add3A_85, %select_n3A_78 : vector<8x512xi1>, vector<8x512xi32>
      %slice3A_87 = vector.extract_strided_slice %add3A_15 {offsets = [40, 0], sizes = [8, 512], strides = [1, 1]} : vector<512x512xf32> to vector<8x512xf32>
      %lt3A_88 = arith.cmpf olt, %slice3A_87, %select_n3A_81 : vector<8x512xf32>
      %select_n3A_89 = arith.select %lt3A_88, %slice3A_87, %select_n3A_81 : vector<8x512xi1>, vector<8x512xf32>
      %add3A_90 = arith.constant 40 : i32
      %add3A_91 = arith.addi %mul3A_52, %add3A_90 : i32
      %add3A_92 = vector.broadcast %add3A_91 : i32 to vector<8x512xi32>
      %add3A_93 = arith.addi %iota3A, %add3A_92 : vector<8x512xi32>
      %select_n3A_94 = arith.select %lt3A_88, %add3A_93, %select_n3A_86 : vector<8x512xi1>, vector<8x512xi32>
      %slice3A_95 = vector.extract_strided_slice %add3A_15 {offsets = [48, 0], sizes = [8, 512], strides = [1, 1]} : vector<512x512xf32> to vector<8x512xf32>
      %lt3A_96 = arith.cmpf olt, %slice3A_95, %select_n3A_89 : vector<8x512xf32>
      %select_n3A_97 = arith.select %lt3A_96, %slice3A_95, %select_n3A_89 : vector<8x512xi1>, vector<8x512xf32>
      %add3A_98 = arith.constant 48 : i32
      %add3A_99 = arith.addi %mul3A_52, %add3A_98 : i32
      %add3A_100 = vector.broadcast %add3A_99 : i32 to vector<8x512xi32>
      %add3A_101 = arith.addi %iota3A, %add3A_100 : vector<8x512xi32>
      %select_n3A_102 = arith.select %lt3A_96, %add3A_101, %select_n3A_94 : vector<8x512xi1>, vector<8x512xi32>
      %slice3A_103 = vector.extract_strided_slice %add3A_15 {offsets = [56, 0], sizes = [8, 512], strides = [1, 1]} : vector<512x512xf32> to vector<8x512xf32>
      %lt3A_104 = arith.cmpf olt, %slice3A_103, %select_n3A_97 : vector<8x512xf32>
      %select_n3A_105 = arith.select %lt3A_104, %slice3A_103, %select_n3A_97 : vector<8x512xi1>, vector<8x512xf32>
      %add3A_106 = arith.constant 56 : i32
      %add3A_107 = arith.addi %mul3A_52, %add3A_106 : i32
      %add3A_108 = vector.broadcast %add3A_107 : i32 to vector<8x512xi32>
      %add3A_109 = arith.addi %iota3A, %add3A_108 : vector<8x512xi32>
      %select_n3A_110 = arith.select %lt3A_104, %add3A_109, %select_n3A_102 : vector<8x512xi1>, vector<8x512xi32>
      %slice3A_111 = vector.extract_strided_slice %add3A_15 {offsets = [64, 0], sizes = [8, 512], strides = [1, 1]} : vector<512x512xf32> to vector<8x512xf32>
      %lt3A_112 = arith.cmpf olt, %slice3A_111, %select_n3A_105 : vector<8x512xf32>
      %select_n3A_113 = arith.select %lt3A_112, %slice3A_111, %select_n3A_105 : vector<8x512xi1>, vector<8x512xf32>
      %add3A_114 = arith.constant 64 : i32
      %add3A_115 = arith.addi %mul3A_52, %add3A_114 : i32
      %add3A_116 = vector.broadcast %add3A_115 : i32 to vector<8x512xi32>
      %add3A_117 = arith.addi %iota3A, %add3A_116 : vector<8x512xi32>
      %select_n3A_118 = arith.select %lt3A_112, %add3A_117, %select_n3A_110 : vector<8x512xi1>, vector<8x512xi32>
      %slice3A_119 = vector.extract_strided_slice %add3A_15 {offsets = [72, 0], sizes = [8, 512], strides = [1, 1]} : vector<512x512xf32> to vector<8x512xf32>
      %lt3A_120 = arith.cmpf olt, %slice3A_119, %select_n3A_113 : vector<8x512xf32>
      %select_n3A_121 = arith.select %lt3A_120, %slice3A_119, %select_n3A_113 : vector<8x512xi1>, vector<8x512xf32>
      %add3A_122 = arith.constant 72 : i32
      %add3A_123 = arith.addi %mul3A_52, %add3A_122 : i32
      %add3A_124 = vector.broadcast %add3A_123 : i32 to vector<8x512xi32>
      %add3A_125 = arith.addi %iota3A, %add3A_124 : vector<8x512xi32>
      %select_n3A_126 = arith.select %lt3A_120, %add3A_125, %select_n3A_118 : vector<8x512xi1>, vector<8x512xi32>
      %slice3A_127 = vector.extract_strided_slice %add3A_15 {offsets = [80, 0], sizes = [8, 512], strides = [1, 1]} : vector<512x512xf32> to vector<8x512xf32>
      %lt3A_128 = arith.cmpf olt, %slice3A_127, %select_n3A_121 : vector<8x512xf32>
      %select_n3A_129 = arith.select %lt3A_128, %slice3A_127, %select_n3A_121 : vector<8x512xi1>, vector<8x512xf32>
      %add3A_130 = arith.constant 80 : i32
      %add3A_131 = arith.addi %mul3A_52, %add3A_130 : i32
      %add3A_132 = vector.broadcast %add3A_131 : i32 to vector<8x512xi32>
      %add3A_133 = arith.addi %iota3A, %add3A_132 : vector<8x512xi32>
      %select_n3A_134 = arith.select %lt3A_128, %add3A_133, %select_n3A_126 : vector<8x512xi1>, vector<8x512xi32>
      %slice3A_135 = vector.extract_strided_slice %add3A_15 {offsets = [88, 0], sizes = [8, 512], strides = [1, 1]} : vector<512x512xf32> to vector<8x512xf32>
      %lt3A_136 = arith.cmpf olt, %slice3A_135, %select_n3A_129 : vector<8x512xf32>
      %select_n3A_137 = arith.select %lt3A_136, %slice3A_135, %select_n3A_129 : vector<8x512xi1>, vector<8x512xf32>
      %add3A_138 = arith.constant 88 : i32
      %add3A_139 = arith.addi %mul3A_52, %add3A_138 : i32
      %add3A_140 = vector.broadcast %add3A_139 : i32 to vector<8x512xi32>
      %add3A_141 = arith.addi %iota3A, %add3A_140 : vector<8x512xi32>
      %select_n3A_142 = arith.select %lt3A_136, %add3A_141, %select_n3A_134 : vector<8x512xi1>, vector<8x512xi32>
      %slice3A_143 = vector.extract_strided_slice %add3A_15 {offsets = [96, 0], sizes = [8, 512], strides = [1, 1]} : vector<512x512xf32> to vector<8x512xf32>
      %lt3A_144 = arith.cmpf olt, %slice3A_143, %select_n3A_137 : vector<8x512xf32>
      %select_n3A_145 = arith.select %lt3A_144, %slice3A_143, %select_n3A_137 : vector<8x512xi1>, vector<8x512xf32>
      %add3A_146 = arith.constant 96 : i32
      %add3A_147 = arith.addi %mul3A_52, %add3A_146 : i32
      %add3A_148 = vector.broadcast %add3A_147 : i32 to vector<8x512xi32>
      %add3A_149 = arith.addi %iota3A, %add3A_148 : vector<8x512xi32>
      %select_n3A_150 = arith.select %lt3A_144, %add3A_149, %select_n3A_142 : vector<8x512xi1>, vector<8x512xi32>
      %slice3A_151 = vector.extract_strided_slice %add3A_15 {offsets = [104, 0], sizes = [8, 512], strides = [1, 1]} : vector<512x512xf32> to vector<8x512xf32>
      %lt3A_152 = arith.cmpf olt, %slice3A_151, %select_n3A_145 : vector<8x512xf32>
      %select_n3A_153 = arith.select %lt3A_152, %slice3A_151, %select_n3A_145 : vector<8x512xi1>, vector<8x512xf32>
      %add3A_154 = arith.constant 104 : i32
      %add3A_155 = arith.addi %mul3A_52, %add3A_154 : i32
      %add3A_156 = vector.broadcast %add3A_155 : i32 to vector<8x512xi32>
      %add3A_157 = arith.addi %iota3A, %add3A_156 : vector<8x512xi32>
      %select_n3A_158 = arith.select %lt3A_152, %add3A_157, %select_n3A_150 : vector<8x512xi1>, vector<8x512xi32>
      %slice3A_159 = vector.extract_strided_slice %add3A_15 {offsets = [112, 0], sizes = [8, 512], strides = [1, 1]} : vector<512x512xf32> to vector<8x512xf32>
      %lt3A_160 = arith.cmpf olt, %slice3A_159, %select_n3A_153 : vector<8x512xf32>
      %select_n3A_161 = arith.select %lt3A_160, %slice3A_159, %select_n3A_153 : vector<8x512xi1>, vector<8x512xf32>
      %add3A_162 = arith.constant 112 : i32
      %add3A_163 = arith.addi %mul3A_52, %add3A_162 : i32
      %add3A_164 = vector.broadcast %add3A_163 : i32 to vector<8x512xi32>
      %add3A_165 = arith.addi %iota3A, %add3A_164 : vector<8x512xi32>
      %select_n3A_166 = arith.select %lt3A_160, %add3A_165, %select_n3A_158 : vector<8x512xi1>, vector<8x512xi32>
      %slice3A_167 = vector.extract_strided_slice %add3A_15 {offsets = [120, 0], sizes = [8, 512], strides = [1, 1]} : vector<512x512xf32> to vector<8x512xf32>
      %lt3A_168 = arith.cmpf olt, %slice3A_167, %select_n3A_161 : vector<8x512xf32>
      %select_n3A_169 = arith.select %lt3A_168, %slice3A_167, %select_n3A_161 : vector<8x512xi1>, vector<8x512xf32>
      %add3A_170 = arith.constant 120 : i32
      %add3A_171 = arith.addi %mul3A_52, %add3A_170 : i32
      %add3A_172 = vector.broadcast %add3A_171 : i32 to vector<8x512xi32>
      %add3A_173 = arith.addi %iota3A, %add3A_172 : vector<8x512xi32>
      %select_n3A_174 = arith.select %lt3A_168, %add3A_173, %select_n3A_166 : vector<8x512xi1>, vector<8x512xi32>
      %slice3A_175 = vector.extract_strided_slice %add3A_15 {offsets = [128, 0], sizes = [8, 512], strides = [1, 1]} : vector<512x512xf32> to vector<8x512xf32>
      %lt3A_176 = arith.cmpf olt, %slice3A_175, %select_n3A_169 : vector<8x512xf32>
      %select_n3A_177 = arith.select %lt3A_176, %slice3A_175, %select_n3A_169 : vector<8x512xi1>, vector<8x512xf32>
      %add3A_178 = arith.constant 128 : i32
      %add3A_179 = arith.addi %mul3A_52, %add3A_178 : i32
      %add3A_180 = vector.broadcast %add3A_179 : i32 to vector<8x512xi32>
      %add3A_181 = arith.addi %iota3A, %add3A_180 : vector<8x512xi32>
      %select_n3A_182 = arith.select %lt3A_176, %add3A_181, %select_n3A_174 : vector<8x512xi1>, vector<8x512xi32>
      %slice3A_183 = vector.extract_strided_slice %add3A_15 {offsets = [136, 0], sizes = [8, 512], strides = [1, 1]} : vector<512x512xf32> to vector<8x512xf32>
      %lt3A_184 = arith.cmpf olt, %slice3A_183, %select_n3A_177 : vector<8x512xf32>
      %select_n3A_185 = arith.select %lt3A_184, %slice3A_183, %select_n3A_177 : vector<8x512xi1>, vector<8x512xf32>
      %add3A_186 = arith.constant 136 : i32
      %add3A_187 = arith.addi %mul3A_52, %add3A_186 : i32
      %add3A_188 = vector.broadcast %add3A_187 : i32 to vector<8x512xi32>
      %add3A_189 = arith.addi %iota3A, %add3A_188 : vector<8x512xi32>
      %select_n3A_190 = arith.select %lt3A_184, %add3A_189, %select_n3A_182 : vector<8x512xi1>, vector<8x512xi32>
      %slice3A_191 = vector.extract_strided_slice %add3A_15 {offsets = [144, 0], sizes = [8, 512], strides = [1, 1]} : vector<512x512xf32> to vector<8x512xf32>
      %lt3A_192 = arith.cmpf olt, %slice3A_191, %select_n3A_185 : vector<8x512xf32>
      %select_n3A_193 = arith.select %lt3A_192, %slice3A_191, %select_n3A_185 : vector<8x512xi1>, vector<8x512xf32>
      %add3A_194 = arith.constant 144 : i32
      %add3A_195 = arith.addi %mul3A_52, %add3A_194 : i32
      %add3A_196 = vector.broadcast %add3A_195 : i32 to vector<8x512xi32>
      %add3A_197 = arith.addi %iota3A, %add3A_196 : vector<8x512xi32>
      %select_n3A_198 = arith.select %lt3A_192, %add3A_197, %select_n3A_190 : vector<8x512xi1>, vector<8x512xi32>
      %slice3A_199 = vector.extract_strided_slice %add3A_15 {offsets = [152, 0], sizes = [8, 512], strides = [1, 1]} : vector<512x512xf32> to vector<8x512xf32>
      %lt3A_200 = arith.cmpf olt, %slice3A_199, %select_n3A_193 : vector<8x512xf32>
      %select_n3A_201 = arith.select %lt3A_200, %slice3A_199, %select_n3A_193 : vector<8x512xi1>, vector<8x512xf32>
      %add3A_202 = arith.constant 152 : i32
      %add3A_203 = arith.addi %mul3A_52, %add3A_202 : i32
      %add3A_204 = vector.broadcast %add3A_203 : i32 to vector<8x512xi32>
      %add3A_205 = arith.addi %iota3A, %add3A_204 : vector<8x512xi32>
      %select_n3A_206 = arith.select %lt3A_200, %add3A_205, %select_n3A_198 : vector<8x512xi1>, vector<8x512xi32>
      %slice3A_207 = vector.extract_strided_slice %add3A_15 {offsets = [160, 0], sizes = [8, 512], strides = [1, 1]} : vector<512x512xf32> to vector<8x512xf32>
      %lt3A_208 = arith.cmpf olt, %slice3A_207, %select_n3A_201 : vector<8x512xf32>
      %select_n3A_209 = arith.select %lt3A_208, %slice3A_207, %select_n3A_201 : vector<8x512xi1>, vector<8x512xf32>
      %add3A_210 = arith.constant 160 : i32
      %add3A_211 = arith.addi %mul3A_52, %add3A_210 : i32
      %add3A_212 = vector.broadcast %add3A_211 : i32 to vector<8x512xi32>
      %add3A_213 = arith.addi %iota3A, %add3A_212 : vector<8x512xi32>
      %select_n3A_214 = arith.select %lt3A_208, %add3A_213, %select_n3A_206 : vector<8x512xi1>, vector<8x512xi32>
      %slice3A_215 = vector.extract_strided_slice %add3A_15 {offsets = [168, 0], sizes = [8, 512], strides = [1, 1]} : vector<512x512xf32> to vector<8x512xf32>
      %lt3A_216 = arith.cmpf olt, %slice3A_215, %select_n3A_209 : vector<8x512xf32>
      %select_n3A_217 = arith.select %lt3A_216, %slice3A_215, %select_n3A_209 : vector<8x512xi1>, vector<8x512xf32>
      %add3A_218 = arith.constant 168 : i32
      %add3A_219 = arith.addi %mul3A_52, %add3A_218 : i32
      %add3A_220 = vector.broadcast %add3A_219 : i32 to vector<8x512xi32>
      %add3A_221 = arith.addi %iota3A, %add3A_220 : vector<8x512xi32>
      %select_n3A_222 = arith.select %lt3A_216, %add3A_221, %select_n3A_214 : vector<8x512xi1>, vector<8x512xi32>
      %slice3A_223 = vector.extract_strided_slice %add3A_15 {offsets = [176, 0], sizes = [8, 512], strides = [1, 1]} : vector<512x512xf32> to vector<8x512xf32>
      %lt3A_224 = arith.cmpf olt, %slice3A_223, %select_n3A_217 : vector<8x512xf32>
      %select_n3A_225 = arith.select %lt3A_224, %slice3A_223, %select_n3A_217 : vector<8x512xi1>, vector<8x512xf32>
      %add3A_226 = arith.constant 176 : i32
      %add3A_227 = arith.addi %mul3A_52, %add3A_226 : i32
      %add3A_228 = vector.broadcast %add3A_227 : i32 to vector<8x512xi32>
      %add3A_229 = arith.addi %iota3A, %add3A_228 : vector<8x512xi32>
      %select_n3A_230 = arith.select %lt3A_224, %add3A_229, %select_n3A_222 : vector<8x512xi1>, vector<8x512xi32>
      %slice3A_231 = vector.extract_strided_slice %add3A_15 {offsets = [184, 0], sizes = [8, 512], strides = [1, 1]} : vector<512x512xf32> to vector<8x512xf32>
      %lt3A_232 = arith.cmpf olt, %slice3A_231, %select_n3A_225 : vector<8x512xf32>
      %select_n3A_233 = arith.select %lt3A_232, %slice3A_231, %select_n3A_225 : vector<8x512xi1>, vector<8x512xf32>
      %add3A_234 = arith.constant 184 : i32
      %add3A_235 = arith.addi %mul3A_52, %add3A_234 : i32
      %add3A_236 = vector.broadcast %add3A_235 : i32 to vector<8x512xi32>
      %add3A_237 = arith.addi %iota3A, %add3A_236 : vector<8x512xi32>
      %select_n3A_238 = arith.select %lt3A_232, %add3A_237, %select_n3A_230 : vector<8x512xi1>, vector<8x512xi32>
      %slice3A_239 = vector.extract_strided_slice %add3A_15 {offsets = [192, 0], sizes = [8, 512], strides = [1, 1]} : vector<512x512xf32> to vector<8x512xf32>
      %lt3A_240 = arith.cmpf olt, %slice3A_239, %select_n3A_233 : vector<8x512xf32>
      %select_n3A_241 = arith.select %lt3A_240, %slice3A_239, %select_n3A_233 : vector<8x512xi1>, vector<8x512xf32>
      %add3A_242 = arith.constant 192 : i32
      %add3A_243 = arith.addi %mul3A_52, %add3A_242 : i32
      %add3A_244 = vector.broadcast %add3A_243 : i32 to vector<8x512xi32>
      %add3A_245 = arith.addi %iota3A, %add3A_244 : vector<8x512xi32>
      %select_n3A_246 = arith.select %lt3A_240, %add3A_245, %select_n3A_238 : vector<8x512xi1>, vector<8x512xi32>
      %slice3A_247 = vector.extract_strided_slice %add3A_15 {offsets = [200, 0], sizes = [8, 512], strides = [1, 1]} : vector<512x512xf32> to vector<8x512xf32>
      %lt3A_248 = arith.cmpf olt, %slice3A_247, %select_n3A_241 : vector<8x512xf32>
      %select_n3A_249 = arith.select %lt3A_248, %slice3A_247, %select_n3A_241 : vector<8x512xi1>, vector<8x512xf32>
      %add3A_250 = arith.constant 200 : i32
      %add3A_251 = arith.addi %mul3A_52, %add3A_250 : i32
      %add3A_252 = vector.broadcast %add3A_251 : i32 to vector<8x512xi32>
      %add3A_253 = arith.addi %iota3A, %add3A_252 : vector<8x512xi32>
      %select_n3A_254 = arith.select %lt3A_248, %add3A_253, %select_n3A_246 : vector<8x512xi1>, vector<8x512xi32>
      %slice3A_255 = vector.extract_strided_slice %add3A_15 {offsets = [208, 0], sizes = [8, 512], strides = [1, 1]} : vector<512x512xf32> to vector<8x512xf32>
      %lt3A_256 = arith.cmpf olt, %slice3A_255, %select_n3A_249 : vector<8x512xf32>
      %select_n3A_257 = arith.select %lt3A_256, %slice3A_255, %select_n3A_249 : vector<8x512xi1>, vector<8x512xf32>
      %add3A_258 = arith.constant 208 : i32
      %add3A_259 = arith.addi %mul3A_52, %add3A_258 : i32
      %add3A_260 = vector.broadcast %add3A_259 : i32 to vector<8x512xi32>
      %add3A_261 = arith.addi %iota3A, %add3A_260 : vector<8x512xi32>
      %select_n3A_262 = arith.select %lt3A_256, %add3A_261, %select_n3A_254 : vector<8x512xi1>, vector<8x512xi32>
      %slice3A_263 = vector.extract_strided_slice %add3A_15 {offsets = [216, 0], sizes = [8, 512], strides = [1, 1]} : vector<512x512xf32> to vector<8x512xf32>
      %lt3A_264 = arith.cmpf olt, %slice3A_263, %select_n3A_257 : vector<8x512xf32>
      %select_n3A_265 = arith.select %lt3A_264, %slice3A_263, %select_n3A_257 : vector<8x512xi1>, vector<8x512xf32>
      %add3A_266 = arith.constant 216 : i32
      %add3A_267 = arith.addi %mul3A_52, %add3A_266 : i32
      %add3A_268 = vector.broadcast %add3A_267 : i32 to vector<8x512xi32>
      %add3A_269 = arith.addi %iota3A, %add3A_268 : vector<8x512xi32>
      %select_n3A_270 = arith.select %lt3A_264, %add3A_269, %select_n3A_262 : vector<8x512xi1>, vector<8x512xi32>
      %slice3A_271 = vector.extract_strided_slice %add3A_15 {offsets = [224, 0], sizes = [8, 512], strides = [1, 1]} : vector<512x512xf32> to vector<8x512xf32>
      %lt3A_272 = arith.cmpf olt, %slice3A_271, %select_n3A_265 : vector<8x512xf32>
      %select_n3A_273 = arith.select %lt3A_272, %slice3A_271, %select_n3A_265 : vector<8x512xi1>, vector<8x512xf32>
      %add3A_274 = arith.constant 224 : i32
      %add3A_275 = arith.addi %mul3A_52, %add3A_274 : i32
      %add3A_276 = vector.broadcast %add3A_275 : i32 to vector<8x512xi32>
      %add3A_277 = arith.addi %iota3A, %add3A_276 : vector<8x512xi32>
      %select_n3A_278 = arith.select %lt3A_272, %add3A_277, %select_n3A_270 : vector<8x512xi1>, vector<8x512xi32>
      %slice3A_279 = vector.extract_strided_slice %add3A_15 {offsets = [232, 0], sizes = [8, 512], strides = [1, 1]} : vector<512x512xf32> to vector<8x512xf32>
      %lt3A_280 = arith.cmpf olt, %slice3A_279, %select_n3A_273 : vector<8x512xf32>
      %select_n3A_281 = arith.select %lt3A_280, %slice3A_279, %select_n3A_273 : vector<8x512xi1>, vector<8x512xf32>
      %add3A_282 = arith.constant 232 : i32
      %add3A_283 = arith.addi %mul3A_52, %add3A_282 : i32
      %add3A_284 = vector.broadcast %add3A_283 : i32 to vector<8x512xi32>
      %add3A_285 = arith.addi %iota3A, %add3A_284 : vector<8x512xi32>
      %select_n3A_286 = arith.select %lt3A_280, %add3A_285, %select_n3A_278 : vector<8x512xi1>, vector<8x512xi32>
      %slice3A_287 = vector.extract_strided_slice %add3A_15 {offsets = [240, 0], sizes = [8, 512], strides = [1, 1]} : vector<512x512xf32> to vector<8x512xf32>
      %lt3A_288 = arith.cmpf olt, %slice3A_287, %select_n3A_281 : vector<8x512xf32>
      %select_n3A_289 = arith.select %lt3A_288, %slice3A_287, %select_n3A_281 : vector<8x512xi1>, vector<8x512xf32>
      %add3A_290 = arith.constant 240 : i32
      %add3A_291 = arith.addi %mul3A_52, %add3A_290 : i32
      %add3A_292 = vector.broadcast %add3A_291 : i32 to vector<8x512xi32>
      %add3A_293 = arith.addi %iota3A, %add3A_292 : vector<8x512xi32>
      %select_n3A_294 = arith.select %lt3A_288, %add3A_293, %select_n3A_286 : vector<8x512xi1>, vector<8x512xi32>
      %slice3A_295 = vector.extract_strided_slice %add3A_15 {offsets = [248, 0], sizes = [8, 512], strides = [1, 1]} : vector<512x512xf32> to vector<8x512xf32>
      %lt3A_296 = arith.cmpf olt, %slice3A_295, %select_n3A_289 : vector<8x512xf32>
      %select_n3A_297 = arith.select %lt3A_296, %slice3A_295, %select_n3A_289 : vector<8x512xi1>, vector<8x512xf32>
      %add3A_298 = arith.constant 248 : i32
      %add3A_299 = arith.addi %mul3A_52, %add3A_298 : i32
      %add3A_300 = vector.broadcast %add3A_299 : i32 to vector<8x512xi32>
      %add3A_301 = arith.addi %iota3A, %add3A_300 : vector<8x512xi32>
      %select_n3A_302 = arith.select %lt3A_296, %add3A_301, %select_n3A_294 : vector<8x512xi1>, vector<8x512xi32>
      %slice3A_303 = vector.extract_strided_slice %add3A_15 {offsets = [256, 0], sizes = [8, 512], strides = [1, 1]} : vector<512x512xf32> to vector<8x512xf32>
      %add3A_304 = arith.constant 256 : i32
      %add3A_305 = arith.addi %mul3A_52, %add3A_304 : i32
      %add3A_306 = vector.broadcast %add3A_305 : i32 to vector<8x512xi32>
      %add3A_307 = arith.addi %iota3A, %add3A_306 : vector<8x512xi32>
      %slice3A_308 = vector.extract_strided_slice %add3A_15 {offsets = [264, 0], sizes = [8, 512], strides = [1, 1]} : vector<512x512xf32> to vector<8x512xf32>
      %lt3A_309 = arith.cmpf olt, %slice3A_308, %slice3A_303 : vector<8x512xf32>
      %select_n3A_310 = arith.select %lt3A_309, %slice3A_308, %slice3A_303 : vector<8x512xi1>, vector<8x512xf32>
      %add3A_311 = arith.constant 264 : i32
      %add3A_312 = arith.addi %mul3A_52, %add3A_311 : i32
      %add3A_313 = vector.broadcast %add3A_312 : i32 to vector<8x512xi32>
      %add3A_314 = arith.addi %iota3A, %add3A_313 : vector<8x512xi32>
      %select_n3A_315 = arith.select %lt3A_309, %add3A_314, %add3A_307 : vector<8x512xi1>, vector<8x512xi32>
      %slice3A_316 = vector.extract_strided_slice %add3A_15 {offsets = [272, 0], sizes = [8, 512], strides = [1, 1]} : vector<512x512xf32> to vector<8x512xf32>
      %lt3A_317 = arith.cmpf olt, %slice3A_316, %select_n3A_310 : vector<8x512xf32>
      %select_n3A_318 = arith.select %lt3A_317, %slice3A_316, %select_n3A_310 : vector<8x512xi1>, vector<8x512xf32>
      %add3A_319 = arith.constant 272 : i32
      %add3A_320 = arith.addi %mul3A_52, %add3A_319 : i32
      %add3A_321 = vector.broadcast %add3A_320 : i32 to vector<8x512xi32>
      %add3A_322 = arith.addi %iota3A, %add3A_321 : vector<8x512xi32>
      %select_n3A_323 = arith.select %lt3A_317, %add3A_322, %select_n3A_315 : vector<8x512xi1>, vector<8x512xi32>
      %slice3A_324 = vector.extract_strided_slice %add3A_15 {offsets = [280, 0], sizes = [8, 512], strides = [1, 1]} : vector<512x512xf32> to vector<8x512xf32>
      %lt3A_325 = arith.cmpf olt, %slice3A_324, %select_n3A_318 : vector<8x512xf32>
      %select_n3A_326 = arith.select %lt3A_325, %slice3A_324, %select_n3A_318 : vector<8x512xi1>, vector<8x512xf32>
      %add3A_327 = arith.constant 280 : i32
      %add3A_328 = arith.addi %mul3A_52, %add3A_327 : i32
      %add3A_329 = vector.broadcast %add3A_328 : i32 to vector<8x512xi32>
      %add3A_330 = arith.addi %iota3A, %add3A_329 : vector<8x512xi32>
      %select_n3A_331 = arith.select %lt3A_325, %add3A_330, %select_n3A_323 : vector<8x512xi1>, vector<8x512xi32>
      %slice3A_332 = vector.extract_strided_slice %add3A_15 {offsets = [288, 0], sizes = [8, 512], strides = [1, 1]} : vector<512x512xf32> to vector<8x512xf32>
      %lt3A_333 = arith.cmpf olt, %slice3A_332, %select_n3A_326 : vector<8x512xf32>
      %select_n3A_334 = arith.select %lt3A_333, %slice3A_332, %select_n3A_326 : vector<8x512xi1>, vector<8x512xf32>
      %add3A_335 = arith.constant 288 : i32
      %add3A_336 = arith.addi %mul3A_52, %add3A_335 : i32
      %add3A_337 = vector.broadcast %add3A_336 : i32 to vector<8x512xi32>
      %add3A_338 = arith.addi %iota3A, %add3A_337 : vector<8x512xi32>
      %select_n3A_339 = arith.select %lt3A_333, %add3A_338, %select_n3A_331 : vector<8x512xi1>, vector<8x512xi32>
      %slice3A_340 = vector.extract_strided_slice %add3A_15 {offsets = [296, 0], sizes = [8, 512], strides = [1, 1]} : vector<512x512xf32> to vector<8x512xf32>
      %lt3A_341 = arith.cmpf olt, %slice3A_340, %select_n3A_334 : vector<8x512xf32>
      %select_n3A_342 = arith.select %lt3A_341, %slice3A_340, %select_n3A_334 : vector<8x512xi1>, vector<8x512xf32>
      %add3A_343 = arith.constant 296 : i32
      %add3A_344 = arith.addi %mul3A_52, %add3A_343 : i32
      %add3A_345 = vector.broadcast %add3A_344 : i32 to vector<8x512xi32>
      %add3A_346 = arith.addi %iota3A, %add3A_345 : vector<8x512xi32>
      %select_n3A_347 = arith.select %lt3A_341, %add3A_346, %select_n3A_339 : vector<8x512xi1>, vector<8x512xi32>
      %slice3A_348 = vector.extract_strided_slice %add3A_15 {offsets = [304, 0], sizes = [8, 512], strides = [1, 1]} : vector<512x512xf32> to vector<8x512xf32>
      %lt3A_349 = arith.cmpf olt, %slice3A_348, %select_n3A_342 : vector<8x512xf32>
      %select_n3A_350 = arith.select %lt3A_349, %slice3A_348, %select_n3A_342 : vector<8x512xi1>, vector<8x512xf32>
      %add3A_351 = arith.constant 304 : i32
      %add3A_352 = arith.addi %mul3A_52, %add3A_351 : i32
      %add3A_353 = vector.broadcast %add3A_352 : i32 to vector<8x512xi32>
      %add3A_354 = arith.addi %iota3A, %add3A_353 : vector<8x512xi32>
      %select_n3A_355 = arith.select %lt3A_349, %add3A_354, %select_n3A_347 : vector<8x512xi1>, vector<8x512xi32>
      %slice3A_356 = vector.extract_strided_slice %add3A_15 {offsets = [312, 0], sizes = [8, 512], strides = [1, 1]} : vector<512x512xf32> to vector<8x512xf32>
      %lt3A_357 = arith.cmpf olt, %slice3A_356, %select_n3A_350 : vector<8x512xf32>
      %select_n3A_358 = arith.select %lt3A_357, %slice3A_356, %select_n3A_350 : vector<8x512xi1>, vector<8x512xf32>
      %add3A_359 = arith.constant 312 : i32
      %add3A_360 = arith.addi %mul3A_52, %add3A_359 : i32
      %add3A_361 = vector.broadcast %add3A_360 : i32 to vector<8x512xi32>
      %add3A_362 = arith.addi %iota3A, %add3A_361 : vector<8x512xi32>
      %select_n3A_363 = arith.select %lt3A_357, %add3A_362, %select_n3A_355 : vector<8x512xi1>, vector<8x512xi32>
      %slice3A_364 = vector.extract_strided_slice %add3A_15 {offsets = [320, 0], sizes = [8, 512], strides = [1, 1]} : vector<512x512xf32> to vector<8x512xf32>
      %lt3A_365 = arith.cmpf olt, %slice3A_364, %select_n3A_358 : vector<8x512xf32>
      %select_n3A_366 = arith.select %lt3A_365, %slice3A_364, %select_n3A_358 : vector<8x512xi1>, vector<8x512xf32>
      %add3A_367 = arith.constant 320 : i32
      %add3A_368 = arith.addi %mul3A_52, %add3A_367 : i32
      %add3A_369 = vector.broadcast %add3A_368 : i32 to vector<8x512xi32>
      %add3A_370 = arith.addi %iota3A, %add3A_369 : vector<8x512xi32>
      %select_n3A_371 = arith.select %lt3A_365, %add3A_370, %select_n3A_363 : vector<8x512xi1>, vector<8x512xi32>
      %slice3A_372 = vector.extract_strided_slice %add3A_15 {offsets = [328, 0], sizes = [8, 512], strides = [1, 1]} : vector<512x512xf32> to vector<8x512xf32>
      %lt3A_373 = arith.cmpf olt, %slice3A_372, %select_n3A_366 : vector<8x512xf32>
      %select_n3A_374 = arith.select %lt3A_373, %slice3A_372, %select_n3A_366 : vector<8x512xi1>, vector<8x512xf32>
      %add3A_375 = arith.constant 328 : i32
      %add3A_376 = arith.addi %mul3A_52, %add3A_375 : i32
      %add3A_377 = vector.broadcast %add3A_376 : i32 to vector<8x512xi32>
      %add3A_378 = arith.addi %iota3A, %add3A_377 : vector<8x512xi32>
      %select_n3A_379 = arith.select %lt3A_373, %add3A_378, %select_n3A_371 : vector<8x512xi1>, vector<8x512xi32>
      %slice3A_380 = vector.extract_strided_slice %add3A_15 {offsets = [336, 0], sizes = [8, 512], strides = [1, 1]} : vector<512x512xf32> to vector<8x512xf32>
      %lt3A_381 = arith.cmpf olt, %slice3A_380, %select_n3A_374 : vector<8x512xf32>
      %select_n3A_382 = arith.select %lt3A_381, %slice3A_380, %select_n3A_374 : vector<8x512xi1>, vector<8x512xf32>
      %add3A_383 = arith.constant 336 : i32
      %add3A_384 = arith.addi %mul3A_52, %add3A_383 : i32
      %add3A_385 = vector.broadcast %add3A_384 : i32 to vector<8x512xi32>
      %add3A_386 = arith.addi %iota3A, %add3A_385 : vector<8x512xi32>
      %select_n3A_387 = arith.select %lt3A_381, %add3A_386, %select_n3A_379 : vector<8x512xi1>, vector<8x512xi32>
      %slice3A_388 = vector.extract_strided_slice %add3A_15 {offsets = [344, 0], sizes = [8, 512], strides = [1, 1]} : vector<512x512xf32> to vector<8x512xf32>
      %lt3A_389 = arith.cmpf olt, %slice3A_388, %select_n3A_382 : vector<8x512xf32>
      %select_n3A_390 = arith.select %lt3A_389, %slice3A_388, %select_n3A_382 : vector<8x512xi1>, vector<8x512xf32>
      %add3A_391 = arith.constant 344 : i32
      %add3A_392 = arith.addi %mul3A_52, %add3A_391 : i32
      %add3A_393 = vector.broadcast %add3A_392 : i32 to vector<8x512xi32>
      %add3A_394 = arith.addi %iota3A, %add3A_393 : vector<8x512xi32>
      %select_n3A_395 = arith.select %lt3A_389, %add3A_394, %select_n3A_387 : vector<8x512xi1>, vector<8x512xi32>
      %slice3A_396 = vector.extract_strided_slice %add3A_15 {offsets = [352, 0], sizes = [8, 512], strides = [1, 1]} : vector<512x512xf32> to vector<8x512xf32>
      %lt3A_397 = arith.cmpf olt, %slice3A_396, %select_n3A_390 : vector<8x512xf32>
      %select_n3A_398 = arith.select %lt3A_397, %slice3A_396, %select_n3A_390 : vector<8x512xi1>, vector<8x512xf32>
      %add3A_399 = arith.constant 352 : i32
      %add3A_400 = arith.addi %mul3A_52, %add3A_399 : i32
      %add3A_401 = vector.broadcast %add3A_400 : i32 to vector<8x512xi32>
      %add3A_402 = arith.addi %iota3A, %add3A_401 : vector<8x512xi32>
      %select_n3A_403 = arith.select %lt3A_397, %add3A_402, %select_n3A_395 : vector<8x512xi1>, vector<8x512xi32>
      %slice3A_404 = vector.extract_strided_slice %add3A_15 {offsets = [360, 0], sizes = [8, 512], strides = [1, 1]} : vector<512x512xf32> to vector<8x512xf32>
      %lt3A_405 = arith.cmpf olt, %slice3A_404, %select_n3A_398 : vector<8x512xf32>
      %select_n3A_406 = arith.select %lt3A_405, %slice3A_404, %select_n3A_398 : vector<8x512xi1>, vector<8x512xf32>
      %add3A_407 = arith.constant 360 : i32
      %add3A_408 = arith.addi %mul3A_52, %add3A_407 : i32
      %add3A_409 = vector.broadcast %add3A_408 : i32 to vector<8x512xi32>
      %add3A_410 = arith.addi %iota3A, %add3A_409 : vector<8x512xi32>
      %select_n3A_411 = arith.select %lt3A_405, %add3A_410, %select_n3A_403 : vector<8x512xi1>, vector<8x512xi32>
      %slice3A_412 = vector.extract_strided_slice %add3A_15 {offsets = [368, 0], sizes = [8, 512], strides = [1, 1]} : vector<512x512xf32> to vector<8x512xf32>
      %lt3A_413 = arith.cmpf olt, %slice3A_412, %select_n3A_406 : vector<8x512xf32>
      %select_n3A_414 = arith.select %lt3A_413, %slice3A_412, %select_n3A_406 : vector<8x512xi1>, vector<8x512xf32>
      %add3A_415 = arith.constant 368 : i32
      %add3A_416 = arith.addi %mul3A_52, %add3A_415 : i32
      %add3A_417 = vector.broadcast %add3A_416 : i32 to vector<8x512xi32>
      %add3A_418 = arith.addi %iota3A, %add3A_417 : vector<8x512xi32>
      %select_n3A_419 = arith.select %lt3A_413, %add3A_418, %select_n3A_411 : vector<8x512xi1>, vector<8x512xi32>
      %slice3A_420 = vector.extract_strided_slice %add3A_15 {offsets = [376, 0], sizes = [8, 512], strides = [1, 1]} : vector<512x512xf32> to vector<8x512xf32>
      %lt3A_421 = arith.cmpf olt, %slice3A_420, %select_n3A_414 : vector<8x512xf32>
      %select_n3A_422 = arith.select %lt3A_421, %slice3A_420, %select_n3A_414 : vector<8x512xi1>, vector<8x512xf32>
      %add3A_423 = arith.constant 376 : i32
      %add3A_424 = arith.addi %mul3A_52, %add3A_423 : i32
      %add3A_425 = vector.broadcast %add3A_424 : i32 to vector<8x512xi32>
      %add3A_426 = arith.addi %iota3A, %add3A_425 : vector<8x512xi32>
      %select_n3A_427 = arith.select %lt3A_421, %add3A_426, %select_n3A_419 : vector<8x512xi1>, vector<8x512xi32>
      %slice3A_428 = vector.extract_strided_slice %add3A_15 {offsets = [384, 0], sizes = [8, 512], strides = [1, 1]} : vector<512x512xf32> to vector<8x512xf32>
      %lt3A_429 = arith.cmpf olt, %slice3A_428, %select_n3A_422 : vector<8x512xf32>
      %select_n3A_430 = arith.select %lt3A_429, %slice3A_428, %select_n3A_422 : vector<8x512xi1>, vector<8x512xf32>
      %add3A_431 = arith.constant 384 : i32
      %add3A_432 = arith.addi %mul3A_52, %add3A_431 : i32
      %add3A_433 = vector.broadcast %add3A_432 : i32 to vector<8x512xi32>
      %add3A_434 = arith.addi %iota3A, %add3A_433 : vector<8x512xi32>
      %select_n3A_435 = arith.select %lt3A_429, %add3A_434, %select_n3A_427 : vector<8x512xi1>, vector<8x512xi32>
      %slice3A_436 = vector.extract_strided_slice %add3A_15 {offsets = [392, 0], sizes = [8, 512], strides = [1, 1]} : vector<512x512xf32> to vector<8x512xf32>
      %lt3A_437 = arith.cmpf olt, %slice3A_436, %select_n3A_430 : vector<8x512xf32>
      %select_n3A_438 = arith.select %lt3A_437, %slice3A_436, %select_n3A_430 : vector<8x512xi1>, vector<8x512xf32>
      %add3A_439 = arith.constant 392 : i32
      %add3A_440 = arith.addi %mul3A_52, %add3A_439 : i32
      %add3A_441 = vector.broadcast %add3A_440 : i32 to vector<8x512xi32>
      %add3A_442 = arith.addi %iota3A, %add3A_441 : vector<8x512xi32>
      %select_n3A_443 = arith.select %lt3A_437, %add3A_442, %select_n3A_435 : vector<8x512xi1>, vector<8x512xi32>
      %slice3A_444 = vector.extract_strided_slice %add3A_15 {offsets = [400, 0], sizes = [8, 512], strides = [1, 1]} : vector<512x512xf32> to vector<8x512xf32>
      %lt3A_445 = arith.cmpf olt, %slice3A_444, %select_n3A_438 : vector<8x512xf32>
      %select_n3A_446 = arith.select %lt3A_445, %slice3A_444, %select_n3A_438 : vector<8x512xi1>, vector<8x512xf32>
      %add3A_447 = arith.constant 400 : i32
      %add3A_448 = arith.addi %mul3A_52, %add3A_447 : i32
      %add3A_449 = vector.broadcast %add3A_448 : i32 to vector<8x512xi32>
      %add3A_450 = arith.addi %iota3A, %add3A_449 : vector<8x512xi32>
      %select_n3A_451 = arith.select %lt3A_445, %add3A_450, %select_n3A_443 : vector<8x512xi1>, vector<8x512xi32>
      %slice3A_452 = vector.extract_strided_slice %add3A_15 {offsets = [408, 0], sizes = [8, 512], strides = [1, 1]} : vector<512x512xf32> to vector<8x512xf32>
      %lt3A_453 = arith.cmpf olt, %slice3A_452, %select_n3A_446 : vector<8x512xf32>
      %select_n3A_454 = arith.select %lt3A_453, %slice3A_452, %select_n3A_446 : vector<8x512xi1>, vector<8x512xf32>
      %add3A_455 = arith.constant 408 : i32
      %add3A_456 = arith.addi %mul3A_52, %add3A_455 : i32
      %add3A_457 = vector.broadcast %add3A_456 : i32 to vector<8x512xi32>
      %add3A_458 = arith.addi %iota3A, %add3A_457 : vector<8x512xi32>
      %select_n3A_459 = arith.select %lt3A_453, %add3A_458, %select_n3A_451 : vector<8x512xi1>, vector<8x512xi32>
      %slice3A_460 = vector.extract_strided_slice %add3A_15 {offsets = [416, 0], sizes = [8, 512], strides = [1, 1]} : vector<512x512xf32> to vector<8x512xf32>
      %lt3A_461 = arith.cmpf olt, %slice3A_460, %select_n3A_454 : vector<8x512xf32>
      %select_n3A_462 = arith.select %lt3A_461, %slice3A_460, %select_n3A_454 : vector<8x512xi1>, vector<8x512xf32>
      %add3A_463 = arith.constant 416 : i32
      %add3A_464 = arith.addi %mul3A_52, %add3A_463 : i32
      %add3A_465 = vector.broadcast %add3A_464 : i32 to vector<8x512xi32>
      %add3A_466 = arith.addi %iota3A, %add3A_465 : vector<8x512xi32>
      %select_n3A_467 = arith.select %lt3A_461, %add3A_466, %select_n3A_459 : vector<8x512xi1>, vector<8x512xi32>
      %slice3A_468 = vector.extract_strided_slice %add3A_15 {offsets = [424, 0], sizes = [8, 512], strides = [1, 1]} : vector<512x512xf32> to vector<8x512xf32>
      %lt3A_469 = arith.cmpf olt, %slice3A_468, %select_n3A_462 : vector<8x512xf32>
      %select_n3A_470 = arith.select %lt3A_469, %slice3A_468, %select_n3A_462 : vector<8x512xi1>, vector<8x512xf32>
      %add3A_471 = arith.constant 424 : i32
      %add3A_472 = arith.addi %mul3A_52, %add3A_471 : i32
      %add3A_473 = vector.broadcast %add3A_472 : i32 to vector<8x512xi32>
      %add3A_474 = arith.addi %iota3A, %add3A_473 : vector<8x512xi32>
      %select_n3A_475 = arith.select %lt3A_469, %add3A_474, %select_n3A_467 : vector<8x512xi1>, vector<8x512xi32>
      %slice3A_476 = vector.extract_strided_slice %add3A_15 {offsets = [432, 0], sizes = [8, 512], strides = [1, 1]} : vector<512x512xf32> to vector<8x512xf32>
      %lt3A_477 = arith.cmpf olt, %slice3A_476, %select_n3A_470 : vector<8x512xf32>
      %select_n3A_478 = arith.select %lt3A_477, %slice3A_476, %select_n3A_470 : vector<8x512xi1>, vector<8x512xf32>
      %add3A_479 = arith.constant 432 : i32
      %add3A_480 = arith.addi %mul3A_52, %add3A_479 : i32
      %add3A_481 = vector.broadcast %add3A_480 : i32 to vector<8x512xi32>
      %add3A_482 = arith.addi %iota3A, %add3A_481 : vector<8x512xi32>
      %select_n3A_483 = arith.select %lt3A_477, %add3A_482, %select_n3A_475 : vector<8x512xi1>, vector<8x512xi32>
      %slice3A_484 = vector.extract_strided_slice %add3A_15 {offsets = [440, 0], sizes = [8, 512], strides = [1, 1]} : vector<512x512xf32> to vector<8x512xf32>
      %lt3A_485 = arith.cmpf olt, %slice3A_484, %select_n3A_478 : vector<8x512xf32>
      %select_n3A_486 = arith.select %lt3A_485, %slice3A_484, %select_n3A_478 : vector<8x512xi1>, vector<8x512xf32>
      %add3A_487 = arith.constant 440 : i32
      %add3A_488 = arith.addi %mul3A_52, %add3A_487 : i32
      %add3A_489 = vector.broadcast %add3A_488 : i32 to vector<8x512xi32>
      %add3A_490 = arith.addi %iota3A, %add3A_489 : vector<8x512xi32>
      %select_n3A_491 = arith.select %lt3A_485, %add3A_490, %select_n3A_483 : vector<8x512xi1>, vector<8x512xi32>
      %slice3A_492 = vector.extract_strided_slice %add3A_15 {offsets = [448, 0], sizes = [8, 512], strides = [1, 1]} : vector<512x512xf32> to vector<8x512xf32>
      %lt3A_493 = arith.cmpf olt, %slice3A_492, %select_n3A_486 : vector<8x512xf32>
      %select_n3A_494 = arith.select %lt3A_493, %slice3A_492, %select_n3A_486 : vector<8x512xi1>, vector<8x512xf32>
      %add3A_495 = arith.constant 448 : i32
      %add3A_496 = arith.addi %mul3A_52, %add3A_495 : i32
      %add3A_497 = vector.broadcast %add3A_496 : i32 to vector<8x512xi32>
      %add3A_498 = arith.addi %iota3A, %add3A_497 : vector<8x512xi32>
      %select_n3A_499 = arith.select %lt3A_493, %add3A_498, %select_n3A_491 : vector<8x512xi1>, vector<8x512xi32>
      %slice3A_500 = vector.extract_strided_slice %add3A_15 {offsets = [456, 0], sizes = [8, 512], strides = [1, 1]} : vector<512x512xf32> to vector<8x512xf32>
      %lt3A_501 = arith.cmpf olt, %slice3A_500, %select_n3A_494 : vector<8x512xf32>
      %select_n3A_502 = arith.select %lt3A_501, %slice3A_500, %select_n3A_494 : vector<8x512xi1>, vector<8x512xf32>
      %add3A_503 = arith.constant 456 : i32
      %add3A_504 = arith.addi %mul3A_52, %add3A_503 : i32
      %add3A_505 = vector.broadcast %add3A_504 : i32 to vector<8x512xi32>
      %add3A_506 = arith.addi %iota3A, %add3A_505 : vector<8x512xi32>
      %select_n3A_507 = arith.select %lt3A_501, %add3A_506, %select_n3A_499 : vector<8x512xi1>, vector<8x512xi32>
      %slice3A_508 = vector.extract_strided_slice %add3A_15 {offsets = [464, 0], sizes = [8, 512], strides = [1, 1]} : vector<512x512xf32> to vector<8x512xf32>
      %lt3A_509 = arith.cmpf olt, %slice3A_508, %select_n3A_502 : vector<8x512xf32>
      %select_n3A_510 = arith.select %lt3A_509, %slice3A_508, %select_n3A_502 : vector<8x512xi1>, vector<8x512xf32>
      %add3A_511 = arith.constant 464 : i32
      %add3A_512 = arith.addi %mul3A_52, %add3A_511 : i32
      %add3A_513 = vector.broadcast %add3A_512 : i32 to vector<8x512xi32>
      %add3A_514 = arith.addi %iota3A, %add3A_513 : vector<8x512xi32>
      %select_n3A_515 = arith.select %lt3A_509, %add3A_514, %select_n3A_507 : vector<8x512xi1>, vector<8x512xi32>
      %slice3A_516 = vector.extract_strided_slice %add3A_15 {offsets = [472, 0], sizes = [8, 512], strides = [1, 1]} : vector<512x512xf32> to vector<8x512xf32>
      %lt3A_517 = arith.cmpf olt, %slice3A_516, %select_n3A_510 : vector<8x512xf32>
      %select_n3A_518 = arith.select %lt3A_517, %slice3A_516, %select_n3A_510 : vector<8x512xi1>, vector<8x512xf32>
      %add3A_519 = arith.constant 472 : i32
      %add3A_520 = arith.addi %mul3A_52, %add3A_519 : i32
      %add3A_521 = vector.broadcast %add3A_520 : i32 to vector<8x512xi32>
      %add3A_522 = arith.addi %iota3A, %add3A_521 : vector<8x512xi32>
      %select_n3A_523 = arith.select %lt3A_517, %add3A_522, %select_n3A_515 : vector<8x512xi1>, vector<8x512xi32>
      %slice3A_524 = vector.extract_strided_slice %add3A_15 {offsets = [480, 0], sizes = [8, 512], strides = [1, 1]} : vector<512x512xf32> to vector<8x512xf32>
      %lt3A_525 = arith.cmpf olt, %slice3A_524, %select_n3A_518 : vector<8x512xf32>
      %select_n3A_526 = arith.select %lt3A_525, %slice3A_524, %select_n3A_518 : vector<8x512xi1>, vector<8x512xf32>
      %add3A_527 = arith.constant 480 : i32
      %add3A_528 = arith.addi %mul3A_52, %add3A_527 : i32
      %add3A_529 = vector.broadcast %add3A_528 : i32 to vector<8x512xi32>
      %add3A_530 = arith.addi %iota3A, %add3A_529 : vector<8x512xi32>
      %select_n3A_531 = arith.select %lt3A_525, %add3A_530, %select_n3A_523 : vector<8x512xi1>, vector<8x512xi32>
      %slice3A_532 = vector.extract_strided_slice %add3A_15 {offsets = [488, 0], sizes = [8, 512], strides = [1, 1]} : vector<512x512xf32> to vector<8x512xf32>
      %lt3A_533 = arith.cmpf olt, %slice3A_532, %select_n3A_526 : vector<8x512xf32>
      %select_n3A_534 = arith.select %lt3A_533, %slice3A_532, %select_n3A_526 : vector<8x512xi1>, vector<8x512xf32>
      %add3A_535 = arith.constant 488 : i32
      %add3A_536 = arith.addi %mul3A_52, %add3A_535 : i32
      %add3A_537 = vector.broadcast %add3A_536 : i32 to vector<8x512xi32>
      %add3A_538 = arith.addi %iota3A, %add3A_537 : vector<8x512xi32>
      %select_n3A_539 = arith.select %lt3A_533, %add3A_538, %select_n3A_531 : vector<8x512xi1>, vector<8x512xi32>
      %slice3A_540 = vector.extract_strided_slice %add3A_15 {offsets = [496, 0], sizes = [8, 512], strides = [1, 1]} : vector<512x512xf32> to vector<8x512xf32>
      %lt3A_541 = arith.cmpf olt, %slice3A_540, %select_n3A_534 : vector<8x512xf32>
      %select_n3A_542 = arith.select %lt3A_541, %slice3A_540, %select_n3A_534 : vector<8x512xi1>, vector<8x512xf32>
      %add3A_543 = arith.constant 496 : i32
      %add3A_544 = arith.addi %mul3A_52, %add3A_543 : i32
      %add3A_545 = vector.broadcast %add3A_544 : i32 to vector<8x512xi32>
      %add3A_546 = arith.addi %iota3A, %add3A_545 : vector<8x512xi32>
      %select_n3A_547 = arith.select %lt3A_541, %add3A_546, %select_n3A_539 : vector<8x512xi1>, vector<8x512xi32>
      %slice3A_548 = vector.extract_strided_slice %add3A_15 {offsets = [504, 0], sizes = [8, 512], strides = [1, 1]} : vector<512x512xf32> to vector<8x512xf32>
      %lt3A_549 = arith.cmpf olt, %slice3A_548, %select_n3A_542 : vector<8x512xf32>
      %select_n3A_550 = arith.select %lt3A_549, %slice3A_548, %select_n3A_542 : vector<8x512xi1>, vector<8x512xf32>
      %add3A_551 = arith.constant 504 : i32
      %add3A_552 = arith.addi %mul3A_52, %add3A_551 : i32
      %add3A_553 = vector.broadcast %add3A_552 : i32 to vector<8x512xi32>
      %add3A_554 = arith.addi %iota3A, %add3A_553 : vector<8x512xi32>
      %select_n3A_555 = arith.select %lt3A_549, %add3A_554, %select_n3A_547 : vector<8x512xi1>, vector<8x512xi32>
      %lt3A_556 = arith.cmpf olt, %select_n3A_550, %select_n3A_297 : vector<8x512xf32>
      %select_n3A_557 = arith.select %lt3A_556, %select_n3A_550, %select_n3A_297 : vector<8x512xi1>, vector<8x512xf32>
      %select_n3A_558 = arith.select %lt3A_556, %select_n3A_555, %select_n3A_302 : vector<8x512xi1>, vector<8x512xi32>
      %reduce_min3A = arith.constant dense<0x7F800000> : vector<512xf32>
      %reduce_min3A_559 = vector.multi_reduction <minimumf>, %select_n3A_557, %reduce_min3A [0] : vector<8x512xf32> to vector<512xf32>
      %broadcast_in_dim3A = vector.shape_cast %reduce_min3A_559 : vector<512xf32> to vector<1x512xf32>
      %eq3A_560 = vector.broadcast %broadcast_in_dim3A : vector<1x512xf32> to vector<8x512xf32>
      %eq3A_561 = arith.cmpf oeq, %select_n3A_557, %eq3A_560 : vector<8x512xf32>
      %broadcast_in_dim3A_562 = arith.constant 1073741824 : i32
      %broadcast_in_dim3A_563 = vector.broadcast %broadcast_in_dim3A_562 : i32 to vector<8x512xi32>
      %select_n3A_564 = arith.select %eq3A_561, %select_n3A_558, %broadcast_in_dim3A_563 : vector<8x512xi1>, vector<8x512xi32>
      %reduce_min3A_565 = arith.constant dense<2147483647> : vector<512xi32>
      %reduce_min3A_566 = vector.multi_reduction <minsi>, %select_n3A_564, %reduce_min3A_565 [0] : vector<8x512xi32> to vector<512xi32>
      %broadcast_in_dim3A_567 = vector.shape_cast %reduce_min3A_566 : vector<512xi32> to vector<1x512xi32>
      %get3A_568 = arith.constant 0 : index
      %get3A_569 = arith.index_cast %mul3A_17 : i32 to index
      %get3A_570 = vector.load %arg8[%get3A_568, %get3A_569] : memref<1x8192xf32, #tpu.memory_space<vmem>>, vector<1x512xf32>
      %get3A_571 = arith.constant 0 : index
      %get3A_572 = arith.index_cast %mul3A_17 : i32 to index
      %get3A_573 = vector.load %arg9[%get3A_571, %get3A_572] : memref<1x8192xi32, #tpu.memory_space<vmem>>, vector<1x512xi32>
      %lt3A_574 = arith.cmpf olt, %broadcast_in_dim3A, %get3A_570 : vector<1x512xf32>
      %select_n3A_575 = arith.select %lt3A_574, %broadcast_in_dim3A, %get3A_570 : vector<1x512xi1>, vector<1x512xf32>
      %swap3A = arith.constant 0 : index
      %swap3A_576 = arith.index_cast %mul3A_17 : i32 to index
      %swap3A_577 = vector.load %arg8[%swap3A, %swap3A_576] : memref<1x8192xf32, #tpu.memory_space<vmem>>, vector<1x512xf32>
      tpu.vector_store %arg8[%swap3A, %swap3A_576], %select_n3A_575 {strides = array<i32>} : memref<1x8192xf32, #tpu.memory_space<vmem>>, vector<1x512xf32>,
      %select_n3A_578 = arith.select %lt3A_574, %broadcast_in_dim3A_567, %get3A_573 : vector<1x512xi1>, vector<1x512xi32>
      %swap3A_579 = arith.constant 0 : index
      %swap3A_580 = arith.index_cast %mul3A_17 : i32 to index
      %swap3A_581 = vector.load %arg9[%swap3A_579, %swap3A_580] : memref<1x8192xi32, #tpu.memory_space<vmem>>, vector<1x512xi32>
      tpu.vector_store %arg9[%swap3A_579, %swap3A_580], %select_n3A_578 {strides = array<i32>} : memref<1x8192xi32, #tpu.memory_space<vmem>>, vector<1x512xi32>,
      %get3A_582 = arith.constant 0 : index
      %get3A_583 = arith.index_cast %mul3A_17 : i32 to index
      %get3A_584 = vector.load %arg10[%get3A_582, %get3A_583] : memref<1x8192xf32, #tpu.memory_space<vmem>>, vector<1x512xf32>
      %min3A = arith.minimumf %get3A_584, %broadcast_in_dim3A : vector<1x512xf32>
      %swap3A_585 = arith.constant 0 : index
      %swap3A_586 = arith.index_cast %mul3A_17 : i32 to index
      %swap3A_587 = vector.load %arg10[%swap3A_585, %swap3A_586] : memref<1x8192xf32, #tpu.memory_space<vmem>>, vector<1x512xf32>
      tpu.vector_store %arg10[%swap3A_585, %swap3A_586], %min3A {strides = array<i32>} : memref<1x8192xf32, #tpu.memory_space<vmem>>, vector<1x512xf32>,
    } else {
    }
    %eq3A_31 = arith.constant 3 : i32
    %eq3A_32 = arith.cmpi eq, %arg0, %eq3A_31 : i32
    %convert_element_type3A_33 = arith.extui %eq3A_32 : i1 to i32
    %cond3A_34 = arith.constant 0 : i32
    %cond3A_35 = arith.cmpi ne, %convert_element_type3A_33, %cond3A_34 : i32
    scf.if %cond3A_35 {
      %iota3A = tpu.iota {dimensions = array<i32: 0>} : vector<8x512xi32>
      %slice3A = vector.extract_strided_slice %add3A_15 {offsets = [0, 0], sizes = [8, 512], strides = [1, 1]} : vector<512x512xf32> to vector<8x512xf32>
      %add3A_51 = arith.constant 1536 : i32
      %add3A_52 = vector.broadcast %add3A_51 : i32 to vector<8x512xi32>
      %add3A_53 = arith.addi %iota3A, %add3A_52 : vector<8x512xi32>
      %slice3A_54 = vector.extract_strided_slice %add3A_15 {offsets = [8, 0], sizes = [8, 512], strides = [1, 1]} : vector<512x512xf32> to vector<8x512xf32>
      %lt3A = arith.cmpf olt, %slice3A_54, %slice3A : vector<8x512xf32>
      %select_n3A = arith.select %lt3A, %slice3A_54, %slice3A : vector<8x512xi1>, vector<8x512xf32>
      %add3A_55 = arith.constant 1544 : i32
      %add3A_56 = vector.broadcast %add3A_55 : i32 to vector<8x512xi32>
      %add3A_57 = arith.addi %iota3A, %add3A_56 : vector<8x512xi32>
      %select_n3A_58 = arith.select %lt3A, %add3A_57, %add3A_53 : vector<8x512xi1>, vector<8x512xi32>
      %slice3A_59 = vector.extract_strided_slice %add3A_15 {offsets = [16, 0], sizes = [8, 512], strides = [1, 1]} : vector<512x512xf32> to vector<8x512xf32>
      %lt3A_60 = arith.cmpf olt, %slice3A_59, %select_n3A : vector<8x512xf32>
      %select_n3A_61 = arith.select %lt3A_60, %slice3A_59, %select_n3A : vector<8x512xi1>, vector<8x512xf32>
      %add3A_62 = arith.constant 1552 : i32
      %add3A_63 = vector.broadcast %add3A_62 : i32 to vector<8x512xi32>
      %add3A_64 = arith.addi %iota3A, %add3A_63 : vector<8x512xi32>
      %select_n3A_65 = arith.select %lt3A_60, %add3A_64, %select_n3A_58 : vector<8x512xi1>, vector<8x512xi32>
      %slice3A_66 = vector.extract_strided_slice %add3A_15 {offsets = [24, 0], sizes = [8, 512], strides = [1, 1]} : vector<512x512xf32> to vector<8x512xf32>
      %lt3A_67 = arith.cmpf olt, %slice3A_66, %select_n3A_61 : vector<8x512xf32>
      %select_n3A_68 = arith.select %lt3A_67, %slice3A_66, %select_n3A_61 : vector<8x512xi1>, vector<8x512xf32>
      %add3A_69 = arith.constant 1560 : i32
      %add3A_70 = vector.broadcast %add3A_69 : i32 to vector<8x512xi32>
      %add3A_71 = arith.addi %iota3A, %add3A_70 : vector<8x512xi32>
      %select_n3A_72 = arith.select %lt3A_67, %add3A_71, %select_n3A_65 : vector<8x512xi1>, vector<8x512xi32>
      %slice3A_73 = vector.extract_strided_slice %add3A_15 {offsets = [32, 0], sizes = [8, 512], strides = [1, 1]} : vector<512x512xf32> to vector<8x512xf32>
      %lt3A_74 = arith.cmpf olt, %slice3A_73, %select_n3A_68 : vector<8x512xf32>
      %select_n3A_75 = arith.select %lt3A_74, %slice3A_73, %select_n3A_68 : vector<8x512xi1>, vector<8x512xf32>
      %add3A_76 = arith.constant 1568 : i32
      %add3A_77 = vector.broadcast %add3A_76 : i32 to vector<8x512xi32>
      %add3A_78 = arith.addi %iota3A, %add3A_77 : vector<8x512xi32>
      %select_n3A_79 = arith.select %lt3A_74, %add3A_78, %select_n3A_72 : vector<8x512xi1>, vector<8x512xi32>
      %slice3A_80 = vector.extract_strided_slice %add3A_15 {offsets = [40, 0], sizes = [8, 512], strides = [1, 1]} : vector<512x512xf32> to vector<8x512xf32>
      %lt3A_81 = arith.cmpf olt, %slice3A_80, %select_n3A_75 : vector<8x512xf32>
      %select_n3A_82 = arith.select %lt3A_81, %slice3A_80, %select_n3A_75 : vector<8x512xi1>, vector<8x512xf32>
      %add3A_83 = arith.constant 1576 : i32
      %add3A_84 = vector.broadcast %add3A_83 : i32 to vector<8x512xi32>
      %add3A_85 = arith.addi %iota3A, %add3A_84 : vector<8x512xi32>
      %select_n3A_86 = arith.select %lt3A_81, %add3A_85, %select_n3A_79 : vector<8x512xi1>, vector<8x512xi32>
      %slice3A_87 = vector.extract_strided_slice %add3A_15 {offsets = [48, 0], sizes = [8, 512], strides = [1, 1]} : vector<512x512xf32> to vector<8x512xf32>
      %lt3A_88 = arith.cmpf olt, %slice3A_87, %select_n3A_82 : vector<8x512xf32>
      %select_n3A_89 = arith.select %lt3A_88, %slice3A_87, %select_n3A_82 : vector<8x512xi1>, vector<8x512xf32>
      %add3A_90 = arith.constant 1584 : i32
      %add3A_91 = vector.broadcast %add3A_90 : i32 to vector<8x512xi32>
      %add3A_92 = arith.addi %iota3A, %add3A_91 : vector<8x512xi32>
      %select_n3A_93 = arith.select %lt3A_88, %add3A_92, %select_n3A_86 : vector<8x512xi1>, vector<8x512xi32>
      %slice3A_94 = vector.extract_strided_slice %add3A_15 {offsets = [56, 0], sizes = [8, 512], strides = [1, 1]} : vector<512x512xf32> to vector<8x512xf32>
      %lt3A_95 = arith.cmpf olt, %slice3A_94, %select_n3A_89 : vector<8x512xf32>
      %select_n3A_96 = arith.select %lt3A_95, %slice3A_94, %select_n3A_89 : vector<8x512xi1>, vector<8x512xf32>
      %add3A_97 = arith.constant 1592 : i32
      %add3A_98 = vector.broadcast %add3A_97 : i32 to vector<8x512xi32>
      %add3A_99 = arith.addi %iota3A, %add3A_98 : vector<8x512xi32>
      %select_n3A_100 = arith.select %lt3A_95, %add3A_99, %select_n3A_93 : vector<8x512xi1>, vector<8x512xi32>
      %slice3A_101 = vector.extract_strided_slice %add3A_15 {offsets = [64, 0], sizes = [8, 512], strides = [1, 1]} : vector<512x512xf32> to vector<8x512xf32>
      %lt3A_102 = arith.cmpf olt, %slice3A_101, %select_n3A_96 : vector<8x512xf32>
      %select_n3A_103 = arith.select %lt3A_102, %slice3A_101, %select_n3A_96 : vector<8x512xi1>, vector<8x512xf32>
      %add3A_104 = arith.constant 1600 : i32
      %add3A_105 = vector.broadcast %add3A_104 : i32 to vector<8x512xi32>
      %add3A_106 = arith.addi %iota3A, %add3A_105 : vector<8x512xi32>
      %select_n3A_107 = arith.select %lt3A_102, %add3A_106, %select_n3A_100 : vector<8x512xi1>, vector<8x512xi32>
      %slice3A_108 = vector.extract_strided_slice %add3A_15 {offsets = [72, 0], sizes = [8, 512], strides = [1, 1]} : vector<512x512xf32> to vector<8x512xf32>
      %lt3A_109 = arith.cmpf olt, %slice3A_108, %select_n3A_103 : vector<8x512xf32>
      %select_n3A_110 = arith.select %lt3A_109, %slice3A_108, %select_n3A_103 : vector<8x512xi1>, vector<8x512xf32>
      %add3A_111 = arith.constant 1608 : i32
      %add3A_112 = vector.broadcast %add3A_111 : i32 to vector<8x512xi32>
      %add3A_113 = arith.addi %iota3A, %add3A_112 : vector<8x512xi32>
      %select_n3A_114 = arith.select %lt3A_109, %add3A_113, %select_n3A_107 : vector<8x512xi1>, vector<8x512xi32>
      %slice3A_115 = vector.extract_strided_slice %add3A_15 {offsets = [80, 0], sizes = [8, 512], strides = [1, 1]} : vector<512x512xf32> to vector<8x512xf32>
      %lt3A_116 = arith.cmpf olt, %slice3A_115, %select_n3A_110 : vector<8x512xf32>
      %select_n3A_117 = arith.select %lt3A_116, %slice3A_115, %select_n3A_110 : vector<8x512xi1>, vector<8x512xf32>
      %add3A_118 = arith.constant 1616 : i32
      %add3A_119 = vector.broadcast %add3A_118 : i32 to vector<8x512xi32>
      %add3A_120 = arith.addi %iota3A, %add3A_119 : vector<8x512xi32>
      %select_n3A_121 = arith.select %lt3A_116, %add3A_120, %select_n3A_114 : vector<8x512xi1>, vector<8x512xi32>
      %slice3A_122 = vector.extract_strided_slice %add3A_15 {offsets = [88, 0], sizes = [8, 512], strides = [1, 1]} : vector<512x512xf32> to vector<8x512xf32>
      %lt3A_123 = arith.cmpf olt, %slice3A_122, %select_n3A_117 : vector<8x512xf32>
      %select_n3A_124 = arith.select %lt3A_123, %slice3A_122, %select_n3A_117 : vector<8x512xi1>, vector<8x512xf32>
      %add3A_125 = arith.constant 1624 : i32
      %add3A_126 = vector.broadcast %add3A_125 : i32 to vector<8x512xi32>
      %add3A_127 = arith.addi %iota3A, %add3A_126 : vector<8x512xi32>
      %select_n3A_128 = arith.select %lt3A_123, %add3A_127, %select_n3A_121 : vector<8x512xi1>, vector<8x512xi32>
      %slice3A_129 = vector.extract_strided_slice %add3A_15 {offsets = [96, 0], sizes = [8, 512], strides = [1, 1]} : vector<512x512xf32> to vector<8x512xf32>
      %lt3A_130 = arith.cmpf olt, %slice3A_129, %select_n3A_124 : vector<8x512xf32>
      %select_n3A_131 = arith.select %lt3A_130, %slice3A_129, %select_n3A_124 : vector<8x512xi1>, vector<8x512xf32>
      %add3A_132 = arith.constant 1632 : i32
      %add3A_133 = vector.broadcast %add3A_132 : i32 to vector<8x512xi32>
      %add3A_134 = arith.addi %iota3A, %add3A_133 : vector<8x512xi32>
      %select_n3A_135 = arith.select %lt3A_130, %add3A_134, %select_n3A_128 : vector<8x512xi1>, vector<8x512xi32>
      %slice3A_136 = vector.extract_strided_slice %add3A_15 {offsets = [104, 0], sizes = [8, 512], strides = [1, 1]} : vector<512x512xf32> to vector<8x512xf32>
      %lt3A_137 = arith.cmpf olt, %slice3A_136, %select_n3A_131 : vector<8x512xf32>
      %select_n3A_138 = arith.select %lt3A_137, %slice3A_136, %select_n3A_131 : vector<8x512xi1>, vector<8x512xf32>
      %add3A_139 = arith.constant 1640 : i32
      %add3A_140 = vector.broadcast %add3A_139 : i32 to vector<8x512xi32>
      %add3A_141 = arith.addi %iota3A, %add3A_140 : vector<8x512xi32>
      %select_n3A_142 = arith.select %lt3A_137, %add3A_141, %select_n3A_135 : vector<8x512xi1>, vector<8x512xi32>
      %slice3A_143 = vector.extract_strided_slice %add3A_15 {offsets = [112, 0], sizes = [8, 512], strides = [1, 1]} : vector<512x512xf32> to vector<8x512xf32>
      %lt3A_144 = arith.cmpf olt, %slice3A_143, %select_n3A_138 : vector<8x512xf32>
      %select_n3A_145 = arith.select %lt3A_144, %slice3A_143, %select_n3A_138 : vector<8x512xi1>, vector<8x512xf32>
      %add3A_146 = arith.constant 1648 : i32
      %add3A_147 = vector.broadcast %add3A_146 : i32 to vector<8x512xi32>
      %add3A_148 = arith.addi %iota3A, %add3A_147 : vector<8x512xi32>
      %select_n3A_149 = arith.select %lt3A_144, %add3A_148, %select_n3A_142 : vector<8x512xi1>, vector<8x512xi32>
      %slice3A_150 = vector.extract_strided_slice %add3A_15 {offsets = [120, 0], sizes = [8, 512], strides = [1, 1]} : vector<512x512xf32> to vector<8x512xf32>
      %lt3A_151 = arith.cmpf olt, %slice3A_150, %select_n3A_145 : vector<8x512xf32>
      %select_n3A_152 = arith.select %lt3A_151, %slice3A_150, %select_n3A_145 : vector<8x512xi1>, vector<8x512xf32>
      %add3A_153 = arith.constant 1656 : i32
      %add3A_154 = vector.broadcast %add3A_153 : i32 to vector<8x512xi32>
      %add3A_155 = arith.addi %iota3A, %add3A_154 : vector<8x512xi32>
      %select_n3A_156 = arith.select %lt3A_151, %add3A_155, %select_n3A_149 : vector<8x512xi1>, vector<8x512xi32>
      %slice3A_157 = vector.extract_strided_slice %add3A_15 {offsets = [128, 0], sizes = [8, 512], strides = [1, 1]} : vector<512x512xf32> to vector<8x512xf32>
      %lt3A_158 = arith.cmpf olt, %slice3A_157, %select_n3A_152 : vector<8x512xf32>
      %select_n3A_159 = arith.select %lt3A_158, %slice3A_157, %select_n3A_152 : vector<8x512xi1>, vector<8x512xf32>
      %add3A_160 = arith.constant 1664 : i32
      %add3A_161 = vector.broadcast %add3A_160 : i32 to vector<8x512xi32>
      %add3A_162 = arith.addi %iota3A, %add3A_161 : vector<8x512xi32>
      %select_n3A_163 = arith.select %lt3A_158, %add3A_162, %select_n3A_156 : vector<8x512xi1>, vector<8x512xi32>
      %slice3A_164 = vector.extract_strided_slice %add3A_15 {offsets = [136, 0], sizes = [8, 512], strides = [1, 1]} : vector<512x512xf32> to vector<8x512xf32>
      %lt3A_165 = arith.cmpf olt, %slice3A_164, %select_n3A_159 : vector<8x512xf32>
      %select_n3A_166 = arith.select %lt3A_165, %slice3A_164, %select_n3A_159 : vector<8x512xi1>, vector<8x512xf32>
      %add3A_167 = arith.constant 1672 : i32
      %add3A_168 = vector.broadcast %add3A_167 : i32 to vector<8x512xi32>
      %add3A_169 = arith.addi %iota3A, %add3A_168 : vector<8x512xi32>
      %select_n3A_170 = arith.select %lt3A_165, %add3A_169, %select_n3A_163 : vector<8x512xi1>, vector<8x512xi32>
      %slice3A_171 = vector.extract_strided_slice %add3A_15 {offsets = [144, 0], sizes = [8, 512], strides = [1, 1]} : vector<512x512xf32> to vector<8x512xf32>
      %lt3A_172 = arith.cmpf olt, %slice3A_171, %select_n3A_166 : vector<8x512xf32>
      %select_n3A_173 = arith.select %lt3A_172, %slice3A_171, %select_n3A_166 : vector<8x512xi1>, vector<8x512xf32>
      %add3A_174 = arith.constant 1680 : i32
      %add3A_175 = vector.broadcast %add3A_174 : i32 to vector<8x512xi32>
      %add3A_176 = arith.addi %iota3A, %add3A_175 : vector<8x512xi32>
      %select_n3A_177 = arith.select %lt3A_172, %add3A_176, %select_n3A_170 : vector<8x512xi1>, vector<8x512xi32>
      %slice3A_178 = vector.extract_strided_slice %add3A_15 {offsets = [152, 0], sizes = [8, 512], strides = [1, 1]} : vector<512x512xf32> to vector<8x512xf32>
      %lt3A_179 = arith.cmpf olt, %slice3A_178, %select_n3A_173 : vector<8x512xf32>
      %select_n3A_180 = arith.select %lt3A_179, %slice3A_178, %select_n3A_173 : vector<8x512xi1>, vector<8x512xf32>
      %add3A_181 = arith.constant 1688 : i32
      %add3A_182 = vector.broadcast %add3A_181 : i32 to vector<8x512xi32>
      %add3A_183 = arith.addi %iota3A, %add3A_182 : vector<8x512xi32>
      %select_n3A_184 = arith.select %lt3A_179, %add3A_183, %select_n3A_177 : vector<8x512xi1>, vector<8x512xi32>
      %slice3A_185 = vector.extract_strided_slice %add3A_15 {offsets = [160, 0], sizes = [8, 512], strides = [1, 1]} : vector<512x512xf32> to vector<8x512xf32>
      %lt3A_186 = arith.cmpf olt, %slice3A_185, %select_n3A_180 : vector<8x512xf32>
      %select_n3A_187 = arith.select %lt3A_186, %slice3A_185, %select_n3A_180 : vector<8x512xi1>, vector<8x512xf32>
      %add3A_188 = arith.constant 1696 : i32
      %add3A_189 = vector.broadcast %add3A_188 : i32 to vector<8x512xi32>
      %add3A_190 = arith.addi %iota3A, %add3A_189 : vector<8x512xi32>
      %select_n3A_191 = arith.select %lt3A_186, %add3A_190, %select_n3A_184 : vector<8x512xi1>, vector<8x512xi32>
      %slice3A_192 = vector.extract_strided_slice %add3A_15 {offsets = [168, 0], sizes = [8, 512], strides = [1, 1]} : vector<512x512xf32> to vector<8x512xf32>
      %lt3A_193 = arith.cmpf olt, %slice3A_192, %select_n3A_187 : vector<8x512xf32>
      %select_n3A_194 = arith.select %lt3A_193, %slice3A_192, %select_n3A_187 : vector<8x512xi1>, vector<8x512xf32>
      %add3A_195 = arith.constant 1704 : i32
      %add3A_196 = vector.broadcast %add3A_195 : i32 to vector<8x512xi32>
      %add3A_197 = arith.addi %iota3A, %add3A_196 : vector<8x512xi32>
      %select_n3A_198 = arith.select %lt3A_193, %add3A_197, %select_n3A_191 : vector<8x512xi1>, vector<8x512xi32>
      %slice3A_199 = vector.extract_strided_slice %add3A_15 {offsets = [176, 0], sizes = [8, 512], strides = [1, 1]} : vector<512x512xf32> to vector<8x512xf32>
      %lt3A_200 = arith.cmpf olt, %slice3A_199, %select_n3A_194 : vector<8x512xf32>
      %select_n3A_201 = arith.select %lt3A_200, %slice3A_199, %select_n3A_194 : vector<8x512xi1>, vector<8x512xf32>
      %add3A_202 = arith.constant 1712 : i32
      %add3A_203 = vector.broadcast %add3A_202 : i32 to vector<8x512xi32>
      %add3A_204 = arith.addi %iota3A, %add3A_203 : vector<8x512xi32>
      %select_n3A_205 = arith.select %lt3A_200, %add3A_204, %select_n3A_198 : vector<8x512xi1>, vector<8x512xi32>
      %slice3A_206 = vector.extract_strided_slice %add3A_15 {offsets = [184, 0], sizes = [8, 512], strides = [1, 1]} : vector<512x512xf32> to vector<8x512xf32>
      %lt3A_207 = arith.cmpf olt, %slice3A_206, %select_n3A_201 : vector<8x512xf32>
      %select_n3A_208 = arith.select %lt3A_207, %slice3A_206, %select_n3A_201 : vector<8x512xi1>, vector<8x512xf32>
      %add3A_209 = arith.constant 1720 : i32
      %add3A_210 = vector.broadcast %add3A_209 : i32 to vector<8x512xi32>
      %add3A_211 = arith.addi %iota3A, %add3A_210 : vector<8x512xi32>
      %select_n3A_212 = arith.select %lt3A_207, %add3A_211, %select_n3A_205 : vector<8x512xi1>, vector<8x512xi32>
      %reduce_min3A = arith.constant dense<0x7F800000> : vector<512xf32>
      %reduce_min3A_213 = vector.multi_reduction <minimumf>, %select_n3A_208, %reduce_min3A [0] : vector<8x512xf32> to vector<512xf32>
      %broadcast_in_dim3A = vector.shape_cast %reduce_min3A_213 : vector<512xf32> to vector<1x512xf32>
      %eq3A_214 = vector.broadcast %broadcast_in_dim3A : vector<1x512xf32> to vector<8x512xf32>
      %eq3A_215 = arith.cmpf oeq, %select_n3A_208, %eq3A_214 : vector<8x512xf32>
      %broadcast_in_dim3A_216 = arith.constant 1073741824 : i32
      %broadcast_in_dim3A_217 = vector.broadcast %broadcast_in_dim3A_216 : i32 to vector<8x512xi32>
      %select_n3A_218 = arith.select %eq3A_215, %select_n3A_212, %broadcast_in_dim3A_217 : vector<8x512xi1>, vector<8x512xi32>
      %reduce_min3A_219 = arith.constant dense<2147483647> : vector<512xi32>
      %reduce_min3A_220 = vector.multi_reduction <minsi>, %select_n3A_218, %reduce_min3A_219 [0] : vector<8x512xi32> to vector<512xi32>
      %broadcast_in_dim3A_221 = vector.shape_cast %reduce_min3A_220 : vector<512xi32> to vector<1x512xi32>
      %get3A_222 = arith.constant 0 : index
      %get3A_223 = arith.index_cast %mul3A_17 : i32 to index
      %get3A_224 = vector.load %arg8[%get3A_222, %get3A_223] : memref<1x8192xf32, #tpu.memory_space<vmem>>, vector<1x512xf32>
      %get3A_225 = arith.constant 0 : index
      %get3A_226 = arith.index_cast %mul3A_17 : i32 to index
      %get3A_227 = vector.load %arg9[%get3A_225, %get3A_226] : memref<1x8192xi32, #tpu.memory_space<vmem>>, vector<1x512xi32>
      %lt3A_228 = arith.cmpf olt, %broadcast_in_dim3A, %get3A_224 : vector<1x512xf32>
      %select_n3A_229 = arith.select %lt3A_228, %broadcast_in_dim3A, %get3A_224 : vector<1x512xi1>, vector<1x512xf32>
      %swap3A = arith.constant 0 : index
      %swap3A_230 = arith.index_cast %mul3A_17 : i32 to index
      %swap3A_231 = vector.load %arg8[%swap3A, %swap3A_230] : memref<1x8192xf32, #tpu.memory_space<vmem>>, vector<1x512xf32>
      tpu.vector_store %arg8[%swap3A, %swap3A_230], %select_n3A_229 {strides = array<i32>} : memref<1x8192xf32, #tpu.memory_space<vmem>>, vector<1x512xf32>,
      %select_n3A_232 = arith.select %lt3A_228, %broadcast_in_dim3A_221, %get3A_227 : vector<1x512xi1>, vector<1x512xi32>
      %swap3A_233 = arith.constant 0 : index
      %swap3A_234 = arith.index_cast %mul3A_17 : i32 to index
      %swap3A_235 = vector.load %arg9[%swap3A_233, %swap3A_234] : memref<1x8192xi32, #tpu.memory_space<vmem>>, vector<1x512xi32>
      tpu.vector_store %arg9[%swap3A_233, %swap3A_234], %select_n3A_232 {strides = array<i32>} : memref<1x8192xi32, #tpu.memory_space<vmem>>, vector<1x512xi32>,
      %get3A_236 = arith.constant 0 : index
      %get3A_237 = arith.index_cast %mul3A_17 : i32 to index
      %get3A_238 = vector.load %arg10[%get3A_236, %get3A_237] : memref<1x8192xf32, #tpu.memory_space<vmem>>, vector<1x512xf32>
      %min3A = arith.minimumf %get3A_238, %broadcast_in_dim3A : vector<1x512xf32>
      %swap3A_239 = arith.constant 0 : index
      %swap3A_240 = arith.index_cast %mul3A_17 : i32 to index
      %swap3A_241 = vector.load %arg10[%swap3A_239, %swap3A_240] : memref<1x8192xf32, #tpu.memory_space<vmem>>, vector<1x512xf32>
      tpu.vector_store %arg10[%swap3A_239, %swap3A_240], %min3A {strides = array<i32>} : memref<1x8192xf32, #tpu.memory_space<vmem>>, vector<1x512xf32>,
      %get3A_242 = arith.constant 0 : index
      %get3A_243 = arith.index_cast %mul3A_17 : i32 to index
      %get3A_244 = vector.load %arg8[%get3A_242, %get3A_243] : memref<1x8192xf32, #tpu.memory_space<vmem>>, vector<1x512xf32>
      %convert_element_type3A_245 = arith.truncf %get3A_244 : vector<1x512xf32> to vector<1x512xbf16>
      %convert_element_type3A_246 = arith.extf %convert_element_type3A_245 : vector<1x512xbf16> to vector<1x512xf32>
      %swap3A_247 = arith.constant 0 : index
      %swap3A_248 = arith.index_cast %mul3A_17 : i32 to index
      %swap3A_249 = vector.load %arg8[%swap3A_247, %swap3A_248] : memref<1x8192xf32, #tpu.memory_space<vmem>>, vector<1x512xf32>
      tpu.vector_store %arg8[%swap3A_247, %swap3A_248], %convert_element_type3A_246 {strides = array<i32>} : memref<1x8192xf32, #tpu.memory_space<vmem>>, vector<1x512xf32>,
      %iota3A_250 = tpu.iota {dimensions = array<i32: 0>} : vector<8x512xi32>
      %slice3A_251 = vector.extract_strided_slice %add3A_15 {offsets = [192, 0], sizes = [8, 512], strides = [1, 1]} : vector<512x512xf32> to vector<8x512xf32>
      %add3A_252 = arith.constant 1728 : i32
      %add3A_253 = vector.broadcast %add3A_252 : i32 to vector<8x512xi32>
      %add3A_254 = arith.addi %iota3A_250, %add3A_253 : vector<8x512xi32>
      %slice3A_255 = vector.extract_strided_slice %add3A_15 {offsets = [200, 0], sizes = [8, 512], strides = [1, 1]} : vector<512x512xf32> to vector<8x512xf32>
      %lt3A_256 = arith.cmpf olt, %slice3A_255, %slice3A_251 : vector<8x512xf32>
      %select_n3A_257 = arith.select %lt3A_256, %slice3A_255, %slice3A_251 : vector<8x512xi1>, vector<8x512xf32>
      %add3A_258 = arith.constant 1736 : i32
      %add3A_259 = vector.broadcast %add3A_258 : i32 to vector<8x512xi32>
      %add3A_260 = arith.addi %iota3A_250, %add3A_259 : vector<8x512xi32>
      %select_n3A_261 = arith.select %lt3A_256, %add3A_260, %add3A_254 : vector<8x512xi1>, vector<8x512xi32>
      %slice3A_262 = vector.extract_strided_slice %add3A_15 {offsets = [208, 0], sizes = [8, 512], strides = [1, 1]} : vector<512x512xf32> to vector<8x512xf32>
      %lt3A_263 = arith.cmpf olt, %slice3A_262, %select_n3A_257 : vector<8x512xf32>
      %select_n3A_264 = arith.select %lt3A_263, %slice3A_262, %select_n3A_257 : vector<8x512xi1>, vector<8x512xf32>
      %add3A_265 = arith.constant 1744 : i32
      %add3A_266 = vector.broadcast %add3A_265 : i32 to vector<8x512xi32>
      %add3A_267 = arith.addi %iota3A_250, %add3A_266 : vector<8x512xi32>
      %select_n3A_268 = arith.select %lt3A_263, %add3A_267, %select_n3A_261 : vector<8x512xi1>, vector<8x512xi32>
      %slice3A_269 = vector.extract_strided_slice %add3A_15 {offsets = [216, 0], sizes = [8, 512], strides = [1, 1]} : vector<512x512xf32> to vector<8x512xf32>
      %lt3A_270 = arith.cmpf olt, %slice3A_269, %select_n3A_264 : vector<8x512xf32>
      %select_n3A_271 = arith.select %lt3A_270, %slice3A_269, %select_n3A_264 : vector<8x512xi1>, vector<8x512xf32>
      %add3A_272 = arith.constant 1752 : i32
      %add3A_273 = vector.broadcast %add3A_272 : i32 to vector<8x512xi32>
      %add3A_274 = arith.addi %iota3A_250, %add3A_273 : vector<8x512xi32>
      %select_n3A_275 = arith.select %lt3A_270, %add3A_274, %select_n3A_268 : vector<8x512xi1>, vector<8x512xi32>
      %slice3A_276 = vector.extract_strided_slice %add3A_15 {offsets = [224, 0], sizes = [8, 512], strides = [1, 1]} : vector<512x512xf32> to vector<8x512xf32>
      %lt3A_277 = arith.cmpf olt, %slice3A_276, %select_n3A_271 : vector<8x512xf32>
      %select_n3A_278 = arith.select %lt3A_277, %slice3A_276, %select_n3A_271 : vector<8x512xi1>, vector<8x512xf32>
      %add3A_279 = arith.constant 1760 : i32
      %add3A_280 = vector.broadcast %add3A_279 : i32 to vector<8x512xi32>
      %add3A_281 = arith.addi %iota3A_250, %add3A_280 : vector<8x512xi32>
      %select_n3A_282 = arith.select %lt3A_277, %add3A_281, %select_n3A_275 : vector<8x512xi1>, vector<8x512xi32>
      %slice3A_283 = vector.extract_strided_slice %add3A_15 {offsets = [232, 0], sizes = [8, 512], strides = [1, 1]} : vector<512x512xf32> to vector<8x512xf32>
      %lt3A_284 = arith.cmpf olt, %slice3A_283, %select_n3A_278 : vector<8x512xf32>
      %select_n3A_285 = arith.select %lt3A_284, %slice3A_283, %select_n3A_278 : vector<8x512xi1>, vector<8x512xf32>
      %add3A_286 = arith.constant 1768 : i32
      %add3A_287 = vector.broadcast %add3A_286 : i32 to vector<8x512xi32>
      %add3A_288 = arith.addi %iota3A_250, %add3A_287 : vector<8x512xi32>
      %select_n3A_289 = arith.select %lt3A_284, %add3A_288, %select_n3A_282 : vector<8x512xi1>, vector<8x512xi32>
      %slice3A_290 = vector.extract_strided_slice %add3A_15 {offsets = [240, 0], sizes = [8, 512], strides = [1, 1]} : vector<512x512xf32> to vector<8x512xf32>
      %lt3A_291 = arith.cmpf olt, %slice3A_290, %select_n3A_285 : vector<8x512xf32>
      %select_n3A_292 = arith.select %lt3A_291, %slice3A_290, %select_n3A_285 : vector<8x512xi1>, vector<8x512xf32>
      %add3A_293 = arith.constant 1776 : i32
      %add3A_294 = vector.broadcast %add3A_293 : i32 to vector<8x512xi32>
      %add3A_295 = arith.addi %iota3A_250, %add3A_294 : vector<8x512xi32>
      %select_n3A_296 = arith.select %lt3A_291, %add3A_295, %select_n3A_289 : vector<8x512xi1>, vector<8x512xi32>
      %slice3A_297 = vector.extract_strided_slice %add3A_15 {offsets = [248, 0], sizes = [8, 512], strides = [1, 1]} : vector<512x512xf32> to vector<8x512xf32>
      %lt3A_298 = arith.cmpf olt, %slice3A_297, %select_n3A_292 : vector<8x512xf32>
      %select_n3A_299 = arith.select %lt3A_298, %slice3A_297, %select_n3A_292 : vector<8x512xi1>, vector<8x512xf32>
      %add3A_300 = arith.constant 1784 : i32
      %add3A_301 = vector.broadcast %add3A_300 : i32 to vector<8x512xi32>
      %add3A_302 = arith.addi %iota3A_250, %add3A_301 : vector<8x512xi32>
      %select_n3A_303 = arith.select %lt3A_298, %add3A_302, %select_n3A_296 : vector<8x512xi1>, vector<8x512xi32>
      %slice3A_304 = vector.extract_strided_slice %add3A_15 {offsets = [256, 0], sizes = [8, 512], strides = [1, 1]} : vector<512x512xf32> to vector<8x512xf32>
      %lt3A_305 = arith.cmpf olt, %slice3A_304, %select_n3A_299 : vector<8x512xf32>
      %select_n3A_306 = arith.select %lt3A_305, %slice3A_304, %select_n3A_299 : vector<8x512xi1>, vector<8x512xf32>
      %add3A_307 = arith.constant 1792 : i32
      %add3A_308 = vector.broadcast %add3A_307 : i32 to vector<8x512xi32>
      %add3A_309 = arith.addi %iota3A_250, %add3A_308 : vector<8x512xi32>
      %select_n3A_310 = arith.select %lt3A_305, %add3A_309, %select_n3A_303 : vector<8x512xi1>, vector<8x512xi32>
      %slice3A_311 = vector.extract_strided_slice %add3A_15 {offsets = [264, 0], sizes = [8, 512], strides = [1, 1]} : vector<512x512xf32> to vector<8x512xf32>
      %lt3A_312 = arith.cmpf olt, %slice3A_311, %select_n3A_306 : vector<8x512xf32>
      %select_n3A_313 = arith.select %lt3A_312, %slice3A_311, %select_n3A_306 : vector<8x512xi1>, vector<8x512xf32>
      %add3A_314 = arith.constant 1800 : i32
      %add3A_315 = vector.broadcast %add3A_314 : i32 to vector<8x512xi32>
      %add3A_316 = arith.addi %iota3A_250, %add3A_315 : vector<8x512xi32>
      %select_n3A_317 = arith.select %lt3A_312, %add3A_316, %select_n3A_310 : vector<8x512xi1>, vector<8x512xi32>
      %slice3A_318 = vector.extract_strided_slice %add3A_15 {offsets = [272, 0], sizes = [8, 512], strides = [1, 1]} : vector<512x512xf32> to vector<8x512xf32>
      %lt3A_319 = arith.cmpf olt, %slice3A_318, %select_n3A_313 : vector<8x512xf32>
      %select_n3A_320 = arith.select %lt3A_319, %slice3A_318, %select_n3A_313 : vector<8x512xi1>, vector<8x512xf32>
      %add3A_321 = arith.constant 1808 : i32
      %add3A_322 = vector.broadcast %add3A_321 : i32 to vector<8x512xi32>
      %add3A_323 = arith.addi %iota3A_250, %add3A_322 : vector<8x512xi32>
      %select_n3A_324 = arith.select %lt3A_319, %add3A_323, %select_n3A_317 : vector<8x512xi1>, vector<8x512xi32>
      %slice3A_325 = vector.extract_strided_slice %add3A_15 {offsets = [280, 0], sizes = [8, 512], strides = [1, 1]} : vector<512x512xf32> to vector<8x512xf32>
      %lt3A_326 = arith.cmpf olt, %slice3A_325, %select_n3A_320 : vector<8x512xf32>
      %select_n3A_327 = arith.select %lt3A_326, %slice3A_325, %select_n3A_320 : vector<8x512xi1>, vector<8x512xf32>
      %add3A_328 = arith.constant 1816 : i32
      %add3A_329 = vector.broadcast %add3A_328 : i32 to vector<8x512xi32>
      %add3A_330 = arith.addi %iota3A_250, %add3A_329 : vector<8x512xi32>
      %select_n3A_331 = arith.select %lt3A_326, %add3A_330, %select_n3A_324 : vector<8x512xi1>, vector<8x512xi32>
      %slice3A_332 = vector.extract_strided_slice %add3A_15 {offsets = [288, 0], sizes = [8, 512], strides = [1, 1]} : vector<512x512xf32> to vector<8x512xf32>
      %lt3A_333 = arith.cmpf olt, %slice3A_332, %select_n3A_327 : vector<8x512xf32>
      %select_n3A_334 = arith.select %lt3A_333, %slice3A_332, %select_n3A_327 : vector<8x512xi1>, vector<8x512xf32>
      %add3A_335 = arith.constant 1824 : i32
      %add3A_336 = vector.broadcast %add3A_335 : i32 to vector<8x512xi32>
      %add3A_337 = arith.addi %iota3A_250, %add3A_336 : vector<8x512xi32>
      %select_n3A_338 = arith.select %lt3A_333, %add3A_337, %select_n3A_331 : vector<8x512xi1>, vector<8x512xi32>
      %slice3A_339 = vector.extract_strided_slice %add3A_15 {offsets = [296, 0], sizes = [8, 512], strides = [1, 1]} : vector<512x512xf32> to vector<8x512xf32>
      %lt3A_340 = arith.cmpf olt, %slice3A_339, %select_n3A_334 : vector<8x512xf32>
      %select_n3A_341 = arith.select %lt3A_340, %slice3A_339, %select_n3A_334 : vector<8x512xi1>, vector<8x512xf32>
      %add3A_342 = arith.constant 1832 : i32
      %add3A_343 = vector.broadcast %add3A_342 : i32 to vector<8x512xi32>
      %add3A_344 = arith.addi %iota3A_250, %add3A_343 : vector<8x512xi32>
      %select_n3A_345 = arith.select %lt3A_340, %add3A_344, %select_n3A_338 : vector<8x512xi1>, vector<8x512xi32>
      %slice3A_346 = vector.extract_strided_slice %add3A_15 {offsets = [304, 0], sizes = [8, 512], strides = [1, 1]} : vector<512x512xf32> to vector<8x512xf32>
      %lt3A_347 = arith.cmpf olt, %slice3A_346, %select_n3A_341 : vector<8x512xf32>
      %select_n3A_348 = arith.select %lt3A_347, %slice3A_346, %select_n3A_341 : vector<8x512xi1>, vector<8x512xf32>
      %add3A_349 = arith.constant 1840 : i32
      %add3A_350 = vector.broadcast %add3A_349 : i32 to vector<8x512xi32>
      %add3A_351 = arith.addi %iota3A_250, %add3A_350 : vector<8x512xi32>
      %select_n3A_352 = arith.select %lt3A_347, %add3A_351, %select_n3A_345 : vector<8x512xi1>, vector<8x512xi32>
      %slice3A_353 = vector.extract_strided_slice %add3A_15 {offsets = [312, 0], sizes = [8, 512], strides = [1, 1]} : vector<512x512xf32> to vector<8x512xf32>
      %lt3A_354 = arith.cmpf olt, %slice3A_353, %select_n3A_348 : vector<8x512xf32>
      %select_n3A_355 = arith.select %lt3A_354, %slice3A_353, %select_n3A_348 : vector<8x512xi1>, vector<8x512xf32>
      %add3A_356 = arith.constant 1848 : i32
      %add3A_357 = vector.broadcast %add3A_356 : i32 to vector<8x512xi32>
      %add3A_358 = arith.addi %iota3A_250, %add3A_357 : vector<8x512xi32>
      %select_n3A_359 = arith.select %lt3A_354, %add3A_358, %select_n3A_352 : vector<8x512xi1>, vector<8x512xi32>
      %slice3A_360 = vector.extract_strided_slice %add3A_15 {offsets = [320, 0], sizes = [8, 512], strides = [1, 1]} : vector<512x512xf32> to vector<8x512xf32>
      %lt3A_361 = arith.cmpf olt, %slice3A_360, %select_n3A_355 : vector<8x512xf32>
      %select_n3A_362 = arith.select %lt3A_361, %slice3A_360, %select_n3A_355 : vector<8x512xi1>, vector<8x512xf32>
      %add3A_363 = arith.constant 1856 : i32
      %add3A_364 = vector.broadcast %add3A_363 : i32 to vector<8x512xi32>
      %add3A_365 = arith.addi %iota3A_250, %add3A_364 : vector<8x512xi32>
      %select_n3A_366 = arith.select %lt3A_361, %add3A_365, %select_n3A_359 : vector<8x512xi1>, vector<8x512xi32>
      %slice3A_367 = vector.extract_strided_slice %add3A_15 {offsets = [328, 0], sizes = [8, 512], strides = [1, 1]} : vector<512x512xf32> to vector<8x512xf32>
      %lt3A_368 = arith.cmpf olt, %slice3A_367, %select_n3A_362 : vector<8x512xf32>
      %select_n3A_369 = arith.select %lt3A_368, %slice3A_367, %select_n3A_362 : vector<8x512xi1>, vector<8x512xf32>
      %add3A_370 = arith.constant 1864 : i32
      %add3A_371 = vector.broadcast %add3A_370 : i32 to vector<8x512xi32>
      %add3A_372 = arith.addi %iota3A_250, %add3A_371 : vector<8x512xi32>
      %select_n3A_373 = arith.select %lt3A_368, %add3A_372, %select_n3A_366 : vector<8x512xi1>, vector<8x512xi32>
      %slice3A_374 = vector.extract_strided_slice %add3A_15 {offsets = [336, 0], sizes = [8, 512], strides = [1, 1]} : vector<512x512xf32> to vector<8x512xf32>
      %lt3A_375 = arith.cmpf olt, %slice3A_374, %select_n3A_369 : vector<8x512xf32>
      %select_n3A_376 = arith.select %lt3A_375, %slice3A_374, %select_n3A_369 : vector<8x512xi1>, vector<8x512xf32>
      %add3A_377 = arith.constant 1872 : i32
      %add3A_378 = vector.broadcast %add3A_377 : i32 to vector<8x512xi32>
      %add3A_379 = arith.addi %iota3A_250, %add3A_378 : vector<8x512xi32>
      %select_n3A_380 = arith.select %lt3A_375, %add3A_379, %select_n3A_373 : vector<8x512xi1>, vector<8x512xi32>
      %slice3A_381 = vector.extract_strided_slice %add3A_15 {offsets = [344, 0], sizes = [8, 512], strides = [1, 1]} : vector<512x512xf32> to vector<8x512xf32>
      %lt3A_382 = arith.cmpf olt, %slice3A_381, %select_n3A_376 : vector<8x512xf32>
      %select_n3A_383 = arith.select %lt3A_382, %slice3A_381, %select_n3A_376 : vector<8x512xi1>, vector<8x512xf32>
      %add3A_384 = arith.constant 1880 : i32
      %add3A_385 = vector.broadcast %add3A_384 : i32 to vector<8x512xi32>
      %add3A_386 = arith.addi %iota3A_250, %add3A_385 : vector<8x512xi32>
      %select_n3A_387 = arith.select %lt3A_382, %add3A_386, %select_n3A_380 : vector<8x512xi1>, vector<8x512xi32>
      %slice3A_388 = vector.extract_strided_slice %add3A_15 {offsets = [352, 0], sizes = [8, 512], strides = [1, 1]} : vector<512x512xf32> to vector<8x512xf32>
      %lt3A_389 = arith.cmpf olt, %slice3A_388, %select_n3A_383 : vector<8x512xf32>
      %select_n3A_390 = arith.select %lt3A_389, %slice3A_388, %select_n3A_383 : vector<8x512xi1>, vector<8x512xf32>
      %add3A_391 = arith.constant 1888 : i32
      %add3A_392 = vector.broadcast %add3A_391 : i32 to vector<8x512xi32>
      %add3A_393 = arith.addi %iota3A_250, %add3A_392 : vector<8x512xi32>
      %select_n3A_394 = arith.select %lt3A_389, %add3A_393, %select_n3A_387 : vector<8x512xi1>, vector<8x512xi32>
      %slice3A_395 = vector.extract_strided_slice %add3A_15 {offsets = [360, 0], sizes = [8, 512], strides = [1, 1]} : vector<512x512xf32> to vector<8x512xf32>
      %lt3A_396 = arith.cmpf olt, %slice3A_395, %select_n3A_390 : vector<8x512xf32>
      %select_n3A_397 = arith.select %lt3A_396, %slice3A_395, %select_n3A_390 : vector<8x512xi1>, vector<8x512xf32>
      %add3A_398 = arith.constant 1896 : i32
      %add3A_399 = vector.broadcast %add3A_398 : i32 to vector<8x512xi32>
      %add3A_400 = arith.addi %iota3A_250, %add3A_399 : vector<8x512xi32>
      %select_n3A_401 = arith.select %lt3A_396, %add3A_400, %select_n3A_394 : vector<8x512xi1>, vector<8x512xi32>
      %slice3A_402 = vector.extract_strided_slice %add3A_15 {offsets = [368, 0], sizes = [8, 512], strides = [1, 1]} : vector<512x512xf32> to vector<8x512xf32>
      %lt3A_403 = arith.cmpf olt, %slice3A_402, %select_n3A_397 : vector<8x512xf32>
      %select_n3A_404 = arith.select %lt3A_403, %slice3A_402, %select_n3A_397 : vector<8x512xi1>, vector<8x512xf32>
      %add3A_405 = arith.constant 1904 : i32
      %add3A_406 = vector.broadcast %add3A_405 : i32 to vector<8x512xi32>
      %add3A_407 = arith.addi %iota3A_250, %add3A_406 : vector<8x512xi32>
      %select_n3A_408 = arith.select %lt3A_403, %add3A_407, %select_n3A_401 : vector<8x512xi1>, vector<8x512xi32>
      %slice3A_409 = vector.extract_strided_slice %add3A_15 {offsets = [376, 0], sizes = [8, 512], strides = [1, 1]} : vector<512x512xf32> to vector<8x512xf32>
      %lt3A_410 = arith.cmpf olt, %slice3A_409, %select_n3A_404 : vector<8x512xf32>
      %select_n3A_411 = arith.select %lt3A_410, %slice3A_409, %select_n3A_404 : vector<8x512xi1>, vector<8x512xf32>
      %add3A_412 = arith.constant 1912 : i32
      %add3A_413 = vector.broadcast %add3A_412 : i32 to vector<8x512xi32>
      %add3A_414 = arith.addi %iota3A_250, %add3A_413 : vector<8x512xi32>
      %select_n3A_415 = arith.select %lt3A_410, %add3A_414, %select_n3A_408 : vector<8x512xi1>, vector<8x512xi32>
      %slice3A_416 = vector.extract_strided_slice %add3A_15 {offsets = [384, 0], sizes = [8, 512], strides = [1, 1]} : vector<512x512xf32> to vector<8x512xf32>
      %lt3A_417 = arith.cmpf olt, %slice3A_416, %select_n3A_411 : vector<8x512xf32>
      %select_n3A_418 = arith.select %lt3A_417, %slice3A_416, %select_n3A_411 : vector<8x512xi1>, vector<8x512xf32>
      %add3A_419 = arith.constant 1920 : i32
      %add3A_420 = vector.broadcast %add3A_419 : i32 to vector<8x512xi32>
      %add3A_421 = arith.addi %iota3A_250, %add3A_420 : vector<8x512xi32>
      %select_n3A_422 = arith.select %lt3A_417, %add3A_421, %select_n3A_415 : vector<8x512xi1>, vector<8x512xi32>
      %slice3A_423 = vector.extract_strided_slice %add3A_15 {offsets = [392, 0], sizes = [8, 512], strides = [1, 1]} : vector<512x512xf32> to vector<8x512xf32>
      %lt3A_424 = arith.cmpf olt, %slice3A_423, %select_n3A_418 : vector<8x512xf32>
      %select_n3A_425 = arith.select %lt3A_424, %slice3A_423, %select_n3A_418 : vector<8x512xi1>, vector<8x512xf32>
      %add3A_426 = arith.constant 1928 : i32
      %add3A_427 = vector.broadcast %add3A_426 : i32 to vector<8x512xi32>
      %add3A_428 = arith.addi %iota3A_250, %add3A_427 : vector<8x512xi32>
      %select_n3A_429 = arith.select %lt3A_424, %add3A_428, %select_n3A_422 : vector<8x512xi1>, vector<8x512xi32>
      %slice3A_430 = vector.extract_strided_slice %add3A_15 {offsets = [400, 0], sizes = [8, 512], strides = [1, 1]} : vector<512x512xf32> to vector<8x512xf32>
      %lt3A_431 = arith.cmpf olt, %slice3A_430, %select_n3A_425 : vector<8x512xf32>
      %select_n3A_432 = arith.select %lt3A_431, %slice3A_430, %select_n3A_425 : vector<8x512xi1>, vector<8x512xf32>
      %add3A_433 = arith.constant 1936 : i32
      %add3A_434 = vector.broadcast %add3A_433 : i32 to vector<8x512xi32>
      %add3A_435 = arith.addi %iota3A_250, %add3A_434 : vector<8x512xi32>
      %select_n3A_436 = arith.select %lt3A_431, %add3A_435, %select_n3A_429 : vector<8x512xi1>, vector<8x512xi32>
      %slice3A_437 = vector.extract_strided_slice %add3A_15 {offsets = [408, 0], sizes = [8, 512], strides = [1, 1]} : vector<512x512xf32> to vector<8x512xf32>
      %lt3A_438 = arith.cmpf olt, %slice3A_437, %select_n3A_432 : vector<8x512xf32>
      %select_n3A_439 = arith.select %lt3A_438, %slice3A_437, %select_n3A_432 : vector<8x512xi1>, vector<8x512xf32>
      %add3A_440 = arith.constant 1944 : i32
      %add3A_441 = vector.broadcast %add3A_440 : i32 to vector<8x512xi32>
      %add3A_442 = arith.addi %iota3A_250, %add3A_441 : vector<8x512xi32>
      %select_n3A_443 = arith.select %lt3A_438, %add3A_442, %select_n3A_436 : vector<8x512xi1>, vector<8x512xi32>
      %slice3A_444 = vector.extract_strided_slice %add3A_15 {offsets = [416, 0], sizes = [8, 512], strides = [1, 1]} : vector<512x512xf32> to vector<8x512xf32>
      %lt3A_445 = arith.cmpf olt, %slice3A_444, %select_n3A_439 : vector<8x512xf32>
      %select_n3A_446 = arith.select %lt3A_445, %slice3A_444, %select_n3A_439 : vector<8x512xi1>, vector<8x512xf32>
      %add3A_447 = arith.constant 1952 : i32
      %add3A_448 = vector.broadcast %add3A_447 : i32 to vector<8x512xi32>
      %add3A_449 = arith.addi %iota3A_250, %add3A_448 : vector<8x512xi32>
      %select_n3A_450 = arith.select %lt3A_445, %add3A_449, %select_n3A_443 : vector<8x512xi1>, vector<8x512xi32>
      %slice3A_451 = vector.extract_strided_slice %add3A_15 {offsets = [424, 0], sizes = [8, 512], strides = [1, 1]} : vector<512x512xf32> to vector<8x512xf32>
      %lt3A_452 = arith.cmpf olt, %slice3A_451, %select_n3A_446 : vector<8x512xf32>
      %select_n3A_453 = arith.select %lt3A_452, %slice3A_451, %select_n3A_446 : vector<8x512xi1>, vector<8x512xf32>
      %add3A_454 = arith.constant 1960 : i32
      %add3A_455 = vector.broadcast %add3A_454 : i32 to vector<8x512xi32>
      %add3A_456 = arith.addi %iota3A_250, %add3A_455 : vector<8x512xi32>
      %select_n3A_457 = arith.select %lt3A_452, %add3A_456, %select_n3A_450 : vector<8x512xi1>, vector<8x512xi32>
      %slice3A_458 = vector.extract_strided_slice %add3A_15 {offsets = [432, 0], sizes = [8, 512], strides = [1, 1]} : vector<512x512xf32> to vector<8x512xf32>
      %lt3A_459 = arith.cmpf olt, %slice3A_458, %select_n3A_453 : vector<8x512xf32>
      %select_n3A_460 = arith.select %lt3A_459, %slice3A_458, %select_n3A_453 : vector<8x512xi1>, vector<8x512xf32>
      %add3A_461 = arith.constant 1968 : i32
      %add3A_462 = vector.broadcast %add3A_461 : i32 to vector<8x512xi32>
      %add3A_463 = arith.addi %iota3A_250, %add3A_462 : vector<8x512xi32>
      %select_n3A_464 = arith.select %lt3A_459, %add3A_463, %select_n3A_457 : vector<8x512xi1>, vector<8x512xi32>
      %slice3A_465 = vector.extract_strided_slice %add3A_15 {offsets = [440, 0], sizes = [8, 512], strides = [1, 1]} : vector<512x512xf32> to vector<8x512xf32>
      %lt3A_466 = arith.cmpf olt, %slice3A_465, %select_n3A_460 : vector<8x512xf32>
      %select_n3A_467 = arith.select %lt3A_466, %slice3A_465, %select_n3A_460 : vector<8x512xi1>, vector<8x512xf32>
      %add3A_468 = arith.constant 1976 : i32
      %add3A_469 = vector.broadcast %add3A_468 : i32 to vector<8x512xi32>
      %add3A_470 = arith.addi %iota3A_250, %add3A_469 : vector<8x512xi32>
      %select_n3A_471 = arith.select %lt3A_466, %add3A_470, %select_n3A_464 : vector<8x512xi1>, vector<8x512xi32>
      %slice3A_472 = vector.extract_strided_slice %add3A_15 {offsets = [448, 0], sizes = [8, 512], strides = [1, 1]} : vector<512x512xf32> to vector<8x512xf32>
      %add3A_473 = arith.constant 1984 : i32
      %add3A_474 = vector.broadcast %add3A_473 : i32 to vector<8x512xi32>
      %add3A_475 = arith.addi %iota3A_250, %add3A_474 : vector<8x512xi32>
      %slice3A_476 = vector.extract_strided_slice %add3A_15 {offsets = [456, 0], sizes = [8, 512], strides = [1, 1]} : vector<512x512xf32> to vector<8x512xf32>
      %lt3A_477 = arith.cmpf olt, %slice3A_476, %slice3A_472 : vector<8x512xf32>
      %select_n3A_478 = arith.select %lt3A_477, %slice3A_476, %slice3A_472 : vector<8x512xi1>, vector<8x512xf32>
      %add3A_479 = arith.constant 1992 : i32
      %add3A_480 = vector.broadcast %add3A_479 : i32 to vector<8x512xi32>
      %add3A_481 = arith.addi %iota3A_250, %add3A_480 : vector<8x512xi32>
      %select_n3A_482 = arith.select %lt3A_477, %add3A_481, %add3A_475 : vector<8x512xi1>, vector<8x512xi32>
      %slice3A_483 = vector.extract_strided_slice %add3A_15 {offsets = [464, 0], sizes = [8, 512], strides = [1, 1]} : vector<512x512xf32> to vector<8x512xf32>
      %lt3A_484 = arith.cmpf olt, %slice3A_483, %select_n3A_478 : vector<8x512xf32>
      %select_n3A_485 = arith.select %lt3A_484, %slice3A_483, %select_n3A_478 : vector<8x512xi1>, vector<8x512xf32>
      %add3A_486 = arith.constant 2000 : i32
      %add3A_487 = vector.broadcast %add3A_486 : i32 to vector<8x512xi32>
      %add3A_488 = arith.addi %iota3A_250, %add3A_487 : vector<8x512xi32>
      %select_n3A_489 = arith.select %lt3A_484, %add3A_488, %select_n3A_482 : vector<8x512xi1>, vector<8x512xi32>
      %slice3A_490 = vector.extract_strided_slice %add3A_15 {offsets = [472, 0], sizes = [8, 512], strides = [1, 1]} : vector<512x512xf32> to vector<8x512xf32>
      %lt3A_491 = arith.cmpf olt, %slice3A_490, %select_n3A_485 : vector<8x512xf32>
      %select_n3A_492 = arith.select %lt3A_491, %slice3A_490, %select_n3A_485 : vector<8x512xi1>, vector<8x512xf32>
      %add3A_493 = arith.constant 2008 : i32
      %add3A_494 = vector.broadcast %add3A_493 : i32 to vector<8x512xi32>
      %add3A_495 = arith.addi %iota3A_250, %add3A_494 : vector<8x512xi32>
      %select_n3A_496 = arith.select %lt3A_491, %add3A_495, %select_n3A_489 : vector<8x512xi1>, vector<8x512xi32>
      %slice3A_497 = vector.extract_strided_slice %add3A_15 {offsets = [480, 0], sizes = [8, 512], strides = [1, 1]} : vector<512x512xf32> to vector<8x512xf32>
      %lt3A_498 = arith.cmpf olt, %slice3A_497, %select_n3A_492 : vector<8x512xf32>
      %select_n3A_499 = arith.select %lt3A_498, %slice3A_497, %select_n3A_492 : vector<8x512xi1>, vector<8x512xf32>
      %add3A_500 = arith.constant 2016 : i32
      %add3A_501 = vector.broadcast %add3A_500 : i32 to vector<8x512xi32>
      %add3A_502 = arith.addi %iota3A_250, %add3A_501 : vector<8x512xi32>
      %select_n3A_503 = arith.select %lt3A_498, %add3A_502, %select_n3A_496 : vector<8x512xi1>, vector<8x512xi32>
      %slice3A_504 = vector.extract_strided_slice %add3A_15 {offsets = [488, 0], sizes = [8, 512], strides = [1, 1]} : vector<512x512xf32> to vector<8x512xf32>
      %lt3A_505 = arith.cmpf olt, %slice3A_504, %select_n3A_499 : vector<8x512xf32>
      %select_n3A_506 = arith.select %lt3A_505, %slice3A_504, %select_n3A_499 : vector<8x512xi1>, vector<8x512xf32>
      %add3A_507 = arith.constant 2024 : i32
      %add3A_508 = vector.broadcast %add3A_507 : i32 to vector<8x512xi32>
      %add3A_509 = arith.addi %iota3A_250, %add3A_508 : vector<8x512xi32>
      %select_n3A_510 = arith.select %lt3A_505, %add3A_509, %select_n3A_503 : vector<8x512xi1>, vector<8x512xi32>
      %slice3A_511 = vector.extract_strided_slice %add3A_15 {offsets = [496, 0], sizes = [8, 512], strides = [1, 1]} : vector<512x512xf32> to vector<8x512xf32>
      %lt3A_512 = arith.cmpf olt, %slice3A_511, %select_n3A_506 : vector<8x512xf32>
      %select_n3A_513 = arith.select %lt3A_512, %slice3A_511, %select_n3A_506 : vector<8x512xi1>, vector<8x512xf32>
      %add3A_514 = arith.constant 2032 : i32
      %add3A_515 = vector.broadcast %add3A_514 : i32 to vector<8x512xi32>
      %add3A_516 = arith.addi %iota3A_250, %add3A_515 : vector<8x512xi32>
      %select_n3A_517 = arith.select %lt3A_512, %add3A_516, %select_n3A_510 : vector<8x512xi1>, vector<8x512xi32>
      %slice3A_518 = vector.extract_strided_slice %add3A_15 {offsets = [504, 0], sizes = [8, 512], strides = [1, 1]} : vector<512x512xf32> to vector<8x512xf32>
      %lt3A_519 = arith.cmpf olt, %slice3A_518, %select_n3A_513 : vector<8x512xf32>
      %select_n3A_520 = arith.select %lt3A_519, %slice3A_518, %select_n3A_513 : vector<8x512xi1>, vector<8x512xf32>
      %add3A_521 = arith.constant 2040 : i32
      %add3A_522 = vector.broadcast %add3A_521 : i32 to vector<8x512xi32>
      %add3A_523 = arith.addi %iota3A_250, %add3A_522 : vector<8x512xi32>
      %select_n3A_524 = arith.select %lt3A_519, %add3A_523, %select_n3A_517 : vector<8x512xi1>, vector<8x512xi32>
      %lt3A_525 = arith.cmpf olt, %select_n3A_520, %select_n3A_467 : vector<8x512xf32>
      %select_n3A_526 = arith.select %lt3A_525, %select_n3A_520, %select_n3A_467 : vector<8x512xi1>, vector<8x512xf32>
      %select_n3A_527 = arith.select %lt3A_525, %select_n3A_524, %select_n3A_471 : vector<8x512xi1>, vector<8x512xi32>
      %reduce_min3A_528 = arith.constant dense<0x7F800000> : vector<512xf32>
      %reduce_min3A_529 = vector.multi_reduction <minimumf>, %select_n3A_526, %reduce_min3A_528 [0] : vector<8x512xf32> to vector<512xf32>
      %broadcast_in_dim3A_530 = vector.shape_cast %reduce_min3A_529 : vector<512xf32> to vector<1x512xf32>
      %eq3A_531 = vector.broadcast %broadcast_in_dim3A_530 : vector<1x512xf32> to vector<8x512xf32>
      %eq3A_532 = arith.cmpf oeq, %select_n3A_526, %eq3A_531 : vector<8x512xf32>
      %broadcast_in_dim3A_533 = arith.constant 1073741824 : i32
      %broadcast_in_dim3A_534 = vector.broadcast %broadcast_in_dim3A_533 : i32 to vector<8x512xi32>
      %select_n3A_535 = arith.select %eq3A_532, %select_n3A_527, %broadcast_in_dim3A_534 : vector<8x512xi1>, vector<8x512xi32>
      %reduce_min3A_536 = arith.constant dense<2147483647> : vector<512xi32>
      %reduce_min3A_537 = vector.multi_reduction <minsi>, %select_n3A_535, %reduce_min3A_536 [0] : vector<8x512xi32> to vector<512xi32>
      %broadcast_in_dim3A_538 = vector.shape_cast %reduce_min3A_537 : vector<512xi32> to vector<1x512xi32>
      %get3A_539 = arith.constant 0 : index
      %get3A_540 = arith.index_cast %mul3A_17 : i32 to index
      %get3A_541 = vector.load %arg8[%get3A_539, %get3A_540] : memref<1x8192xf32, #tpu.memory_space<vmem>>, vector<1x512xf32>
      %get3A_542 = arith.constant 0 : index
      %get3A_543 = arith.index_cast %mul3A_17 : i32 to index
      %get3A_544 = vector.load %arg9[%get3A_542, %get3A_543] : memref<1x8192xi32, #tpu.memory_space<vmem>>, vector<1x512xi32>
      %lt3A_545 = arith.cmpf olt, %broadcast_in_dim3A_530, %get3A_541 : vector<1x512xf32>
      %select_n3A_546 = arith.select %lt3A_545, %broadcast_in_dim3A_530, %get3A_541 : vector<1x512xi1>, vector<1x512xf32>
      %swap3A_547 = arith.constant 0 : index
      %swap3A_548 = arith.index_cast %mul3A_17 : i32 to index
      %swap3A_549 = vector.load %arg8[%swap3A_547, %swap3A_548] : memref<1x8192xf32, #tpu.memory_space<vmem>>, vector<1x512xf32>
      tpu.vector_store %arg8[%swap3A_547, %swap3A_548], %select_n3A_546 {strides = array<i32>} : memref<1x8192xf32, #tpu.memory_space<vmem>>, vector<1x512xf32>,
      %select_n3A_550 = arith.select %lt3A_545, %broadcast_in_dim3A_538, %get3A_544 : vector<1x512xi1>, vector<1x512xi32>
      %swap3A_551 = arith.constant 0 : index
      %swap3A_552 = arith.index_cast %mul3A_17 : i32 to index
      %swap3A_553 = vector.load %arg9[%swap3A_551, %swap3A_552] : memref<1x8192xi32, #tpu.memory_space<vmem>>, vector<1x512xi32>
      tpu.vector_store %arg9[%swap3A_551, %swap3A_552], %select_n3A_550 {strides = array<i32>} : memref<1x8192xi32, #tpu.memory_space<vmem>>, vector<1x512xi32>,
      %get3A_554 = arith.constant 0 : index
      %get3A_555 = arith.index_cast %mul3A_17 : i32 to index
      %get3A_556 = vector.load %arg10[%get3A_554, %get3A_555] : memref<1x8192xf32, #tpu.memory_space<vmem>>, vector<1x512xf32>
      %min3A_557 = arith.minimumf %get3A_556, %broadcast_in_dim3A_530 : vector<1x512xf32>
      %swap3A_558 = arith.constant 0 : index
      %swap3A_559 = arith.index_cast %mul3A_17 : i32 to index
      %swap3A_560 = vector.load %arg10[%swap3A_558, %swap3A_559] : memref<1x8192xf32, #tpu.memory_space<vmem>>, vector<1x512xf32>
      tpu.vector_store %arg10[%swap3A_558, %swap3A_559], %min3A_557 {strides = array<i32>} : memref<1x8192xf32, #tpu.memory_space<vmem>>, vector<1x512xf32>,
    } else {
    }
    %eq3A_36 = arith.constant 8 : i32
    %eq3A_37 = arith.cmpi eq, %arg0, %eq3A_36 : i32
    %convert_element_type3A_38 = arith.extui %eq3A_37 : i1 to i32
    %cond3A_39 = arith.constant 0 : i32
    %cond3A_40 = arith.cmpi ne, %convert_element_type3A_38, %cond3A_39 : i32
    scf.if %cond3A_40 {
      %iota3A = tpu.iota {dimensions = array<i32: 0>} : vector<8x512xi32>
      %slice3A = vector.extract_strided_slice %add3A_15 {offsets = [0, 0], sizes = [8, 512], strides = [1, 1]} : vector<512x512xf32> to vector<8x512xf32>
      %add3A_51 = arith.constant 4096 : i32
      %add3A_52 = vector.broadcast %add3A_51 : i32 to vector<8x512xi32>
      %add3A_53 = arith.addi %iota3A, %add3A_52 : vector<8x512xi32>
      %slice3A_54 = vector.extract_strided_slice %add3A_15 {offsets = [8, 0], sizes = [8, 512], strides = [1, 1]} : vector<512x512xf32> to vector<8x512xf32>
      %lt3A = arith.cmpf olt, %slice3A_54, %slice3A : vector<8x512xf32>
      %select_n3A = arith.select %lt3A, %slice3A_54, %slice3A : vector<8x512xi1>, vector<8x512xf32>
      %add3A_55 = arith.constant 4104 : i32
      %add3A_56 = vector.broadcast %add3A_55 : i32 to vector<8x512xi32>
      %add3A_57 = arith.addi %iota3A, %add3A_56 : vector<8x512xi32>
      %select_n3A_58 = arith.select %lt3A, %add3A_57, %add3A_53 : vector<8x512xi1>, vector<8x512xi32>
      %slice3A_59 = vector.extract_strided_slice %add3A_15 {offsets = [16, 0], sizes = [8, 512], strides = [1, 1]} : vector<512x512xf32> to vector<8x512xf32>
      %lt3A_60 = arith.cmpf olt, %slice3A_59, %select_n3A : vector<8x512xf32>
      %select_n3A_61 = arith.select %lt3A_60, %slice3A_59, %select_n3A : vector<8x512xi1>, vector<8x512xf32>
      %add3A_62 = arith.constant 4112 : i32
      %add3A_63 = vector.broadcast %add3A_62 : i32 to vector<8x512xi32>
      %add3A_64 = arith.addi %iota3A, %add3A_63 : vector<8x512xi32>
      %select_n3A_65 = arith.select %lt3A_60, %add3A_64, %select_n3A_58 : vector<8x512xi1>, vector<8x512xi32>
      %slice3A_66 = vector.extract_strided_slice %add3A_15 {offsets = [24, 0], sizes = [8, 512], strides = [1, 1]} : vector<512x512xf32> to vector<8x512xf32>
      %lt3A_67 = arith.cmpf olt, %slice3A_66, %select_n3A_61 : vector<8x512xf32>
      %select_n3A_68 = arith.select %lt3A_67, %slice3A_66, %select_n3A_61 : vector<8x512xi1>, vector<8x512xf32>
      %add3A_69 = arith.constant 4120 : i32
      %add3A_70 = vector.broadcast %add3A_69 : i32 to vector<8x512xi32>
      %add3A_71 = arith.addi %iota3A, %add3A_70 : vector<8x512xi32>
      %select_n3A_72 = arith.select %lt3A_67, %add3A_71, %select_n3A_65 : vector<8x512xi1>, vector<8x512xi32>
      %slice3A_73 = vector.extract_strided_slice %add3A_15 {offsets = [32, 0], sizes = [8, 512], strides = [1, 1]} : vector<512x512xf32> to vector<8x512xf32>
      %lt3A_74 = arith.cmpf olt, %slice3A_73, %select_n3A_68 : vector<8x512xf32>
      %select_n3A_75 = arith.select %lt3A_74, %slice3A_73, %select_n3A_68 : vector<8x512xi1>, vector<8x512xf32>
      %add3A_76 = arith.constant 4128 : i32
      %add3A_77 = vector.broadcast %add3A_76 : i32 to vector<8x512xi32>
      %add3A_78 = arith.addi %iota3A, %add3A_77 : vector<8x512xi32>
      %select_n3A_79 = arith.select %lt3A_74, %add3A_78, %select_n3A_72 : vector<8x512xi1>, vector<8x512xi32>
      %slice3A_80 = vector.extract_strided_slice %add3A_15 {offsets = [40, 0], sizes = [8, 512], strides = [1, 1]} : vector<512x512xf32> to vector<8x512xf32>
      %lt3A_81 = arith.cmpf olt, %slice3A_80, %select_n3A_75 : vector<8x512xf32>
      %select_n3A_82 = arith.select %lt3A_81, %slice3A_80, %select_n3A_75 : vector<8x512xi1>, vector<8x512xf32>
      %add3A_83 = arith.constant 4136 : i32
      %add3A_84 = vector.broadcast %add3A_83 : i32 to vector<8x512xi32>
      %add3A_85 = arith.addi %iota3A, %add3A_84 : vector<8x512xi32>
      %select_n3A_86 = arith.select %lt3A_81, %add3A_85, %select_n3A_79 : vector<8x512xi1>, vector<8x512xi32>
      %slice3A_87 = vector.extract_strided_slice %add3A_15 {offsets = [48, 0], sizes = [8, 512], strides = [1, 1]} : vector<512x512xf32> to vector<8x512xf32>
      %lt3A_88 = arith.cmpf olt, %slice3A_87, %select_n3A_82 : vector<8x512xf32>
      %select_n3A_89 = arith.select %lt3A_88, %slice3A_87, %select_n3A_82 : vector<8x512xi1>, vector<8x512xf32>
      %add3A_90 = arith.constant 4144 : i32
      %add3A_91 = vector.broadcast %add3A_90 : i32 to vector<8x512xi32>
      %add3A_92 = arith.addi %iota3A, %add3A_91 : vector<8x512xi32>
      %select_n3A_93 = arith.select %lt3A_88, %add3A_92, %select_n3A_86 : vector<8x512xi1>, vector<8x512xi32>
      %slice3A_94 = vector.extract_strided_slice %add3A_15 {offsets = [56, 0], sizes = [8, 512], strides = [1, 1]} : vector<512x512xf32> to vector<8x512xf32>
      %lt3A_95 = arith.cmpf olt, %slice3A_94, %select_n3A_89 : vector<8x512xf32>
      %select_n3A_96 = arith.select %lt3A_95, %slice3A_94, %select_n3A_89 : vector<8x512xi1>, vector<8x512xf32>
      %add3A_97 = arith.constant 4152 : i32
      %add3A_98 = vector.broadcast %add3A_97 : i32 to vector<8x512xi32>
      %add3A_99 = arith.addi %iota3A, %add3A_98 : vector<8x512xi32>
      %select_n3A_100 = arith.select %lt3A_95, %add3A_99, %select_n3A_93 : vector<8x512xi1>, vector<8x512xi32>
      %slice3A_101 = vector.extract_strided_slice %add3A_15 {offsets = [64, 0], sizes = [8, 512], strides = [1, 1]} : vector<512x512xf32> to vector<8x512xf32>
      %lt3A_102 = arith.cmpf olt, %slice3A_101, %select_n3A_96 : vector<8x512xf32>
      %select_n3A_103 = arith.select %lt3A_102, %slice3A_101, %select_n3A_96 : vector<8x512xi1>, vector<8x512xf32>
      %add3A_104 = arith.constant 4160 : i32
      %add3A_105 = vector.broadcast %add3A_104 : i32 to vector<8x512xi32>
      %add3A_106 = arith.addi %iota3A, %add3A_105 : vector<8x512xi32>
      %select_n3A_107 = arith.select %lt3A_102, %add3A_106, %select_n3A_100 : vector<8x512xi1>, vector<8x512xi32>
      %slice3A_108 = vector.extract_strided_slice %add3A_15 {offsets = [72, 0], sizes = [8, 512], strides = [1, 1]} : vector<512x512xf32> to vector<8x512xf32>
      %lt3A_109 = arith.cmpf olt, %slice3A_108, %select_n3A_103 : vector<8x512xf32>
      %select_n3A_110 = arith.select %lt3A_109, %slice3A_108, %select_n3A_103 : vector<8x512xi1>, vector<8x512xf32>
      %add3A_111 = arith.constant 4168 : i32
      %add3A_112 = vector.broadcast %add3A_111 : i32 to vector<8x512xi32>
      %add3A_113 = arith.addi %iota3A, %add3A_112 : vector<8x512xi32>
      %select_n3A_114 = arith.select %lt3A_109, %add3A_113, %select_n3A_107 : vector<8x512xi1>, vector<8x512xi32>
      %slice3A_115 = vector.extract_strided_slice %add3A_15 {offsets = [80, 0], sizes = [8, 512], strides = [1, 1]} : vector<512x512xf32> to vector<8x512xf32>
      %lt3A_116 = arith.cmpf olt, %slice3A_115, %select_n3A_110 : vector<8x512xf32>
      %select_n3A_117 = arith.select %lt3A_116, %slice3A_115, %select_n3A_110 : vector<8x512xi1>, vector<8x512xf32>
      %add3A_118 = arith.constant 4176 : i32
      %add3A_119 = vector.broadcast %add3A_118 : i32 to vector<8x512xi32>
      %add3A_120 = arith.addi %iota3A, %add3A_119 : vector<8x512xi32>
      %select_n3A_121 = arith.select %lt3A_116, %add3A_120, %select_n3A_114 : vector<8x512xi1>, vector<8x512xi32>
      %slice3A_122 = vector.extract_strided_slice %add3A_15 {offsets = [88, 0], sizes = [8, 512], strides = [1, 1]} : vector<512x512xf32> to vector<8x512xf32>
      %lt3A_123 = arith.cmpf olt, %slice3A_122, %select_n3A_117 : vector<8x512xf32>
      %select_n3A_124 = arith.select %lt3A_123, %slice3A_122, %select_n3A_117 : vector<8x512xi1>, vector<8x512xf32>
      %add3A_125 = arith.constant 4184 : i32
      %add3A_126 = vector.broadcast %add3A_125 : i32 to vector<8x512xi32>
      %add3A_127 = arith.addi %iota3A, %add3A_126 : vector<8x512xi32>
      %select_n3A_128 = arith.select %lt3A_123, %add3A_127, %select_n3A_121 : vector<8x512xi1>, vector<8x512xi32>
      %slice3A_129 = vector.extract_strided_slice %add3A_15 {offsets = [96, 0], sizes = [8, 512], strides = [1, 1]} : vector<512x512xf32> to vector<8x512xf32>
      %lt3A_130 = arith.cmpf olt, %slice3A_129, %select_n3A_124 : vector<8x512xf32>
      %select_n3A_131 = arith.select %lt3A_130, %slice3A_129, %select_n3A_124 : vector<8x512xi1>, vector<8x512xf32>
      %add3A_132 = arith.constant 4192 : i32
      %add3A_133 = vector.broadcast %add3A_132 : i32 to vector<8x512xi32>
      %add3A_134 = arith.addi %iota3A, %add3A_133 : vector<8x512xi32>
      %select_n3A_135 = arith.select %lt3A_130, %add3A_134, %select_n3A_128 : vector<8x512xi1>, vector<8x512xi32>
      %slice3A_136 = vector.extract_strided_slice %add3A_15 {offsets = [104, 0], sizes = [8, 512], strides = [1, 1]} : vector<512x512xf32> to vector<8x512xf32>
      %lt3A_137 = arith.cmpf olt, %slice3A_136, %select_n3A_131 : vector<8x512xf32>
      %select_n3A_138 = arith.select %lt3A_137, %slice3A_136, %select_n3A_131 : vector<8x512xi1>, vector<8x512xf32>
      %add3A_139 = arith.constant 4200 : i32
      %add3A_140 = vector.broadcast %add3A_139 : i32 to vector<8x512xi32>
      %add3A_141 = arith.addi %iota3A, %add3A_140 : vector<8x512xi32>
      %select_n3A_142 = arith.select %lt3A_137, %add3A_141, %select_n3A_135 : vector<8x512xi1>, vector<8x512xi32>
      %slice3A_143 = vector.extract_strided_slice %add3A_15 {offsets = [112, 0], sizes = [8, 512], strides = [1, 1]} : vector<512x512xf32> to vector<8x512xf32>
      %lt3A_144 = arith.cmpf olt, %slice3A_143, %select_n3A_138 : vector<8x512xf32>
      %select_n3A_145 = arith.select %lt3A_144, %slice3A_143, %select_n3A_138 : vector<8x512xi1>, vector<8x512xf32>
      %add3A_146 = arith.constant 4208 : i32
      %add3A_147 = vector.broadcast %add3A_146 : i32 to vector<8x512xi32>
      %add3A_148 = arith.addi %iota3A, %add3A_147 : vector<8x512xi32>
      %select_n3A_149 = arith.select %lt3A_144, %add3A_148, %select_n3A_142 : vector<8x512xi1>, vector<8x512xi32>
      %slice3A_150 = vector.extract_strided_slice %add3A_15 {offsets = [120, 0], sizes = [8, 512], strides = [1, 1]} : vector<512x512xf32> to vector<8x512xf32>
      %lt3A_151 = arith.cmpf olt, %slice3A_150, %select_n3A_145 : vector<8x512xf32>
      %select_n3A_152 = arith.select %lt3A_151, %slice3A_150, %select_n3A_145 : vector<8x512xi1>, vector<8x512xf32>
      %add3A_153 = arith.constant 4216 : i32
      %add3A_154 = vector.broadcast %add3A_153 : i32 to vector<8x512xi32>
      %add3A_155 = arith.addi %iota3A, %add3A_154 : vector<8x512xi32>
      %select_n3A_156 = arith.select %lt3A_151, %add3A_155, %select_n3A_149 : vector<8x512xi1>, vector<8x512xi32>
      %reduce_min3A = arith.constant dense<0x7F800000> : vector<512xf32>
      %reduce_min3A_157 = vector.multi_reduction <minimumf>, %select_n3A_152, %reduce_min3A [0] : vector<8x512xf32> to vector<512xf32>
      %broadcast_in_dim3A = vector.shape_cast %reduce_min3A_157 : vector<512xf32> to vector<1x512xf32>
      %eq3A_158 = vector.broadcast %broadcast_in_dim3A : vector<1x512xf32> to vector<8x512xf32>
      %eq3A_159 = arith.cmpf oeq, %select_n3A_152, %eq3A_158 : vector<8x512xf32>
      %broadcast_in_dim3A_160 = arith.constant 1073741824 : i32
      %broadcast_in_dim3A_161 = vector.broadcast %broadcast_in_dim3A_160 : i32 to vector<8x512xi32>
      %select_n3A_162 = arith.select %eq3A_159, %select_n3A_156, %broadcast_in_dim3A_161 : vector<8x512xi1>, vector<8x512xi32>
      %reduce_min3A_163 = arith.constant dense<2147483647> : vector<512xi32>
      %reduce_min3A_164 = vector.multi_reduction <minsi>, %select_n3A_162, %reduce_min3A_163 [0] : vector<8x512xi32> to vector<512xi32>
      %broadcast_in_dim3A_165 = vector.shape_cast %reduce_min3A_164 : vector<512xi32> to vector<1x512xi32>
      %get3A_166 = arith.constant 0 : index
      %get3A_167 = arith.index_cast %mul3A_17 : i32 to index
      %get3A_168 = vector.load %arg8[%get3A_166, %get3A_167] : memref<1x8192xf32, #tpu.memory_space<vmem>>, vector<1x512xf32>
      %get3A_169 = arith.constant 0 : index
      %get3A_170 = arith.index_cast %mul3A_17 : i32 to index
      %get3A_171 = vector.load %arg9[%get3A_169, %get3A_170] : memref<1x8192xi32, #tpu.memory_space<vmem>>, vector<1x512xi32>
      %lt3A_172 = arith.cmpf olt, %broadcast_in_dim3A, %get3A_168 : vector<1x512xf32>
      %select_n3A_173 = arith.select %lt3A_172, %broadcast_in_dim3A, %get3A_168 : vector<1x512xi1>, vector<1x512xf32>
      %swap3A = arith.constant 0 : index
      %swap3A_174 = arith.index_cast %mul3A_17 : i32 to index
      %swap3A_175 = vector.load %arg8[%swap3A, %swap3A_174] : memref<1x8192xf32, #tpu.memory_space<vmem>>, vector<1x512xf32>
      tpu.vector_store %arg8[%swap3A, %swap3A_174], %select_n3A_173 {strides = array<i32>} : memref<1x8192xf32, #tpu.memory_space<vmem>>, vector<1x512xf32>,
      %select_n3A_176 = arith.select %lt3A_172, %broadcast_in_dim3A_165, %get3A_171 : vector<1x512xi1>, vector<1x512xi32>
      %swap3A_177 = arith.constant 0 : index
      %swap3A_178 = arith.index_cast %mul3A_17 : i32 to index
      %swap3A_179 = vector.load %arg9[%swap3A_177, %swap3A_178] : memref<1x8192xi32, #tpu.memory_space<vmem>>, vector<1x512xi32>
      tpu.vector_store %arg9[%swap3A_177, %swap3A_178], %select_n3A_176 {strides = array<i32>} : memref<1x8192xi32, #tpu.memory_space<vmem>>, vector<1x512xi32>,
      %get3A_180 = arith.constant 0 : index
      %get3A_181 = arith.index_cast %mul3A_17 : i32 to index
      %get3A_182 = vector.load %arg10[%get3A_180, %get3A_181] : memref<1x8192xf32, #tpu.memory_space<vmem>>, vector<1x512xf32>
      %min3A = arith.minimumf %get3A_182, %broadcast_in_dim3A : vector<1x512xf32>
      %swap3A_183 = arith.constant 0 : index
      %swap3A_184 = arith.index_cast %mul3A_17 : i32 to index
      %swap3A_185 = vector.load %arg10[%swap3A_183, %swap3A_184] : memref<1x8192xf32, #tpu.memory_space<vmem>>, vector<1x512xf32>
      tpu.vector_store %arg10[%swap3A_183, %swap3A_184], %min3A {strides = array<i32>} : memref<1x8192xf32, #tpu.memory_space<vmem>>, vector<1x512xf32>,
      %get3A_186 = arith.constant 0 : index
      %get3A_187 = arith.index_cast %mul3A_17 : i32 to index
      %get3A_188 = vector.load %arg8[%get3A_186, %get3A_187] : memref<1x8192xf32, #tpu.memory_space<vmem>>, vector<1x512xf32>
      %convert_element_type3A_189 = arith.truncf %get3A_188 : vector<1x512xf32> to vector<1x512xbf16>
      %convert_element_type3A_190 = arith.extf %convert_element_type3A_189 : vector<1x512xbf16> to vector<1x512xf32>
      %swap3A_191 = arith.constant 0 : index
      %swap3A_192 = arith.index_cast %mul3A_17 : i32 to index
      %swap3A_193 = vector.load %arg8[%swap3A_191, %swap3A_192] : memref<1x8192xf32, #tpu.memory_space<vmem>>, vector<1x512xf32>
      tpu.vector_store %arg8[%swap3A_191, %swap3A_192], %convert_element_type3A_190 {strides = array<i32>} : memref<1x8192xf32, #tpu.memory_space<vmem>>, vector<1x512xf32>,
      %iota3A_194 = tpu.iota {dimensions = array<i32: 0>} : vector<8x512xi32>
      %slice3A_195 = vector.extract_strided_slice %add3A_15 {offsets = [128, 0], sizes = [8, 512], strides = [1, 1]} : vector<512x512xf32> to vector<8x512xf32>
      %add3A_196 = arith.constant 4224 : i32
      %add3A_197 = vector.broadcast %add3A_196 : i32 to vector<8x512xi32>
      %add3A_198 = arith.addi %iota3A_194, %add3A_197 : vector<8x512xi32>
      %slice3A_199 = vector.extract_strided_slice %add3A_15 {offsets = [136, 0], sizes = [8, 512], strides = [1, 1]} : vector<512x512xf32> to vector<8x512xf32>
      %lt3A_200 = arith.cmpf olt, %slice3A_199, %slice3A_195 : vector<8x512xf32>
      %select_n3A_201 = arith.select %lt3A_200, %slice3A_199, %slice3A_195 : vector<8x512xi1>, vector<8x512xf32>
      %add3A_202 = arith.constant 4232 : i32
      %add3A_203 = vector.broadcast %add3A_202 : i32 to vector<8x512xi32>
      %add3A_204 = arith.addi %iota3A_194, %add3A_203 : vector<8x512xi32>
      %select_n3A_205 = arith.select %lt3A_200, %add3A_204, %add3A_198 : vector<8x512xi1>, vector<8x512xi32>
      %slice3A_206 = vector.extract_strided_slice %add3A_15 {offsets = [144, 0], sizes = [8, 512], strides = [1, 1]} : vector<512x512xf32> to vector<8x512xf32>
      %lt3A_207 = arith.cmpf olt, %slice3A_206, %select_n3A_201 : vector<8x512xf32>
      %select_n3A_208 = arith.select %lt3A_207, %slice3A_206, %select_n3A_201 : vector<8x512xi1>, vector<8x512xf32>
      %add3A_209 = arith.constant 4240 : i32
      %add3A_210 = vector.broadcast %add3A_209 : i32 to vector<8x512xi32>
      %add3A_211 = arith.addi %iota3A_194, %add3A_210 : vector<8x512xi32>
      %select_n3A_212 = arith.select %lt3A_207, %add3A_211, %select_n3A_205 : vector<8x512xi1>, vector<8x512xi32>
      %slice3A_213 = vector.extract_strided_slice %add3A_15 {offsets = [152, 0], sizes = [8, 512], strides = [1, 1]} : vector<512x512xf32> to vector<8x512xf32>
      %lt3A_214 = arith.cmpf olt, %slice3A_213, %select_n3A_208 : vector<8x512xf32>
      %select_n3A_215 = arith.select %lt3A_214, %slice3A_213, %select_n3A_208 : vector<8x512xi1>, vector<8x512xf32>
      %add3A_216 = arith.constant 4248 : i32
      %add3A_217 = vector.broadcast %add3A_216 : i32 to vector<8x512xi32>
      %add3A_218 = arith.addi %iota3A_194, %add3A_217 : vector<8x512xi32>
      %select_n3A_219 = arith.select %lt3A_214, %add3A_218, %select_n3A_212 : vector<8x512xi1>, vector<8x512xi32>
      %slice3A_220 = vector.extract_strided_slice %add3A_15 {offsets = [160, 0], sizes = [8, 512], strides = [1, 1]} : vector<512x512xf32> to vector<8x512xf32>
      %lt3A_221 = arith.cmpf olt, %slice3A_220, %select_n3A_215 : vector<8x512xf32>
      %select_n3A_222 = arith.select %lt3A_221, %slice3A_220, %select_n3A_215 : vector<8x512xi1>, vector<8x512xf32>
      %add3A_223 = arith.constant 4256 : i32
      %add3A_224 = vector.broadcast %add3A_223 : i32 to vector<8x512xi32>
      %add3A_225 = arith.addi %iota3A_194, %add3A_224 : vector<8x512xi32>
      %select_n3A_226 = arith.select %lt3A_221, %add3A_225, %select_n3A_219 : vector<8x512xi1>, vector<8x512xi32>
      %slice3A_227 = vector.extract_strided_slice %add3A_15 {offsets = [168, 0], sizes = [8, 512], strides = [1, 1]} : vector<512x512xf32> to vector<8x512xf32>
      %lt3A_228 = arith.cmpf olt, %slice3A_227, %select_n3A_222 : vector<8x512xf32>
      %select_n3A_229 = arith.select %lt3A_228, %slice3A_227, %select_n3A_222 : vector<8x512xi1>, vector<8x512xf32>
      %add3A_230 = arith.constant 4264 : i32
      %add3A_231 = vector.broadcast %add3A_230 : i32 to vector<8x512xi32>
      %add3A_232 = arith.addi %iota3A_194, %add3A_231 : vector<8x512xi32>
      %select_n3A_233 = arith.select %lt3A_228, %add3A_232, %select_n3A_226 : vector<8x512xi1>, vector<8x512xi32>
      %slice3A_234 = vector.extract_strided_slice %add3A_15 {offsets = [176, 0], sizes = [8, 512], strides = [1, 1]} : vector<512x512xf32> to vector<8x512xf32>
      %lt3A_235 = arith.cmpf olt, %slice3A_234, %select_n3A_229 : vector<8x512xf32>
      %select_n3A_236 = arith.select %lt3A_235, %slice3A_234, %select_n3A_229 : vector<8x512xi1>, vector<8x512xf32>
      %add3A_237 = arith.constant 4272 : i32
      %add3A_238 = vector.broadcast %add3A_237 : i32 to vector<8x512xi32>
      %add3A_239 = arith.addi %iota3A_194, %add3A_238 : vector<8x512xi32>
      %select_n3A_240 = arith.select %lt3A_235, %add3A_239, %select_n3A_233 : vector<8x512xi1>, vector<8x512xi32>
      %slice3A_241 = vector.extract_strided_slice %add3A_15 {offsets = [184, 0], sizes = [8, 512], strides = [1, 1]} : vector<512x512xf32> to vector<8x512xf32>
      %lt3A_242 = arith.cmpf olt, %slice3A_241, %select_n3A_236 : vector<8x512xf32>
      %select_n3A_243 = arith.select %lt3A_242, %slice3A_241, %select_n3A_236 : vector<8x512xi1>, vector<8x512xf32>
      %add3A_244 = arith.constant 4280 : i32
      %add3A_245 = vector.broadcast %add3A_244 : i32 to vector<8x512xi32>
      %add3A_246 = arith.addi %iota3A_194, %add3A_245 : vector<8x512xi32>
      %select_n3A_247 = arith.select %lt3A_242, %add3A_246, %select_n3A_240 : vector<8x512xi1>, vector<8x512xi32>
      %slice3A_248 = vector.extract_strided_slice %add3A_15 {offsets = [192, 0], sizes = [8, 512], strides = [1, 1]} : vector<512x512xf32> to vector<8x512xf32>
      %lt3A_249 = arith.cmpf olt, %slice3A_248, %select_n3A_243 : vector<8x512xf32>
      %select_n3A_250 = arith.select %lt3A_249, %slice3A_248, %select_n3A_243 : vector<8x512xi1>, vector<8x512xf32>
      %add3A_251 = arith.constant 4288 : i32
      %add3A_252 = vector.broadcast %add3A_251 : i32 to vector<8x512xi32>
      %add3A_253 = arith.addi %iota3A_194, %add3A_252 : vector<8x512xi32>
      %select_n3A_254 = arith.select %lt3A_249, %add3A_253, %select_n3A_247 : vector<8x512xi1>, vector<8x512xi32>
      %slice3A_255 = vector.extract_strided_slice %add3A_15 {offsets = [200, 0], sizes = [8, 512], strides = [1, 1]} : vector<512x512xf32> to vector<8x512xf32>
      %lt3A_256 = arith.cmpf olt, %slice3A_255, %select_n3A_250 : vector<8x512xf32>
      %select_n3A_257 = arith.select %lt3A_256, %slice3A_255, %select_n3A_250 : vector<8x512xi1>, vector<8x512xf32>
      %add3A_258 = arith.constant 4296 : i32
      %add3A_259 = vector.broadcast %add3A_258 : i32 to vector<8x512xi32>
      %add3A_260 = arith.addi %iota3A_194, %add3A_259 : vector<8x512xi32>
      %select_n3A_261 = arith.select %lt3A_256, %add3A_260, %select_n3A_254 : vector<8x512xi1>, vector<8x512xi32>
      %slice3A_262 = vector.extract_strided_slice %add3A_15 {offsets = [208, 0], sizes = [8, 512], strides = [1, 1]} : vector<512x512xf32> to vector<8x512xf32>
      %lt3A_263 = arith.cmpf olt, %slice3A_262, %select_n3A_257 : vector<8x512xf32>
      %select_n3A_264 = arith.select %lt3A_263, %slice3A_262, %select_n3A_257 : vector<8x512xi1>, vector<8x512xf32>
      %add3A_265 = arith.constant 4304 : i32
      %add3A_266 = vector.broadcast %add3A_265 : i32 to vector<8x512xi32>
      %add3A_267 = arith.addi %iota3A_194, %add3A_266 : vector<8x512xi32>
      %select_n3A_268 = arith.select %lt3A_263, %add3A_267, %select_n3A_261 : vector<8x512xi1>, vector<8x512xi32>
      %slice3A_269 = vector.extract_strided_slice %add3A_15 {offsets = [216, 0], sizes = [8, 512], strides = [1, 1]} : vector<512x512xf32> to vector<8x512xf32>
      %lt3A_270 = arith.cmpf olt, %slice3A_269, %select_n3A_264 : vector<8x512xf32>
      %select_n3A_271 = arith.select %lt3A_270, %slice3A_269, %select_n3A_264 : vector<8x512xi1>, vector<8x512xf32>
      %add3A_272 = arith.constant 4312 : i32
      %add3A_273 = vector.broadcast %add3A_272 : i32 to vector<8x512xi32>
      %add3A_274 = arith.addi %iota3A_194, %add3A_273 : vector<8x512xi32>
      %select_n3A_275 = arith.select %lt3A_270, %add3A_274, %select_n3A_268 : vector<8x512xi1>, vector<8x512xi32>
      %slice3A_276 = vector.extract_strided_slice %add3A_15 {offsets = [224, 0], sizes = [8, 512], strides = [1, 1]} : vector<512x512xf32> to vector<8x512xf32>
      %lt3A_277 = arith.cmpf olt, %slice3A_276, %select_n3A_271 : vector<8x512xf32>
      %select_n3A_278 = arith.select %lt3A_277, %slice3A_276, %select_n3A_271 : vector<8x512xi1>, vector<8x512xf32>
      %add3A_279 = arith.constant 4320 : i32
      %add3A_280 = vector.broadcast %add3A_279 : i32 to vector<8x512xi32>
      %add3A_281 = arith.addi %iota3A_194, %add3A_280 : vector<8x512xi32>
      %select_n3A_282 = arith.select %lt3A_277, %add3A_281, %select_n3A_275 : vector<8x512xi1>, vector<8x512xi32>
      %slice3A_283 = vector.extract_strided_slice %add3A_15 {offsets = [232, 0], sizes = [8, 512], strides = [1, 1]} : vector<512x512xf32> to vector<8x512xf32>
      %lt3A_284 = arith.cmpf olt, %slice3A_283, %select_n3A_278 : vector<8x512xf32>
      %select_n3A_285 = arith.select %lt3A_284, %slice3A_283, %select_n3A_278 : vector<8x512xi1>, vector<8x512xf32>
      %add3A_286 = arith.constant 4328 : i32
      %add3A_287 = vector.broadcast %add3A_286 : i32 to vector<8x512xi32>
      %add3A_288 = arith.addi %iota3A_194, %add3A_287 : vector<8x512xi32>
      %select_n3A_289 = arith.select %lt3A_284, %add3A_288, %select_n3A_282 : vector<8x512xi1>, vector<8x512xi32>
      %slice3A_290 = vector.extract_strided_slice %add3A_15 {offsets = [240, 0], sizes = [8, 512], strides = [1, 1]} : vector<512x512xf32> to vector<8x512xf32>
      %lt3A_291 = arith.cmpf olt, %slice3A_290, %select_n3A_285 : vector<8x512xf32>
      %select_n3A_292 = arith.select %lt3A_291, %slice3A_290, %select_n3A_285 : vector<8x512xi1>, vector<8x512xf32>
      %add3A_293 = arith.constant 4336 : i32
      %add3A_294 = vector.broadcast %add3A_293 : i32 to vector<8x512xi32>
      %add3A_295 = arith.addi %iota3A_194, %add3A_294 : vector<8x512xi32>
      %select_n3A_296 = arith.select %lt3A_291, %add3A_295, %select_n3A_289 : vector<8x512xi1>, vector<8x512xi32>
      %slice3A_297 = vector.extract_strided_slice %add3A_15 {offsets = [248, 0], sizes = [8, 512], strides = [1, 1]} : vector<512x512xf32> to vector<8x512xf32>
      %lt3A_298 = arith.cmpf olt, %slice3A_297, %select_n3A_292 : vector<8x512xf32>
      %select_n3A_299 = arith.select %lt3A_298, %slice3A_297, %select_n3A_292 : vector<8x512xi1>, vector<8x512xf32>
      %add3A_300 = arith.constant 4344 : i32
      %add3A_301 = vector.broadcast %add3A_300 : i32 to vector<8x512xi32>
      %add3A_302 = arith.addi %iota3A_194, %add3A_301 : vector<8x512xi32>
      %select_n3A_303 = arith.select %lt3A_298, %add3A_302, %select_n3A_296 : vector<8x512xi1>, vector<8x512xi32>
      %slice3A_304 = vector.extract_strided_slice %add3A_15 {offsets = [256, 0], sizes = [8, 512], strides = [1, 1]} : vector<512x512xf32> to vector<8x512xf32>
      %lt3A_305 = arith.cmpf olt, %slice3A_304, %select_n3A_299 : vector<8x512xf32>
      %select_n3A_306 = arith.select %lt3A_305, %slice3A_304, %select_n3A_299 : vector<8x512xi1>, vector<8x512xf32>
      %add3A_307 = arith.constant 4352 : i32
      %add3A_308 = vector.broadcast %add3A_307 : i32 to vector<8x512xi32>
      %add3A_309 = arith.addi %iota3A_194, %add3A_308 : vector<8x512xi32>
      %select_n3A_310 = arith.select %lt3A_305, %add3A_309, %select_n3A_303 : vector<8x512xi1>, vector<8x512xi32>
      %slice3A_311 = vector.extract_strided_slice %add3A_15 {offsets = [264, 0], sizes = [8, 512], strides = [1, 1]} : vector<512x512xf32> to vector<8x512xf32>
      %lt3A_312 = arith.cmpf olt, %slice3A_311, %select_n3A_306 : vector<8x512xf32>
      %select_n3A_313 = arith.select %lt3A_312, %slice3A_311, %select_n3A_306 : vector<8x512xi1>, vector<8x512xf32>
      %add3A_314 = arith.constant 4360 : i32
      %add3A_315 = vector.broadcast %add3A_314 : i32 to vector<8x512xi32>
      %add3A_316 = arith.addi %iota3A_194, %add3A_315 : vector<8x512xi32>
      %select_n3A_317 = arith.select %lt3A_312, %add3A_316, %select_n3A_310 : vector<8x512xi1>, vector<8x512xi32>
      %slice3A_318 = vector.extract_strided_slice %add3A_15 {offsets = [272, 0], sizes = [8, 512], strides = [1, 1]} : vector<512x512xf32> to vector<8x512xf32>
      %lt3A_319 = arith.cmpf olt, %slice3A_318, %select_n3A_313 : vector<8x512xf32>
      %select_n3A_320 = arith.select %lt3A_319, %slice3A_318, %select_n3A_313 : vector<8x512xi1>, vector<8x512xf32>
      %add3A_321 = arith.constant 4368 : i32
      %add3A_322 = vector.broadcast %add3A_321 : i32 to vector<8x512xi32>
      %add3A_323 = arith.addi %iota3A_194, %add3A_322 : vector<8x512xi32>
      %select_n3A_324 = arith.select %lt3A_319, %add3A_323, %select_n3A_317 : vector<8x512xi1>, vector<8x512xi32>
      %slice3A_325 = vector.extract_strided_slice %add3A_15 {offsets = [280, 0], sizes = [8, 512], strides = [1, 1]} : vector<512x512xf32> to vector<8x512xf32>
      %lt3A_326 = arith.cmpf olt, %slice3A_325, %select_n3A_320 : vector<8x512xf32>
      %select_n3A_327 = arith.select %lt3A_326, %slice3A_325, %select_n3A_320 : vector<8x512xi1>, vector<8x512xf32>
      %add3A_328 = arith.constant 4376 : i32
      %add3A_329 = vector.broadcast %add3A_328 : i32 to vector<8x512xi32>
      %add3A_330 = arith.addi %iota3A_194, %add3A_329 : vector<8x512xi32>
      %select_n3A_331 = arith.select %lt3A_326, %add3A_330, %select_n3A_324 : vector<8x512xi1>, vector<8x512xi32>
      %slice3A_332 = vector.extract_strided_slice %add3A_15 {offsets = [288, 0], sizes = [8, 512], strides = [1, 1]} : vector<512x512xf32> to vector<8x512xf32>
      %lt3A_333 = arith.cmpf olt, %slice3A_332, %select_n3A_327 : vector<8x512xf32>
      %select_n3A_334 = arith.select %lt3A_333, %slice3A_332, %select_n3A_327 : vector<8x512xi1>, vector<8x512xf32>
      %add3A_335 = arith.constant 4384 : i32
      %add3A_336 = vector.broadcast %add3A_335 : i32 to vector<8x512xi32>
      %add3A_337 = arith.addi %iota3A_194, %add3A_336 : vector<8x512xi32>
      %select_n3A_338 = arith.select %lt3A_333, %add3A_337, %select_n3A_331 : vector<8x512xi1>, vector<8x512xi32>
      %slice3A_339 = vector.extract_strided_slice %add3A_15 {offsets = [296, 0], sizes = [8, 512], strides = [1, 1]} : vector<512x512xf32> to vector<8x512xf32>
      %lt3A_340 = arith.cmpf olt, %slice3A_339, %select_n3A_334 : vector<8x512xf32>
      %select_n3A_341 = arith.select %lt3A_340, %slice3A_339, %select_n3A_334 : vector<8x512xi1>, vector<8x512xf32>
      %add3A_342 = arith.constant 4392 : i32
      %add3A_343 = vector.broadcast %add3A_342 : i32 to vector<8x512xi32>
      %add3A_344 = arith.addi %iota3A_194, %add3A_343 : vector<8x512xi32>
      %select_n3A_345 = arith.select %lt3A_340, %add3A_344, %select_n3A_338 : vector<8x512xi1>, vector<8x512xi32>
      %slice3A_346 = vector.extract_strided_slice %add3A_15 {offsets = [304, 0], sizes = [8, 512], strides = [1, 1]} : vector<512x512xf32> to vector<8x512xf32>
      %lt3A_347 = arith.cmpf olt, %slice3A_346, %select_n3A_341 : vector<8x512xf32>
      %select_n3A_348 = arith.select %lt3A_347, %slice3A_346, %select_n3A_341 : vector<8x512xi1>, vector<8x512xf32>
      %add3A_349 = arith.constant 4400 : i32
      %add3A_350 = vector.broadcast %add3A_349 : i32 to vector<8x512xi32>
      %add3A_351 = arith.addi %iota3A_194, %add3A_350 : vector<8x512xi32>
      %select_n3A_352 = arith.select %lt3A_347, %add3A_351, %select_n3A_345 : vector<8x512xi1>, vector<8x512xi32>
      %slice3A_353 = vector.extract_strided_slice %add3A_15 {offsets = [312, 0], sizes = [8, 512], strides = [1, 1]} : vector<512x512xf32> to vector<8x512xf32>
      %lt3A_354 = arith.cmpf olt, %slice3A_353, %select_n3A_348 : vector<8x512xf32>
      %select_n3A_355 = arith.select %lt3A_354, %slice3A_353, %select_n3A_348 : vector<8x512xi1>, vector<8x512xf32>
      %add3A_356 = arith.constant 4408 : i32
      %add3A_357 = vector.broadcast %add3A_356 : i32 to vector<8x512xi32>
      %add3A_358 = arith.addi %iota3A_194, %add3A_357 : vector<8x512xi32>
      %select_n3A_359 = arith.select %lt3A_354, %add3A_358, %select_n3A_352 : vector<8x512xi1>, vector<8x512xi32>
      %slice3A_360 = vector.extract_strided_slice %add3A_15 {offsets = [320, 0], sizes = [8, 512], strides = [1, 1]} : vector<512x512xf32> to vector<8x512xf32>
      %lt3A_361 = arith.cmpf olt, %slice3A_360, %select_n3A_355 : vector<8x512xf32>
      %select_n3A_362 = arith.select %lt3A_361, %slice3A_360, %select_n3A_355 : vector<8x512xi1>, vector<8x512xf32>
      %add3A_363 = arith.constant 4416 : i32
      %add3A_364 = vector.broadcast %add3A_363 : i32 to vector<8x512xi32>
      %add3A_365 = arith.addi %iota3A_194, %add3A_364 : vector<8x512xi32>
      %select_n3A_366 = arith.select %lt3A_361, %add3A_365, %select_n3A_359 : vector<8x512xi1>, vector<8x512xi32>
      %slice3A_367 = vector.extract_strided_slice %add3A_15 {offsets = [328, 0], sizes = [8, 512], strides = [1, 1]} : vector<512x512xf32> to vector<8x512xf32>
      %lt3A_368 = arith.cmpf olt, %slice3A_367, %select_n3A_362 : vector<8x512xf32>
      %select_n3A_369 = arith.select %lt3A_368, %slice3A_367, %select_n3A_362 : vector<8x512xi1>, vector<8x512xf32>
      %add3A_370 = arith.constant 4424 : i32
      %add3A_371 = vector.broadcast %add3A_370 : i32 to vector<8x512xi32>
      %add3A_372 = arith.addi %iota3A_194, %add3A_371 : vector<8x512xi32>
      %select_n3A_373 = arith.select %lt3A_368, %add3A_372, %select_n3A_366 : vector<8x512xi1>, vector<8x512xi32>
      %slice3A_374 = vector.extract_strided_slice %add3A_15 {offsets = [336, 0], sizes = [8, 512], strides = [1, 1]} : vector<512x512xf32> to vector<8x512xf32>
      %lt3A_375 = arith.cmpf olt, %slice3A_374, %select_n3A_369 : vector<8x512xf32>
      %select_n3A_376 = arith.select %lt3A_375, %slice3A_374, %select_n3A_369 : vector<8x512xi1>, vector<8x512xf32>
      %add3A_377 = arith.constant 4432 : i32
      %add3A_378 = vector.broadcast %add3A_377 : i32 to vector<8x512xi32>
      %add3A_379 = arith.addi %iota3A_194, %add3A_378 : vector<8x512xi32>
      %select_n3A_380 = arith.select %lt3A_375, %add3A_379, %select_n3A_373 : vector<8x512xi1>, vector<8x512xi32>
      %slice3A_381 = vector.extract_strided_slice %add3A_15 {offsets = [344, 0], sizes = [8, 512], strides = [1, 1]} : vector<512x512xf32> to vector<8x512xf32>
      %lt3A_382 = arith.cmpf olt, %slice3A_381, %select_n3A_376 : vector<8x512xf32>
      %select_n3A_383 = arith.select %lt3A_382, %slice3A_381, %select_n3A_376 : vector<8x512xi1>, vector<8x512xf32>
      %add3A_384 = arith.constant 4440 : i32
      %add3A_385 = vector.broadcast %add3A_384 : i32 to vector<8x512xi32>
      %add3A_386 = arith.addi %iota3A_194, %add3A_385 : vector<8x512xi32>
      %select_n3A_387 = arith.select %lt3A_382, %add3A_386, %select_n3A_380 : vector<8x512xi1>, vector<8x512xi32>
      %slice3A_388 = vector.extract_strided_slice %add3A_15 {offsets = [352, 0], sizes = [8, 512], strides = [1, 1]} : vector<512x512xf32> to vector<8x512xf32>
      %lt3A_389 = arith.cmpf olt, %slice3A_388, %select_n3A_383 : vector<8x512xf32>
      %select_n3A_390 = arith.select %lt3A_389, %slice3A_388, %select_n3A_383 : vector<8x512xi1>, vector<8x512xf32>
      %add3A_391 = arith.constant 4448 : i32
      %add3A_392 = vector.broadcast %add3A_391 : i32 to vector<8x512xi32>
      %add3A_393 = arith.addi %iota3A_194, %add3A_392 : vector<8x512xi32>
      %select_n3A_394 = arith.select %lt3A_389, %add3A_393, %select_n3A_387 : vector<8x512xi1>, vector<8x512xi32>
      %slice3A_395 = vector.extract_strided_slice %add3A_15 {offsets = [360, 0], sizes = [8, 512], strides = [1, 1]} : vector<512x512xf32> to vector<8x512xf32>
      %lt3A_396 = arith.cmpf olt, %slice3A_395, %select_n3A_390 : vector<8x512xf32>
      %select_n3A_397 = arith.select %lt3A_396, %slice3A_395, %select_n3A_390 : vector<8x512xi1>, vector<8x512xf32>
      %add3A_398 = arith.constant 4456 : i32
      %add3A_399 = vector.broadcast %add3A_398 : i32 to vector<8x512xi32>
      %add3A_400 = arith.addi %iota3A_194, %add3A_399 : vector<8x512xi32>
      %select_n3A_401 = arith.select %lt3A_396, %add3A_400, %select_n3A_394 : vector<8x512xi1>, vector<8x512xi32>
      %slice3A_402 = vector.extract_strided_slice %add3A_15 {offsets = [368, 0], sizes = [8, 512], strides = [1, 1]} : vector<512x512xf32> to vector<8x512xf32>
      %lt3A_403 = arith.cmpf olt, %slice3A_402, %select_n3A_397 : vector<8x512xf32>
      %select_n3A_404 = arith.select %lt3A_403, %slice3A_402, %select_n3A_397 : vector<8x512xi1>, vector<8x512xf32>
      %add3A_405 = arith.constant 4464 : i32
      %add3A_406 = vector.broadcast %add3A_405 : i32 to vector<8x512xi32>
      %add3A_407 = arith.addi %iota3A_194, %add3A_406 : vector<8x512xi32>
      %select_n3A_408 = arith.select %lt3A_403, %add3A_407, %select_n3A_401 : vector<8x512xi1>, vector<8x512xi32>
      %slice3A_409 = vector.extract_strided_slice %add3A_15 {offsets = [376, 0], sizes = [8, 512], strides = [1, 1]} : vector<512x512xf32> to vector<8x512xf32>
      %lt3A_410 = arith.cmpf olt, %slice3A_409, %select_n3A_404 : vector<8x512xf32>
      %select_n3A_411 = arith.select %lt3A_410, %slice3A_409, %select_n3A_404 : vector<8x512xi1>, vector<8x512xf32>
      %add3A_412 = arith.constant 4472 : i32
      %add3A_413 = vector.broadcast %add3A_412 : i32 to vector<8x512xi32>
      %add3A_414 = arith.addi %iota3A_194, %add3A_413 : vector<8x512xi32>
      %select_n3A_415 = arith.select %lt3A_410, %add3A_414, %select_n3A_408 : vector<8x512xi1>, vector<8x512xi32>
      %slice3A_416 = vector.extract_strided_slice %add3A_15 {offsets = [384, 0], sizes = [8, 512], strides = [1, 1]} : vector<512x512xf32> to vector<8x512xf32>
      %add3A_417 = arith.constant 4480 : i32
      %add3A_418 = vector.broadcast %add3A_417 : i32 to vector<8x512xi32>
      %add3A_419 = arith.addi %iota3A_194, %add3A_418 : vector<8x512xi32>
      %slice3A_420 = vector.extract_strided_slice %add3A_15 {offsets = [392, 0], sizes = [8, 512], strides = [1, 1]} : vector<512x512xf32> to vector<8x512xf32>
      %lt3A_421 = arith.cmpf olt, %slice3A_420, %slice3A_416 : vector<8x512xf32>
      %select_n3A_422 = arith.select %lt3A_421, %slice3A_420, %slice3A_416 : vector<8x512xi1>, vector<8x512xf32>
      %add3A_423 = arith.constant 4488 : i32
      %add3A_424 = vector.broadcast %add3A_423 : i32 to vector<8x512xi32>
      %add3A_425 = arith.addi %iota3A_194, %add3A_424 : vector<8x512xi32>
      %select_n3A_426 = arith.select %lt3A_421, %add3A_425, %add3A_419 : vector<8x512xi1>, vector<8x512xi32>
      %slice3A_427 = vector.extract_strided_slice %add3A_15 {offsets = [400, 0], sizes = [8, 512], strides = [1, 1]} : vector<512x512xf32> to vector<8x512xf32>
      %lt3A_428 = arith.cmpf olt, %slice3A_427, %select_n3A_422 : vector<8x512xf32>
      %select_n3A_429 = arith.select %lt3A_428, %slice3A_427, %select_n3A_422 : vector<8x512xi1>, vector<8x512xf32>
      %add3A_430 = arith.constant 4496 : i32
      %add3A_431 = vector.broadcast %add3A_430 : i32 to vector<8x512xi32>
      %add3A_432 = arith.addi %iota3A_194, %add3A_431 : vector<8x512xi32>
      %select_n3A_433 = arith.select %lt3A_428, %add3A_432, %select_n3A_426 : vector<8x512xi1>, vector<8x512xi32>
      %slice3A_434 = vector.extract_strided_slice %add3A_15 {offsets = [408, 0], sizes = [8, 512], strides = [1, 1]} : vector<512x512xf32> to vector<8x512xf32>
      %lt3A_435 = arith.cmpf olt, %slice3A_434, %select_n3A_429 : vector<8x512xf32>
      %select_n3A_436 = arith.select %lt3A_435, %slice3A_434, %select_n3A_429 : vector<8x512xi1>, vector<8x512xf32>
      %add3A_437 = arith.constant 4504 : i32
      %add3A_438 = vector.broadcast %add3A_437 : i32 to vector<8x512xi32>
      %add3A_439 = arith.addi %iota3A_194, %add3A_438 : vector<8x512xi32>
      %select_n3A_440 = arith.select %lt3A_435, %add3A_439, %select_n3A_433 : vector<8x512xi1>, vector<8x512xi32>
      %slice3A_441 = vector.extract_strided_slice %add3A_15 {offsets = [416, 0], sizes = [8, 512], strides = [1, 1]} : vector<512x512xf32> to vector<8x512xf32>
      %lt3A_442 = arith.cmpf olt, %slice3A_441, %select_n3A_436 : vector<8x512xf32>
      %select_n3A_443 = arith.select %lt3A_442, %slice3A_441, %select_n3A_436 : vector<8x512xi1>, vector<8x512xf32>
      %add3A_444 = arith.constant 4512 : i32
      %add3A_445 = vector.broadcast %add3A_444 : i32 to vector<8x512xi32>
      %add3A_446 = arith.addi %iota3A_194, %add3A_445 : vector<8x512xi32>
      %select_n3A_447 = arith.select %lt3A_442, %add3A_446, %select_n3A_440 : vector<8x512xi1>, vector<8x512xi32>
      %slice3A_448 = vector.extract_strided_slice %add3A_15 {offsets = [424, 0], sizes = [8, 512], strides = [1, 1]} : vector<512x512xf32> to vector<8x512xf32>
      %lt3A_449 = arith.cmpf olt, %slice3A_448, %select_n3A_443 : vector<8x512xf32>
      %select_n3A_450 = arith.select %lt3A_449, %slice3A_448, %select_n3A_443 : vector<8x512xi1>, vector<8x512xf32>
      %add3A_451 = arith.constant 4520 : i32
      %add3A_452 = vector.broadcast %add3A_451 : i32 to vector<8x512xi32>
      %add3A_453 = arith.addi %iota3A_194, %add3A_452 : vector<8x512xi32>
      %select_n3A_454 = arith.select %lt3A_449, %add3A_453, %select_n3A_447 : vector<8x512xi1>, vector<8x512xi32>
      %slice3A_455 = vector.extract_strided_slice %add3A_15 {offsets = [432, 0], sizes = [8, 512], strides = [1, 1]} : vector<512x512xf32> to vector<8x512xf32>
      %lt3A_456 = arith.cmpf olt, %slice3A_455, %select_n3A_450 : vector<8x512xf32>
      %select_n3A_457 = arith.select %lt3A_456, %slice3A_455, %select_n3A_450 : vector<8x512xi1>, vector<8x512xf32>
      %add3A_458 = arith.constant 4528 : i32
      %add3A_459 = vector.broadcast %add3A_458 : i32 to vector<8x512xi32>
      %add3A_460 = arith.addi %iota3A_194, %add3A_459 : vector<8x512xi32>
      %select_n3A_461 = arith.select %lt3A_456, %add3A_460, %select_n3A_454 : vector<8x512xi1>, vector<8x512xi32>
      %slice3A_462 = vector.extract_strided_slice %add3A_15 {offsets = [440, 0], sizes = [8, 512], strides = [1, 1]} : vector<512x512xf32> to vector<8x512xf32>
      %lt3A_463 = arith.cmpf olt, %slice3A_462, %select_n3A_457 : vector<8x512xf32>
      %select_n3A_464 = arith.select %lt3A_463, %slice3A_462, %select_n3A_457 : vector<8x512xi1>, vector<8x512xf32>
      %add3A_465 = arith.constant 4536 : i32
      %add3A_466 = vector.broadcast %add3A_465 : i32 to vector<8x512xi32>
      %add3A_467 = arith.addi %iota3A_194, %add3A_466 : vector<8x512xi32>
      %select_n3A_468 = arith.select %lt3A_463, %add3A_467, %select_n3A_461 : vector<8x512xi1>, vector<8x512xi32>
      %slice3A_469 = vector.extract_strided_slice %add3A_15 {offsets = [448, 0], sizes = [8, 512], strides = [1, 1]} : vector<512x512xf32> to vector<8x512xf32>
      %lt3A_470 = arith.cmpf olt, %slice3A_469, %select_n3A_464 : vector<8x512xf32>
      %select_n3A_471 = arith.select %lt3A_470, %slice3A_469, %select_n3A_464 : vector<8x512xi1>, vector<8x512xf32>
      %add3A_472 = arith.constant 4544 : i32
      %add3A_473 = vector.broadcast %add3A_472 : i32 to vector<8x512xi32>
      %add3A_474 = arith.addi %iota3A_194, %add3A_473 : vector<8x512xi32>
      %select_n3A_475 = arith.select %lt3A_470, %add3A_474, %select_n3A_468 : vector<8x512xi1>, vector<8x512xi32>
      %slice3A_476 = vector.extract_strided_slice %add3A_15 {offsets = [456, 0], sizes = [8, 512], strides = [1, 1]} : vector<512x512xf32> to vector<8x512xf32>
      %lt3A_477 = arith.cmpf olt, %slice3A_476, %select_n3A_471 : vector<8x512xf32>
      %select_n3A_478 = arith.select %lt3A_477, %slice3A_476, %select_n3A_471 : vector<8x512xi1>, vector<8x512xf32>
      %add3A_479 = arith.constant 4552 : i32
      %add3A_480 = vector.broadcast %add3A_479 : i32 to vector<8x512xi32>
      %add3A_481 = arith.addi %iota3A_194, %add3A_480 : vector<8x512xi32>
      %select_n3A_482 = arith.select %lt3A_477, %add3A_481, %select_n3A_475 : vector<8x512xi1>, vector<8x512xi32>
      %slice3A_483 = vector.extract_strided_slice %add3A_15 {offsets = [464, 0], sizes = [8, 512], strides = [1, 1]} : vector<512x512xf32> to vector<8x512xf32>
      %lt3A_484 = arith.cmpf olt, %slice3A_483, %select_n3A_478 : vector<8x512xf32>
      %select_n3A_485 = arith.select %lt3A_484, %slice3A_483, %select_n3A_478 : vector<8x512xi1>, vector<8x512xf32>
      %add3A_486 = arith.constant 4560 : i32
      %add3A_487 = vector.broadcast %add3A_486 : i32 to vector<8x512xi32>
      %add3A_488 = arith.addi %iota3A_194, %add3A_487 : vector<8x512xi32>
      %select_n3A_489 = arith.select %lt3A_484, %add3A_488, %select_n3A_482 : vector<8x512xi1>, vector<8x512xi32>
      %slice3A_490 = vector.extract_strided_slice %add3A_15 {offsets = [472, 0], sizes = [8, 512], strides = [1, 1]} : vector<512x512xf32> to vector<8x512xf32>
      %lt3A_491 = arith.cmpf olt, %slice3A_490, %select_n3A_485 : vector<8x512xf32>
      %select_n3A_492 = arith.select %lt3A_491, %slice3A_490, %select_n3A_485 : vector<8x512xi1>, vector<8x512xf32>
      %add3A_493 = arith.constant 4568 : i32
      %add3A_494 = vector.broadcast %add3A_493 : i32 to vector<8x512xi32>
      %add3A_495 = arith.addi %iota3A_194, %add3A_494 : vector<8x512xi32>
      %select_n3A_496 = arith.select %lt3A_491, %add3A_495, %select_n3A_489 : vector<8x512xi1>, vector<8x512xi32>
      %slice3A_497 = vector.extract_strided_slice %add3A_15 {offsets = [480, 0], sizes = [8, 512], strides = [1, 1]} : vector<512x512xf32> to vector<8x512xf32>
      %lt3A_498 = arith.cmpf olt, %slice3A_497, %select_n3A_492 : vector<8x512xf32>
      %select_n3A_499 = arith.select %lt3A_498, %slice3A_497, %select_n3A_492 : vector<8x512xi1>, vector<8x512xf32>
      %add3A_500 = arith.constant 4576 : i32
      %add3A_501 = vector.broadcast %add3A_500 : i32 to vector<8x512xi32>
      %add3A_502 = arith.addi %iota3A_194, %add3A_501 : vector<8x512xi32>
      %select_n3A_503 = arith.select %lt3A_498, %add3A_502, %select_n3A_496 : vector<8x512xi1>, vector<8x512xi32>
      %slice3A_504 = vector.extract_strided_slice %add3A_15 {offsets = [488, 0], sizes = [8, 512], strides = [1, 1]} : vector<512x512xf32> to vector<8x512xf32>
      %lt3A_505 = arith.cmpf olt, %slice3A_504, %select_n3A_499 : vector<8x512xf32>
      %select_n3A_506 = arith.select %lt3A_505, %slice3A_504, %select_n3A_499 : vector<8x512xi1>, vector<8x512xf32>
      %add3A_507 = arith.constant 4584 : i32
      %add3A_508 = vector.broadcast %add3A_507 : i32 to vector<8x512xi32>
      %add3A_509 = arith.addi %iota3A_194, %add3A_508 : vector<8x512xi32>
      %select_n3A_510 = arith.select %lt3A_505, %add3A_509, %select_n3A_503 : vector<8x512xi1>, vector<8x512xi32>
      %slice3A_511 = vector.extract_strided_slice %add3A_15 {offsets = [496, 0], sizes = [8, 512], strides = [1, 1]} : vector<512x512xf32> to vector<8x512xf32>
      %lt3A_512 = arith.cmpf olt, %slice3A_511, %select_n3A_506 : vector<8x512xf32>
      %select_n3A_513 = arith.select %lt3A_512, %slice3A_511, %select_n3A_506 : vector<8x512xi1>, vector<8x512xf32>
      %add3A_514 = arith.constant 4592 : i32
      %add3A_515 = vector.broadcast %add3A_514 : i32 to vector<8x512xi32>
      %add3A_516 = arith.addi %iota3A_194, %add3A_515 : vector<8x512xi32>
      %select_n3A_517 = arith.select %lt3A_512, %add3A_516, %select_n3A_510 : vector<8x512xi1>, vector<8x512xi32>
      %slice3A_518 = vector.extract_strided_slice %add3A_15 {offsets = [504, 0], sizes = [8, 512], strides = [1, 1]} : vector<512x512xf32> to vector<8x512xf32>
      %lt3A_519 = arith.cmpf olt, %slice3A_518, %select_n3A_513 : vector<8x512xf32>
      %select_n3A_520 = arith.select %lt3A_519, %slice3A_518, %select_n3A_513 : vector<8x512xi1>, vector<8x512xf32>
      %add3A_521 = arith.constant 4600 : i32
      %add3A_522 = vector.broadcast %add3A_521 : i32 to vector<8x512xi32>
      %add3A_523 = arith.addi %iota3A_194, %add3A_522 : vector<8x512xi32>
      %select_n3A_524 = arith.select %lt3A_519, %add3A_523, %select_n3A_517 : vector<8x512xi1>, vector<8x512xi32>
      %lt3A_525 = arith.cmpf olt, %select_n3A_520, %select_n3A_411 : vector<8x512xf32>
      %select_n3A_526 = arith.select %lt3A_525, %select_n3A_520, %select_n3A_411 : vector<8x512xi1>, vector<8x512xf32>
      %select_n3A_527 = arith.select %lt3A_525, %select_n3A_524, %select_n3A_415 : vector<8x512xi1>, vector<8x512xi32>
      %reduce_min3A_528 = arith.constant dense<0x7F800000> : vector<512xf32>
      %reduce_min3A_529 = vector.multi_reduction <minimumf>, %select_n3A_526, %reduce_min3A_528 [0] : vector<8x512xf32> to vector<512xf32>
      %broadcast_in_dim3A_530 = vector.shape_cast %reduce_min3A_529 : vector<512xf32> to vector<1x512xf32>
      %eq3A_531 = vector.broadcast %broadcast_in_dim3A_530 : vector<1x512xf32> to vector<8x512xf32>
      %eq3A_532 = arith.cmpf oeq, %select_n3A_526, %eq3A_531 : vector<8x512xf32>
      %broadcast_in_dim3A_533 = arith.constant 1073741824 : i32
      %broadcast_in_dim3A_534 = vector.broadcast %broadcast_in_dim3A_533 : i32 to vector<8x512xi32>
      %select_n3A_535 = arith.select %eq3A_532, %select_n3A_527, %broadcast_in_dim3A_534 : vector<8x512xi1>, vector<8x512xi32>
      %reduce_min3A_536 = arith.constant dense<2147483647> : vector<512xi32>
      %reduce_min3A_537 = vector.multi_reduction <minsi>, %select_n3A_535, %reduce_min3A_536 [0] : vector<8x512xi32> to vector<512xi32>
      %broadcast_in_dim3A_538 = vector.shape_cast %reduce_min3A_537 : vector<512xi32> to vector<1x512xi32>
      %get3A_539 = arith.constant 0 : index
      %get3A_540 = arith.index_cast %mul3A_17 : i32 to index
      %get3A_541 = vector.load %arg8[%get3A_539, %get3A_540] : memref<1x8192xf32, #tpu.memory_space<vmem>>, vector<1x512xf32>
      %get3A_542 = arith.constant 0 : index
      %get3A_543 = arith.index_cast %mul3A_17 : i32 to index
      %get3A_544 = vector.load %arg9[%get3A_542, %get3A_543] : memref<1x8192xi32, #tpu.memory_space<vmem>>, vector<1x512xi32>
      %lt3A_545 = arith.cmpf olt, %broadcast_in_dim3A_530, %get3A_541 : vector<1x512xf32>
      %select_n3A_546 = arith.select %lt3A_545, %broadcast_in_dim3A_530, %get3A_541 : vector<1x512xi1>, vector<1x512xf32>
      %swap3A_547 = arith.constant 0 : index
      %swap3A_548 = arith.index_cast %mul3A_17 : i32 to index
      %swap3A_549 = vector.load %arg8[%swap3A_547, %swap3A_548] : memref<1x8192xf32, #tpu.memory_space<vmem>>, vector<1x512xf32>
      tpu.vector_store %arg8[%swap3A_547, %swap3A_548], %select_n3A_546 {strides = array<i32>} : memref<1x8192xf32, #tpu.memory_space<vmem>>, vector<1x512xf32>,
      %select_n3A_550 = arith.select %lt3A_545, %broadcast_in_dim3A_538, %get3A_544 : vector<1x512xi1>, vector<1x512xi32>
      %swap3A_551 = arith.constant 0 : index
      %swap3A_552 = arith.index_cast %mul3A_17 : i32 to index
      %swap3A_553 = vector.load %arg9[%swap3A_551, %swap3A_552] : memref<1x8192xi32, #tpu.memory_space<vmem>>, vector<1x512xi32>
      tpu.vector_store %arg9[%swap3A_551, %swap3A_552], %select_n3A_550 {strides = array<i32>} : memref<1x8192xi32, #tpu.memory_space<vmem>>, vector<1x512xi32>,
      %get3A_554 = arith.constant 0 : index
      %get3A_555 = arith.index_cast %mul3A_17 : i32 to index
      %get3A_556 = vector.load %arg10[%get3A_554, %get3A_555] : memref<1x8192xf32, #tpu.memory_space<vmem>>, vector<1x512xf32>
      %min3A_557 = arith.minimumf %get3A_556, %broadcast_in_dim3A_530 : vector<1x512xf32>
      %swap3A_558 = arith.constant 0 : index
      %swap3A_559 = arith.index_cast %mul3A_17 : i32 to index
      %swap3A_560 = vector.load %arg10[%swap3A_558, %swap3A_559] : memref<1x8192xf32, #tpu.memory_space<vmem>>, vector<1x512xf32>
      tpu.vector_store %arg10[%swap3A_558, %swap3A_559], %min3A_557 {strides = array<i32>} : memref<1x8192xf32, #tpu.memory_space<vmem>>, vector<1x512xf32>,
    } else {
    }
    %eq3A_41 = arith.constant 13 : i32
    %eq3A_42 = arith.cmpi eq, %arg0, %eq3A_41 : i32
    %convert_element_type3A_43 = arith.extui %eq3A_42 : i1 to i32
    %cond3A_44 = arith.constant 0 : i32
    %cond3A_45 = arith.cmpi ne, %convert_element_type3A_43, %cond3A_44 : i32
    scf.if %cond3A_45 {
      %iota3A = tpu.iota {dimensions = array<i32: 0>} : vector<8x512xi32>
      %slice3A = vector.extract_strided_slice %add3A_15 {offsets = [0, 0], sizes = [8, 512], strides = [1, 1]} : vector<512x512xf32> to vector<8x512xf32>
      %add3A_51 = arith.constant 6656 : i32
      %add3A_52 = vector.broadcast %add3A_51 : i32 to vector<8x512xi32>
      %add3A_53 = arith.addi %iota3A, %add3A_52 : vector<8x512xi32>
      %slice3A_54 = vector.extract_strided_slice %add3A_15 {offsets = [8, 0], sizes = [8, 512], strides = [1, 1]} : vector<512x512xf32> to vector<8x512xf32>
      %lt3A = arith.cmpf olt, %slice3A_54, %slice3A : vector<8x512xf32>
      %select_n3A = arith.select %lt3A, %slice3A_54, %slice3A : vector<8x512xi1>, vector<8x512xf32>
      %add3A_55 = arith.constant 6664 : i32
      %add3A_56 = vector.broadcast %add3A_55 : i32 to vector<8x512xi32>
      %add3A_57 = arith.addi %iota3A, %add3A_56 : vector<8x512xi32>
      %select_n3A_58 = arith.select %lt3A, %add3A_57, %add3A_53 : vector<8x512xi1>, vector<8x512xi32>
      %slice3A_59 = vector.extract_strided_slice %add3A_15 {offsets = [16, 0], sizes = [8, 512], strides = [1, 1]} : vector<512x512xf32> to vector<8x512xf32>
      %lt3A_60 = arith.cmpf olt, %slice3A_59, %select_n3A : vector<8x512xf32>
      %select_n3A_61 = arith.select %lt3A_60, %slice3A_59, %select_n3A : vector<8x512xi1>, vector<8x512xf32>
      %add3A_62 = arith.constant 6672 : i32
      %add3A_63 = vector.broadcast %add3A_62 : i32 to vector<8x512xi32>
      %add3A_64 = arith.addi %iota3A, %add3A_63 : vector<8x512xi32>
      %select_n3A_65 = arith.select %lt3A_60, %add3A_64, %select_n3A_58 : vector<8x512xi1>, vector<8x512xi32>
      %slice3A_66 = vector.extract_strided_slice %add3A_15 {offsets = [24, 0], sizes = [8, 512], strides = [1, 1]} : vector<512x512xf32> to vector<8x512xf32>
      %lt3A_67 = arith.cmpf olt, %slice3A_66, %select_n3A_61 : vector<8x512xf32>
      %select_n3A_68 = arith.select %lt3A_67, %slice3A_66, %select_n3A_61 : vector<8x512xi1>, vector<8x512xf32>
      %add3A_69 = arith.constant 6680 : i32
      %add3A_70 = vector.broadcast %add3A_69 : i32 to vector<8x512xi32>
      %add3A_71 = arith.addi %iota3A, %add3A_70 : vector<8x512xi32>
      %select_n3A_72 = arith.select %lt3A_67, %add3A_71, %select_n3A_65 : vector<8x512xi1>, vector<8x512xi32>
      %slice3A_73 = vector.extract_strided_slice %add3A_15 {offsets = [32, 0], sizes = [8, 512], strides = [1, 1]} : vector<512x512xf32> to vector<8x512xf32>
      %lt3A_74 = arith.cmpf olt, %slice3A_73, %select_n3A_68 : vector<8x512xf32>
      %select_n3A_75 = arith.select %lt3A_74, %slice3A_73, %select_n3A_68 : vector<8x512xi1>, vector<8x512xf32>
      %add3A_76 = arith.constant 6688 : i32
      %add3A_77 = vector.broadcast %add3A_76 : i32 to vector<8x512xi32>
      %add3A_78 = arith.addi %iota3A, %add3A_77 : vector<8x512xi32>
      %select_n3A_79 = arith.select %lt3A_74, %add3A_78, %select_n3A_72 : vector<8x512xi1>, vector<8x512xi32>
      %slice3A_80 = vector.extract_strided_slice %add3A_15 {offsets = [40, 0], sizes = [8, 512], strides = [1, 1]} : vector<512x512xf32> to vector<8x512xf32>
      %lt3A_81 = arith.cmpf olt, %slice3A_80, %select_n3A_75 : vector<8x512xf32>
      %select_n3A_82 = arith.select %lt3A_81, %slice3A_80, %select_n3A_75 : vector<8x512xi1>, vector<8x512xf32>
      %add3A_83 = arith.constant 6696 : i32
      %add3A_84 = vector.broadcast %add3A_83 : i32 to vector<8x512xi32>
      %add3A_85 = arith.addi %iota3A, %add3A_84 : vector<8x512xi32>
      %select_n3A_86 = arith.select %lt3A_81, %add3A_85, %select_n3A_79 : vector<8x512xi1>, vector<8x512xi32>
      %slice3A_87 = vector.extract_strided_slice %add3A_15 {offsets = [48, 0], sizes = [8, 512], strides = [1, 1]} : vector<512x512xf32> to vector<8x512xf32>
      %lt3A_88 = arith.cmpf olt, %slice3A_87, %select_n3A_82 : vector<8x512xf32>
      %select_n3A_89 = arith.select %lt3A_88, %slice3A_87, %select_n3A_82 : vector<8x512xi1>, vector<8x512xf32>
      %add3A_90 = arith.constant 6704 : i32
      %add3A_91 = vector.broadcast %add3A_90 : i32 to vector<8x512xi32>
      %add3A_92 = arith.addi %iota3A, %add3A_91 : vector<8x512xi32>
      %select_n3A_93 = arith.select %lt3A_88, %add3A_92, %select_n3A_86 : vector<8x512xi1>, vector<8x512xi32>
      %slice3A_94 = vector.extract_strided_slice %add3A_15 {offsets = [56, 0], sizes = [8, 512], strides = [1, 1]} : vector<512x512xf32> to vector<8x512xf32>
      %lt3A_95 = arith.cmpf olt, %slice3A_94, %select_n3A_89 : vector<8x512xf32>
      %select_n3A_96 = arith.select %lt3A_95, %slice3A_94, %select_n3A_89 : vector<8x512xi1>, vector<8x512xf32>
      %add3A_97 = arith.constant 6712 : i32
      %add3A_98 = vector.broadcast %add3A_97 : i32 to vector<8x512xi32>
      %add3A_99 = arith.addi %iota3A, %add3A_98 : vector<8x512xi32>
      %select_n3A_100 = arith.select %lt3A_95, %add3A_99, %select_n3A_93 : vector<8x512xi1>, vector<8x512xi32>
      %reduce_min3A = arith.constant dense<0x7F800000> : vector<512xf32>
      %reduce_min3A_101 = vector.multi_reduction <minimumf>, %select_n3A_96, %reduce_min3A [0] : vector<8x512xf32> to vector<512xf32>
      %broadcast_in_dim3A = vector.shape_cast %reduce_min3A_101 : vector<512xf32> to vector<1x512xf32>
      %eq3A_102 = vector.broadcast %broadcast_in_dim3A : vector<1x512xf32> to vector<8x512xf32>
      %eq3A_103 = arith.cmpf oeq, %select_n3A_96, %eq3A_102 : vector<8x512xf32>
      %broadcast_in_dim3A_104 = arith.constant 1073741824 : i32
      %broadcast_in_dim3A_105 = vector.broadcast %broadcast_in_dim3A_104 : i32 to vector<8x512xi32>
      %select_n3A_106 = arith.select %eq3A_103, %select_n3A_100, %broadcast_in_dim3A_105 : vector<8x512xi1>, vector<8x512xi32>
      %reduce_min3A_107 = arith.constant dense<2147483647> : vector<512xi32>
      %reduce_min3A_108 = vector.multi_reduction <minsi>, %select_n3A_106, %reduce_min3A_107 [0] : vector<8x512xi32> to vector<512xi32>
      %broadcast_in_dim3A_109 = vector.shape_cast %reduce_min3A_108 : vector<512xi32> to vector<1x512xi32>
      %get3A_110 = arith.constant 0 : index
      %get3A_111 = arith.index_cast %mul3A_17 : i32 to index
      %get3A_112 = vector.load %arg8[%get3A_110, %get3A_111] : memref<1x8192xf32, #tpu.memory_space<vmem>>, vector<1x512xf32>
      %get3A_113 = arith.constant 0 : index
      %get3A_114 = arith.index_cast %mul3A_17 : i32 to index
      %get3A_115 = vector.load %arg9[%get3A_113, %get3A_114] : memref<1x8192xi32, #tpu.memory_space<vmem>>, vector<1x512xi32>
      %lt3A_116 = arith.cmpf olt, %broadcast_in_dim3A, %get3A_112 : vector<1x512xf32>
      %select_n3A_117 = arith.select %lt3A_116, %broadcast_in_dim3A, %get3A_112 : vector<1x512xi1>, vector<1x512xf32>
      %swap3A = arith.constant 0 : index
      %swap3A_118 = arith.index_cast %mul3A_17 : i32 to index
      %swap3A_119 = vector.load %arg8[%swap3A, %swap3A_118] : memref<1x8192xf32, #tpu.memory_space<vmem>>, vector<1x512xf32>
      tpu.vector_store %arg8[%swap3A, %swap3A_118], %select_n3A_117 {strides = array<i32>} : memref<1x8192xf32, #tpu.memory_space<vmem>>, vector<1x512xf32>,
      %select_n3A_120 = arith.select %lt3A_116, %broadcast_in_dim3A_109, %get3A_115 : vector<1x512xi1>, vector<1x512xi32>
      %swap3A_121 = arith.constant 0 : index
      %swap3A_122 = arith.index_cast %mul3A_17 : i32 to index
      %swap3A_123 = vector.load %arg9[%swap3A_121, %swap3A_122] : memref<1x8192xi32, #tpu.memory_space<vmem>>, vector<1x512xi32>
      tpu.vector_store %arg9[%swap3A_121, %swap3A_122], %select_n3A_120 {strides = array<i32>} : memref<1x8192xi32, #tpu.memory_space<vmem>>, vector<1x512xi32>,
      %get3A_124 = arith.constant 0 : index
      %get3A_125 = arith.index_cast %mul3A_17 : i32 to index
      %get3A_126 = vector.load %arg10[%get3A_124, %get3A_125] : memref<1x8192xf32, #tpu.memory_space<vmem>>, vector<1x512xf32>
      %min3A = arith.minimumf %get3A_126, %broadcast_in_dim3A : vector<1x512xf32>
      %swap3A_127 = arith.constant 0 : index
      %swap3A_128 = arith.index_cast %mul3A_17 : i32 to index
      %swap3A_129 = vector.load %arg10[%swap3A_127, %swap3A_128] : memref<1x8192xf32, #tpu.memory_space<vmem>>, vector<1x512xf32>
      tpu.vector_store %arg10[%swap3A_127, %swap3A_128], %min3A {strides = array<i32>} : memref<1x8192xf32, #tpu.memory_space<vmem>>, vector<1x512xf32>,
      %get3A_130 = arith.constant 0 : index
      %get3A_131 = arith.index_cast %mul3A_17 : i32 to index
      %get3A_132 = vector.load %arg8[%get3A_130, %get3A_131] : memref<1x8192xf32, #tpu.memory_space<vmem>>, vector<1x512xf32>
      %convert_element_type3A_133 = arith.truncf %get3A_132 : vector<1x512xf32> to vector<1x512xbf16>
      %convert_element_type3A_134 = arith.extf %convert_element_type3A_133 : vector<1x512xbf16> to vector<1x512xf32>
      %swap3A_135 = arith.constant 0 : index
      %swap3A_136 = arith.index_cast %mul3A_17 : i32 to index
      %swap3A_137 = vector.load %arg8[%swap3A_135, %swap3A_136] : memref<1x8192xf32, #tpu.memory_space<vmem>>, vector<1x512xf32>
      tpu.vector_store %arg8[%swap3A_135, %swap3A_136], %convert_element_type3A_134 {strides = array<i32>} : memref<1x8192xf32, #tpu.memory_space<vmem>>, vector<1x512xf32>,
      %iota3A_138 = tpu.iota {dimensions = array<i32: 0>} : vector<8x512xi32>
      %slice3A_139 = vector.extract_strided_slice %add3A_15 {offsets = [64, 0], sizes = [8, 512], strides = [1, 1]} : vector<512x512xf32> to vector<8x512xf32>
      %add3A_140 = arith.constant 6720 : i32
      %add3A_141 = vector.broadcast %add3A_140 : i32 to vector<8x512xi32>
      %add3A_142 = arith.addi %iota3A_138, %add3A_141 : vector<8x512xi32>
      %slice3A_143 = vector.extract_strided_slice %add3A_15 {offsets = [72, 0], sizes = [8, 512], strides = [1, 1]} : vector<512x512xf32> to vector<8x512xf32>
      %lt3A_144 = arith.cmpf olt, %slice3A_143, %slice3A_139 : vector<8x512xf32>
      %select_n3A_145 = arith.select %lt3A_144, %slice3A_143, %slice3A_139 : vector<8x512xi1>, vector<8x512xf32>
      %add3A_146 = arith.constant 6728 : i32
      %add3A_147 = vector.broadcast %add3A_146 : i32 to vector<8x512xi32>
      %add3A_148 = arith.addi %iota3A_138, %add3A_147 : vector<8x512xi32>
      %select_n3A_149 = arith.select %lt3A_144, %add3A_148, %add3A_142 : vector<8x512xi1>, vector<8x512xi32>
      %slice3A_150 = vector.extract_strided_slice %add3A_15 {offsets = [80, 0], sizes = [8, 512], strides = [1, 1]} : vector<512x512xf32> to vector<8x512xf32>
      %lt3A_151 = arith.cmpf olt, %slice3A_150, %select_n3A_145 : vector<8x512xf32>
      %select_n3A_152 = arith.select %lt3A_151, %slice3A_150, %select_n3A_145 : vector<8x512xi1>, vector<8x512xf32>
      %add3A_153 = arith.constant 6736 : i32
      %add3A_154 = vector.broadcast %add3A_153 : i32 to vector<8x512xi32>
      %add3A_155 = arith.addi %iota3A_138, %add3A_154 : vector<8x512xi32>
      %select_n3A_156 = arith.select %lt3A_151, %add3A_155, %select_n3A_149 : vector<8x512xi1>, vector<8x512xi32>
      %slice3A_157 = vector.extract_strided_slice %add3A_15 {offsets = [88, 0], sizes = [8, 512], strides = [1, 1]} : vector<512x512xf32> to vector<8x512xf32>
      %lt3A_158 = arith.cmpf olt, %slice3A_157, %select_n3A_152 : vector<8x512xf32>
      %select_n3A_159 = arith.select %lt3A_158, %slice3A_157, %select_n3A_152 : vector<8x512xi1>, vector<8x512xf32>
      %add3A_160 = arith.constant 6744 : i32
      %add3A_161 = vector.broadcast %add3A_160 : i32 to vector<8x512xi32>
      %add3A_162 = arith.addi %iota3A_138, %add3A_161 : vector<8x512xi32>
      %select_n3A_163 = arith.select %lt3A_158, %add3A_162, %select_n3A_156 : vector<8x512xi1>, vector<8x512xi32>
      %slice3A_164 = vector.extract_strided_slice %add3A_15 {offsets = [96, 0], sizes = [8, 512], strides = [1, 1]} : vector<512x512xf32> to vector<8x512xf32>
      %lt3A_165 = arith.cmpf olt, %slice3A_164, %select_n3A_159 : vector<8x512xf32>
      %select_n3A_166 = arith.select %lt3A_165, %slice3A_164, %select_n3A_159 : vector<8x512xi1>, vector<8x512xf32>
      %add3A_167 = arith.constant 6752 : i32
      %add3A_168 = vector.broadcast %add3A_167 : i32 to vector<8x512xi32>
      %add3A_169 = arith.addi %iota3A_138, %add3A_168 : vector<8x512xi32>
      %select_n3A_170 = arith.select %lt3A_165, %add3A_169, %select_n3A_163 : vector<8x512xi1>, vector<8x512xi32>
      %slice3A_171 = vector.extract_strided_slice %add3A_15 {offsets = [104, 0], sizes = [8, 512], strides = [1, 1]} : vector<512x512xf32> to vector<8x512xf32>
      %lt3A_172 = arith.cmpf olt, %slice3A_171, %select_n3A_166 : vector<8x512xf32>
      %select_n3A_173 = arith.select %lt3A_172, %slice3A_171, %select_n3A_166 : vector<8x512xi1>, vector<8x512xf32>
      %add3A_174 = arith.constant 6760 : i32
      %add3A_175 = vector.broadcast %add3A_174 : i32 to vector<8x512xi32>
      %add3A_176 = arith.addi %iota3A_138, %add3A_175 : vector<8x512xi32>
      %select_n3A_177 = arith.select %lt3A_172, %add3A_176, %select_n3A_170 : vector<8x512xi1>, vector<8x512xi32>
      %slice3A_178 = vector.extract_strided_slice %add3A_15 {offsets = [112, 0], sizes = [8, 512], strides = [1, 1]} : vector<512x512xf32> to vector<8x512xf32>
      %lt3A_179 = arith.cmpf olt, %slice3A_178, %select_n3A_173 : vector<8x512xf32>
      %select_n3A_180 = arith.select %lt3A_179, %slice3A_178, %select_n3A_173 : vector<8x512xi1>, vector<8x512xf32>
      %add3A_181 = arith.constant 6768 : i32
      %add3A_182 = vector.broadcast %add3A_181 : i32 to vector<8x512xi32>
      %add3A_183 = arith.addi %iota3A_138, %add3A_182 : vector<8x512xi32>
      %select_n3A_184 = arith.select %lt3A_179, %add3A_183, %select_n3A_177 : vector<8x512xi1>, vector<8x512xi32>
      %slice3A_185 = vector.extract_strided_slice %add3A_15 {offsets = [120, 0], sizes = [8, 512], strides = [1, 1]} : vector<512x512xf32> to vector<8x512xf32>
      %lt3A_186 = arith.cmpf olt, %slice3A_185, %select_n3A_180 : vector<8x512xf32>
      %select_n3A_187 = arith.select %lt3A_186, %slice3A_185, %select_n3A_180 : vector<8x512xi1>, vector<8x512xf32>
      %add3A_188 = arith.constant 6776 : i32
      %add3A_189 = vector.broadcast %add3A_188 : i32 to vector<8x512xi32>
      %add3A_190 = arith.addi %iota3A_138, %add3A_189 : vector<8x512xi32>
      %select_n3A_191 = arith.select %lt3A_186, %add3A_190, %select_n3A_184 : vector<8x512xi1>, vector<8x512xi32>
      %slice3A_192 = vector.extract_strided_slice %add3A_15 {offsets = [128, 0], sizes = [8, 512], strides = [1, 1]} : vector<512x512xf32> to vector<8x512xf32>
      %lt3A_193 = arith.cmpf olt, %slice3A_192, %select_n3A_187 : vector<8x512xf32>
      %select_n3A_194 = arith.select %lt3A_193, %slice3A_192, %select_n3A_187 : vector<8x512xi1>, vector<8x512xf32>
      %add3A_195 = arith.constant 6784 : i32
      %add3A_196 = vector.broadcast %add3A_195 : i32 to vector<8x512xi32>
      %add3A_197 = arith.addi %iota3A_138, %add3A_196 : vector<8x512xi32>
      %select_n3A_198 = arith.select %lt3A_193, %add3A_197, %select_n3A_191 : vector<8x512xi1>, vector<8x512xi32>
      %slice3A_199 = vector.extract_strided_slice %add3A_15 {offsets = [136, 0], sizes = [8, 512], strides = [1, 1]} : vector<512x512xf32> to vector<8x512xf32>
      %lt3A_200 = arith.cmpf olt, %slice3A_199, %select_n3A_194 : vector<8x512xf32>
      %select_n3A_201 = arith.select %lt3A_200, %slice3A_199, %select_n3A_194 : vector<8x512xi1>, vector<8x512xf32>
      %add3A_202 = arith.constant 6792 : i32
      %add3A_203 = vector.broadcast %add3A_202 : i32 to vector<8x512xi32>
      %add3A_204 = arith.addi %iota3A_138, %add3A_203 : vector<8x512xi32>
      %select_n3A_205 = arith.select %lt3A_200, %add3A_204, %select_n3A_198 : vector<8x512xi1>, vector<8x512xi32>
      %slice3A_206 = vector.extract_strided_slice %add3A_15 {offsets = [144, 0], sizes = [8, 512], strides = [1, 1]} : vector<512x512xf32> to vector<8x512xf32>
      %lt3A_207 = arith.cmpf olt, %slice3A_206, %select_n3A_201 : vector<8x512xf32>
      %select_n3A_208 = arith.select %lt3A_207, %slice3A_206, %select_n3A_201 : vector<8x512xi1>, vector<8x512xf32>
      %add3A_209 = arith.constant 6800 : i32
      %add3A_210 = vector.broadcast %add3A_209 : i32 to vector<8x512xi32>
      %add3A_211 = arith.addi %iota3A_138, %add3A_210 : vector<8x512xi32>
      %select_n3A_212 = arith.select %lt3A_207, %add3A_211, %select_n3A_205 : vector<8x512xi1>, vector<8x512xi32>
      %slice3A_213 = vector.extract_strided_slice %add3A_15 {offsets = [152, 0], sizes = [8, 512], strides = [1, 1]} : vector<512x512xf32> to vector<8x512xf32>
      %lt3A_214 = arith.cmpf olt, %slice3A_213, %select_n3A_208 : vector<8x512xf32>
      %select_n3A_215 = arith.select %lt3A_214, %slice3A_213, %select_n3A_208 : vector<8x512xi1>, vector<8x512xf32>
      %add3A_216 = arith.constant 6808 : i32
      %add3A_217 = vector.broadcast %add3A_216 : i32 to vector<8x512xi32>
      %add3A_218 = arith.addi %iota3A_138, %add3A_217 : vector<8x512xi32>
      %select_n3A_219 = arith.select %lt3A_214, %add3A_218, %select_n3A_212 : vector<8x512xi1>, vector<8x512xi32>
      %slice3A_220 = vector.extract_strided_slice %add3A_15 {offsets = [160, 0], sizes = [8, 512], strides = [1, 1]} : vector<512x512xf32> to vector<8x512xf32>
      %lt3A_221 = arith.cmpf olt, %slice3A_220, %select_n3A_215 : vector<8x512xf32>
      %select_n3A_222 = arith.select %lt3A_221, %slice3A_220, %select_n3A_215 : vector<8x512xi1>, vector<8x512xf32>
      %add3A_223 = arith.constant 6816 : i32
      %add3A_224 = vector.broadcast %add3A_223 : i32 to vector<8x512xi32>
      %add3A_225 = arith.addi %iota3A_138, %add3A_224 : vector<8x512xi32>
      %select_n3A_226 = arith.select %lt3A_221, %add3A_225, %select_n3A_219 : vector<8x512xi1>, vector<8x512xi32>
      %slice3A_227 = vector.extract_strided_slice %add3A_15 {offsets = [168, 0], sizes = [8, 512], strides = [1, 1]} : vector<512x512xf32> to vector<8x512xf32>
      %lt3A_228 = arith.cmpf olt, %slice3A_227, %select_n3A_222 : vector<8x512xf32>
      %select_n3A_229 = arith.select %lt3A_228, %slice3A_227, %select_n3A_222 : vector<8x512xi1>, vector<8x512xf32>
      %add3A_230 = arith.constant 6824 : i32
      %add3A_231 = vector.broadcast %add3A_230 : i32 to vector<8x512xi32>
      %add3A_232 = arith.addi %iota3A_138, %add3A_231 : vector<8x512xi32>
      %select_n3A_233 = arith.select %lt3A_228, %add3A_232, %select_n3A_226 : vector<8x512xi1>, vector<8x512xi32>
      %slice3A_234 = vector.extract_strided_slice %add3A_15 {offsets = [176, 0], sizes = [8, 512], strides = [1, 1]} : vector<512x512xf32> to vector<8x512xf32>
      %lt3A_235 = arith.cmpf olt, %slice3A_234, %select_n3A_229 : vector<8x512xf32>
      %select_n3A_236 = arith.select %lt3A_235, %slice3A_234, %select_n3A_229 : vector<8x512xi1>, vector<8x512xf32>
      %add3A_237 = arith.constant 6832 : i32
      %add3A_238 = vector.broadcast %add3A_237 : i32 to vector<8x512xi32>
      %add3A_239 = arith.addi %iota3A_138, %add3A_238 : vector<8x512xi32>
      %select_n3A_240 = arith.select %lt3A_235, %add3A_239, %select_n3A_233 : vector<8x512xi1>, vector<8x512xi32>
      %slice3A_241 = vector.extract_strided_slice %add3A_15 {offsets = [184, 0], sizes = [8, 512], strides = [1, 1]} : vector<512x512xf32> to vector<8x512xf32>
      %lt3A_242 = arith.cmpf olt, %slice3A_241, %select_n3A_236 : vector<8x512xf32>
      %select_n3A_243 = arith.select %lt3A_242, %slice3A_241, %select_n3A_236 : vector<8x512xi1>, vector<8x512xf32>
      %add3A_244 = arith.constant 6840 : i32
      %add3A_245 = vector.broadcast %add3A_244 : i32 to vector<8x512xi32>
      %add3A_246 = arith.addi %iota3A_138, %add3A_245 : vector<8x512xi32>
      %select_n3A_247 = arith.select %lt3A_242, %add3A_246, %select_n3A_240 : vector<8x512xi1>, vector<8x512xi32>
      %slice3A_248 = vector.extract_strided_slice %add3A_15 {offsets = [192, 0], sizes = [8, 512], strides = [1, 1]} : vector<512x512xf32> to vector<8x512xf32>
      %lt3A_249 = arith.cmpf olt, %slice3A_248, %select_n3A_243 : vector<8x512xf32>
      %select_n3A_250 = arith.select %lt3A_249, %slice3A_248, %select_n3A_243 : vector<8x512xi1>, vector<8x512xf32>
      %add3A_251 = arith.constant 6848 : i32
      %add3A_252 = vector.broadcast %add3A_251 : i32 to vector<8x512xi32>
      %add3A_253 = arith.addi %iota3A_138, %add3A_252 : vector<8x512xi32>
      %select_n3A_254 = arith.select %lt3A_249, %add3A_253, %select_n3A_247 : vector<8x512xi1>, vector<8x512xi32>
      %slice3A_255 = vector.extract_strided_slice %add3A_15 {offsets = [200, 0], sizes = [8, 512], strides = [1, 1]} : vector<512x512xf32> to vector<8x512xf32>
      %lt3A_256 = arith.cmpf olt, %slice3A_255, %select_n3A_250 : vector<8x512xf32>
      %select_n3A_257 = arith.select %lt3A_256, %slice3A_255, %select_n3A_250 : vector<8x512xi1>, vector<8x512xf32>
      %add3A_258 = arith.constant 6856 : i32
      %add3A_259 = vector.broadcast %add3A_258 : i32 to vector<8x512xi32>
      %add3A_260 = arith.addi %iota3A_138, %add3A_259 : vector<8x512xi32>
      %select_n3A_261 = arith.select %lt3A_256, %add3A_260, %select_n3A_254 : vector<8x512xi1>, vector<8x512xi32>
      %slice3A_262 = vector.extract_strided_slice %add3A_15 {offsets = [208, 0], sizes = [8, 512], strides = [1, 1]} : vector<512x512xf32> to vector<8x512xf32>
      %lt3A_263 = arith.cmpf olt, %slice3A_262, %select_n3A_257 : vector<8x512xf32>
      %select_n3A_264 = arith.select %lt3A_263, %slice3A_262, %select_n3A_257 : vector<8x512xi1>, vector<8x512xf32>
      %add3A_265 = arith.constant 6864 : i32
      %add3A_266 = vector.broadcast %add3A_265 : i32 to vector<8x512xi32>
      %add3A_267 = arith.addi %iota3A_138, %add3A_266 : vector<8x512xi32>
      %select_n3A_268 = arith.select %lt3A_263, %add3A_267, %select_n3A_261 : vector<8x512xi1>, vector<8x512xi32>
      %slice3A_269 = vector.extract_strided_slice %add3A_15 {offsets = [216, 0], sizes = [8, 512], strides = [1, 1]} : vector<512x512xf32> to vector<8x512xf32>
      %lt3A_270 = arith.cmpf olt, %slice3A_269, %select_n3A_264 : vector<8x512xf32>
      %select_n3A_271 = arith.select %lt3A_270, %slice3A_269, %select_n3A_264 : vector<8x512xi1>, vector<8x512xf32>
      %add3A_272 = arith.constant 6872 : i32
      %add3A_273 = vector.broadcast %add3A_272 : i32 to vector<8x512xi32>
      %add3A_274 = arith.addi %iota3A_138, %add3A_273 : vector<8x512xi32>
      %select_n3A_275 = arith.select %lt3A_270, %add3A_274, %select_n3A_268 : vector<8x512xi1>, vector<8x512xi32>
      %slice3A_276 = vector.extract_strided_slice %add3A_15 {offsets = [224, 0], sizes = [8, 512], strides = [1, 1]} : vector<512x512xf32> to vector<8x512xf32>
      %lt3A_277 = arith.cmpf olt, %slice3A_276, %select_n3A_271 : vector<8x512xf32>
      %select_n3A_278 = arith.select %lt3A_277, %slice3A_276, %select_n3A_271 : vector<8x512xi1>, vector<8x512xf32>
      %add3A_279 = arith.constant 6880 : i32
      %add3A_280 = vector.broadcast %add3A_279 : i32 to vector<8x512xi32>
      %add3A_281 = arith.addi %iota3A_138, %add3A_280 : vector<8x512xi32>
      %select_n3A_282 = arith.select %lt3A_277, %add3A_281, %select_n3A_275 : vector<8x512xi1>, vector<8x512xi32>
      %slice3A_283 = vector.extract_strided_slice %add3A_15 {offsets = [232, 0], sizes = [8, 512], strides = [1, 1]} : vector<512x512xf32> to vector<8x512xf32>
      %lt3A_284 = arith.cmpf olt, %slice3A_283, %select_n3A_278 : vector<8x512xf32>
      %select_n3A_285 = arith.select %lt3A_284, %slice3A_283, %select_n3A_278 : vector<8x512xi1>, vector<8x512xf32>
      %add3A_286 = arith.constant 6888 : i32
      %add3A_287 = vector.broadcast %add3A_286 : i32 to vector<8x512xi32>
      %add3A_288 = arith.addi %iota3A_138, %add3A_287 : vector<8x512xi32>
      %select_n3A_289 = arith.select %lt3A_284, %add3A_288, %select_n3A_282 : vector<8x512xi1>, vector<8x512xi32>
      %slice3A_290 = vector.extract_strided_slice %add3A_15 {offsets = [240, 0], sizes = [8, 512], strides = [1, 1]} : vector<512x512xf32> to vector<8x512xf32>
      %lt3A_291 = arith.cmpf olt, %slice3A_290, %select_n3A_285 : vector<8x512xf32>
      %select_n3A_292 = arith.select %lt3A_291, %slice3A_290, %select_n3A_285 : vector<8x512xi1>, vector<8x512xf32>
      %add3A_293 = arith.constant 6896 : i32
      %add3A_294 = vector.broadcast %add3A_293 : i32 to vector<8x512xi32>
      %add3A_295 = arith.addi %iota3A_138, %add3A_294 : vector<8x512xi32>
      %select_n3A_296 = arith.select %lt3A_291, %add3A_295, %select_n3A_289 : vector<8x512xi1>, vector<8x512xi32>
      %slice3A_297 = vector.extract_strided_slice %add3A_15 {offsets = [248, 0], sizes = [8, 512], strides = [1, 1]} : vector<512x512xf32> to vector<8x512xf32>
      %lt3A_298 = arith.cmpf olt, %slice3A_297, %select_n3A_292 : vector<8x512xf32>
      %select_n3A_299 = arith.select %lt3A_298, %slice3A_297, %select_n3A_292 : vector<8x512xi1>, vector<8x512xf32>
      %add3A_300 = arith.constant 6904 : i32
      %add3A_301 = vector.broadcast %add3A_300 : i32 to vector<8x512xi32>
      %add3A_302 = arith.addi %iota3A_138, %add3A_301 : vector<8x512xi32>
      %select_n3A_303 = arith.select %lt3A_298, %add3A_302, %select_n3A_296 : vector<8x512xi1>, vector<8x512xi32>
      %slice3A_304 = vector.extract_strided_slice %add3A_15 {offsets = [256, 0], sizes = [8, 512], strides = [1, 1]} : vector<512x512xf32> to vector<8x512xf32>
      %lt3A_305 = arith.cmpf olt, %slice3A_304, %select_n3A_299 : vector<8x512xf32>
      %select_n3A_306 = arith.select %lt3A_305, %slice3A_304, %select_n3A_299 : vector<8x512xi1>, vector<8x512xf32>
      %add3A_307 = arith.constant 6912 : i32
      %add3A_308 = vector.broadcast %add3A_307 : i32 to vector<8x512xi32>
      %add3A_309 = arith.addi %iota3A_138, %add3A_308 : vector<8x512xi32>
      %select_n3A_310 = arith.select %lt3A_305, %add3A_309, %select_n3A_303 : vector<8x512xi1>, vector<8x512xi32>
      %slice3A_311 = vector.extract_strided_slice %add3A_15 {offsets = [264, 0], sizes = [8, 512], strides = [1, 1]} : vector<512x512xf32> to vector<8x512xf32>
      %lt3A_312 = arith.cmpf olt, %slice3A_311, %select_n3A_306 : vector<8x512xf32>
      %select_n3A_313 = arith.select %lt3A_312, %slice3A_311, %select_n3A_306 : vector<8x512xi1>, vector<8x512xf32>
      %add3A_314 = arith.constant 6920 : i32
      %add3A_315 = vector.broadcast %add3A_314 : i32 to vector<8x512xi32>
      %add3A_316 = arith.addi %iota3A_138, %add3A_315 : vector<8x512xi32>
      %select_n3A_317 = arith.select %lt3A_312, %add3A_316, %select_n3A_310 : vector<8x512xi1>, vector<8x512xi32>
      %slice3A_318 = vector.extract_strided_slice %add3A_15 {offsets = [272, 0], sizes = [8, 512], strides = [1, 1]} : vector<512x512xf32> to vector<8x512xf32>
      %lt3A_319 = arith.cmpf olt, %slice3A_318, %select_n3A_313 : vector<8x512xf32>
      %select_n3A_320 = arith.select %lt3A_319, %slice3A_318, %select_n3A_313 : vector<8x512xi1>, vector<8x512xf32>
      %add3A_321 = arith.constant 6928 : i32
      %add3A_322 = vector.broadcast %add3A_321 : i32 to vector<8x512xi32>
      %add3A_323 = arith.addi %iota3A_138, %add3A_322 : vector<8x512xi32>
      %select_n3A_324 = arith.select %lt3A_319, %add3A_323, %select_n3A_317 : vector<8x512xi1>, vector<8x512xi32>
      %slice3A_325 = vector.extract_strided_slice %add3A_15 {offsets = [280, 0], sizes = [8, 512], strides = [1, 1]} : vector<512x512xf32> to vector<8x512xf32>
      %lt3A_326 = arith.cmpf olt, %slice3A_325, %select_n3A_320 : vector<8x512xf32>
      %select_n3A_327 = arith.select %lt3A_326, %slice3A_325, %select_n3A_320 : vector<8x512xi1>, vector<8x512xf32>
      %add3A_328 = arith.constant 6936 : i32
      %add3A_329 = vector.broadcast %add3A_328 : i32 to vector<8x512xi32>
      %add3A_330 = arith.addi %iota3A_138, %add3A_329 : vector<8x512xi32>
      %select_n3A_331 = arith.select %lt3A_326, %add3A_330, %select_n3A_324 : vector<8x512xi1>, vector<8x512xi32>
      %slice3A_332 = vector.extract_strided_slice %add3A_15 {offsets = [288, 0], sizes = [8, 512], strides = [1, 1]} : vector<512x512xf32> to vector<8x512xf32>
      %lt3A_333 = arith.cmpf olt, %slice3A_332, %select_n3A_327 : vector<8x512xf32>
      %select_n3A_334 = arith.select %lt3A_333, %slice3A_332, %select_n3A_327 : vector<8x512xi1>, vector<8x512xf32>
      %add3A_335 = arith.constant 6944 : i32
      %add3A_336 = vector.broadcast %add3A_335 : i32 to vector<8x512xi32>
      %add3A_337 = arith.addi %iota3A_138, %add3A_336 : vector<8x512xi32>
      %select_n3A_338 = arith.select %lt3A_333, %add3A_337, %select_n3A_331 : vector<8x512xi1>, vector<8x512xi32>
      %slice3A_339 = vector.extract_strided_slice %add3A_15 {offsets = [296, 0], sizes = [8, 512], strides = [1, 1]} : vector<512x512xf32> to vector<8x512xf32>
      %lt3A_340 = arith.cmpf olt, %slice3A_339, %select_n3A_334 : vector<8x512xf32>
      %select_n3A_341 = arith.select %lt3A_340, %slice3A_339, %select_n3A_334 : vector<8x512xi1>, vector<8x512xf32>
      %add3A_342 = arith.constant 6952 : i32
      %add3A_343 = vector.broadcast %add3A_342 : i32 to vector<8x512xi32>
      %add3A_344 = arith.addi %iota3A_138, %add3A_343 : vector<8x512xi32>
      %select_n3A_345 = arith.select %lt3A_340, %add3A_344, %select_n3A_338 : vector<8x512xi1>, vector<8x512xi32>
      %slice3A_346 = vector.extract_strided_slice %add3A_15 {offsets = [304, 0], sizes = [8, 512], strides = [1, 1]} : vector<512x512xf32> to vector<8x512xf32>
      %lt3A_347 = arith.cmpf olt, %slice3A_346, %select_n3A_341 : vector<8x512xf32>
      %select_n3A_348 = arith.select %lt3A_347, %slice3A_346, %select_n3A_341 : vector<8x512xi1>, vector<8x512xf32>
      %add3A_349 = arith.constant 6960 : i32
      %add3A_350 = vector.broadcast %add3A_349 : i32 to vector<8x512xi32>
      %add3A_351 = arith.addi %iota3A_138, %add3A_350 : vector<8x512xi32>
      %select_n3A_352 = arith.select %lt3A_347, %add3A_351, %select_n3A_345 : vector<8x512xi1>, vector<8x512xi32>
      %slice3A_353 = vector.extract_strided_slice %add3A_15 {offsets = [312, 0], sizes = [8, 512], strides = [1, 1]} : vector<512x512xf32> to vector<8x512xf32>
      %lt3A_354 = arith.cmpf olt, %slice3A_353, %select_n3A_348 : vector<8x512xf32>
      %select_n3A_355 = arith.select %lt3A_354, %slice3A_353, %select_n3A_348 : vector<8x512xi1>, vector<8x512xf32>
      %add3A_356 = arith.constant 6968 : i32
      %add3A_357 = vector.broadcast %add3A_356 : i32 to vector<8x512xi32>
      %add3A_358 = arith.addi %iota3A_138, %add3A_357 : vector<8x512xi32>
      %select_n3A_359 = arith.select %lt3A_354, %add3A_358, %select_n3A_352 : vector<8x512xi1>, vector<8x512xi32>
      %slice3A_360 = vector.extract_strided_slice %add3A_15 {offsets = [320, 0], sizes = [8, 512], strides = [1, 1]} : vector<512x512xf32> to vector<8x512xf32>
      %add3A_361 = arith.constant 6976 : i32
      %add3A_362 = vector.broadcast %add3A_361 : i32 to vector<8x512xi32>
      %add3A_363 = arith.addi %iota3A_138, %add3A_362 : vector<8x512xi32>
      %slice3A_364 = vector.extract_strided_slice %add3A_15 {offsets = [328, 0], sizes = [8, 512], strides = [1, 1]} : vector<512x512xf32> to vector<8x512xf32>
      %lt3A_365 = arith.cmpf olt, %slice3A_364, %slice3A_360 : vector<8x512xf32>
      %select_n3A_366 = arith.select %lt3A_365, %slice3A_364, %slice3A_360 : vector<8x512xi1>, vector<8x512xf32>
      %add3A_367 = arith.constant 6984 : i32
      %add3A_368 = vector.broadcast %add3A_367 : i32 to vector<8x512xi32>
      %add3A_369 = arith.addi %iota3A_138, %add3A_368 : vector<8x512xi32>
      %select_n3A_370 = arith.select %lt3A_365, %add3A_369, %add3A_363 : vector<8x512xi1>, vector<8x512xi32>
      %slice3A_371 = vector.extract_strided_slice %add3A_15 {offsets = [336, 0], sizes = [8, 512], strides = [1, 1]} : vector<512x512xf32> to vector<8x512xf32>
      %lt3A_372 = arith.cmpf olt, %slice3A_371, %select_n3A_366 : vector<8x512xf32>
      %select_n3A_373 = arith.select %lt3A_372, %slice3A_371, %select_n3A_366 : vector<8x512xi1>, vector<8x512xf32>
      %add3A_374 = arith.constant 6992 : i32
      %add3A_375 = vector.broadcast %add3A_374 : i32 to vector<8x512xi32>
      %add3A_376 = arith.addi %iota3A_138, %add3A_375 : vector<8x512xi32>
      %select_n3A_377 = arith.select %lt3A_372, %add3A_376, %select_n3A_370 : vector<8x512xi1>, vector<8x512xi32>
      %slice3A_378 = vector.extract_strided_slice %add3A_15 {offsets = [344, 0], sizes = [8, 512], strides = [1, 1]} : vector<512x512xf32> to vector<8x512xf32>
      %lt3A_379 = arith.cmpf olt, %slice3A_378, %select_n3A_373 : vector<8x512xf32>
      %select_n3A_380 = arith.select %lt3A_379, %slice3A_378, %select_n3A_373 : vector<8x512xi1>, vector<8x512xf32>
      %add3A_381 = arith.constant 7000 : i32
      %add3A_382 = vector.broadcast %add3A_381 : i32 to vector<8x512xi32>
      %add3A_383 = arith.addi %iota3A_138, %add3A_382 : vector<8x512xi32>
      %select_n3A_384 = arith.select %lt3A_379, %add3A_383, %select_n3A_377 : vector<8x512xi1>, vector<8x512xi32>
      %slice3A_385 = vector.extract_strided_slice %add3A_15 {offsets = [352, 0], sizes = [8, 512], strides = [1, 1]} : vector<512x512xf32> to vector<8x512xf32>
      %lt3A_386 = arith.cmpf olt, %slice3A_385, %select_n3A_380 : vector<8x512xf32>
      %select_n3A_387 = arith.select %lt3A_386, %slice3A_385, %select_n3A_380 : vector<8x512xi1>, vector<8x512xf32>
      %add3A_388 = arith.constant 7008 : i32
      %add3A_389 = vector.broadcast %add3A_388 : i32 to vector<8x512xi32>
      %add3A_390 = arith.addi %iota3A_138, %add3A_389 : vector<8x512xi32>
      %select_n3A_391 = arith.select %lt3A_386, %add3A_390, %select_n3A_384 : vector<8x512xi1>, vector<8x512xi32>
      %slice3A_392 = vector.extract_strided_slice %add3A_15 {offsets = [360, 0], sizes = [8, 512], strides = [1, 1]} : vector<512x512xf32> to vector<8x512xf32>
      %lt3A_393 = arith.cmpf olt, %slice3A_392, %select_n3A_387 : vector<8x512xf32>
      %select_n3A_394 = arith.select %lt3A_393, %slice3A_392, %select_n3A_387 : vector<8x512xi1>, vector<8x512xf32>
      %add3A_395 = arith.constant 7016 : i32
      %add3A_396 = vector.broadcast %add3A_395 : i32 to vector<8x512xi32>
      %add3A_397 = arith.addi %iota3A_138, %add3A_396 : vector<8x512xi32>
      %select_n3A_398 = arith.select %lt3A_393, %add3A_397, %select_n3A_391 : vector<8x512xi1>, vector<8x512xi32>
      %slice3A_399 = vector.extract_strided_slice %add3A_15 {offsets = [368, 0], sizes = [8, 512], strides = [1, 1]} : vector<512x512xf32> to vector<8x512xf32>
      %lt3A_400 = arith.cmpf olt, %slice3A_399, %select_n3A_394 : vector<8x512xf32>
      %select_n3A_401 = arith.select %lt3A_400, %slice3A_399, %select_n3A_394 : vector<8x512xi1>, vector<8x512xf32>
      %add3A_402 = arith.constant 7024 : i32
      %add3A_403 = vector.broadcast %add3A_402 : i32 to vector<8x512xi32>
      %add3A_404 = arith.addi %iota3A_138, %add3A_403 : vector<8x512xi32>
      %select_n3A_405 = arith.select %lt3A_400, %add3A_404, %select_n3A_398 : vector<8x512xi1>, vector<8x512xi32>
      %slice3A_406 = vector.extract_strided_slice %add3A_15 {offsets = [376, 0], sizes = [8, 512], strides = [1, 1]} : vector<512x512xf32> to vector<8x512xf32>
      %lt3A_407 = arith.cmpf olt, %slice3A_406, %select_n3A_401 : vector<8x512xf32>
      %select_n3A_408 = arith.select %lt3A_407, %slice3A_406, %select_n3A_401 : vector<8x512xi1>, vector<8x512xf32>
      %add3A_409 = arith.constant 7032 : i32
      %add3A_410 = vector.broadcast %add3A_409 : i32 to vector<8x512xi32>
      %add3A_411 = arith.addi %iota3A_138, %add3A_410 : vector<8x512xi32>
      %select_n3A_412 = arith.select %lt3A_407, %add3A_411, %select_n3A_405 : vector<8x512xi1>, vector<8x512xi32>
      %slice3A_413 = vector.extract_strided_slice %add3A_15 {offsets = [384, 0], sizes = [8, 512], strides = [1, 1]} : vector<512x512xf32> to vector<8x512xf32>
      %lt3A_414 = arith.cmpf olt, %slice3A_413, %select_n3A_408 : vector<8x512xf32>
      %select_n3A_415 = arith.select %lt3A_414, %slice3A_413, %select_n3A_408 : vector<8x512xi1>, vector<8x512xf32>
      %add3A_416 = arith.constant 7040 : i32
      %add3A_417 = vector.broadcast %add3A_416 : i32 to vector<8x512xi32>
      %add3A_418 = arith.addi %iota3A_138, %add3A_417 : vector<8x512xi32>
      %select_n3A_419 = arith.select %lt3A_414, %add3A_418, %select_n3A_412 : vector<8x512xi1>, vector<8x512xi32>
      %slice3A_420 = vector.extract_strided_slice %add3A_15 {offsets = [392, 0], sizes = [8, 512], strides = [1, 1]} : vector<512x512xf32> to vector<8x512xf32>
      %lt3A_421 = arith.cmpf olt, %slice3A_420, %select_n3A_415 : vector<8x512xf32>
      %select_n3A_422 = arith.select %lt3A_421, %slice3A_420, %select_n3A_415 : vector<8x512xi1>, vector<8x512xf32>
      %add3A_423 = arith.constant 7048 : i32
      %add3A_424 = vector.broadcast %add3A_423 : i32 to vector<8x512xi32>
      %add3A_425 = arith.addi %iota3A_138, %add3A_424 : vector<8x512xi32>
      %select_n3A_426 = arith.select %lt3A_421, %add3A_425, %select_n3A_419 : vector<8x512xi1>, vector<8x512xi32>
      %slice3A_427 = vector.extract_strided_slice %add3A_15 {offsets = [400, 0], sizes = [8, 512], strides = [1, 1]} : vector<512x512xf32> to vector<8x512xf32>
      %lt3A_428 = arith.cmpf olt, %slice3A_427, %select_n3A_422 : vector<8x512xf32>
      %select_n3A_429 = arith.select %lt3A_428, %slice3A_427, %select_n3A_422 : vector<8x512xi1>, vector<8x512xf32>
      %add3A_430 = arith.constant 7056 : i32
      %add3A_431 = vector.broadcast %add3A_430 : i32 to vector<8x512xi32>
      %add3A_432 = arith.addi %iota3A_138, %add3A_431 : vector<8x512xi32>
      %select_n3A_433 = arith.select %lt3A_428, %add3A_432, %select_n3A_426 : vector<8x512xi1>, vector<8x512xi32>
      %slice3A_434 = vector.extract_strided_slice %add3A_15 {offsets = [408, 0], sizes = [8, 512], strides = [1, 1]} : vector<512x512xf32> to vector<8x512xf32>
      %lt3A_435 = arith.cmpf olt, %slice3A_434, %select_n3A_429 : vector<8x512xf32>
      %select_n3A_436 = arith.select %lt3A_435, %slice3A_434, %select_n3A_429 : vector<8x512xi1>, vector<8x512xf32>
      %add3A_437 = arith.constant 7064 : i32
      %add3A_438 = vector.broadcast %add3A_437 : i32 to vector<8x512xi32>
      %add3A_439 = arith.addi %iota3A_138, %add3A_438 : vector<8x512xi32>
      %select_n3A_440 = arith.select %lt3A_435, %add3A_439, %select_n3A_433 : vector<8x512xi1>, vector<8x512xi32>
      %slice3A_441 = vector.extract_strided_slice %add3A_15 {offsets = [416, 0], sizes = [8, 512], strides = [1, 1]} : vector<512x512xf32> to vector<8x512xf32>
      %lt3A_442 = arith.cmpf olt, %slice3A_441, %select_n3A_436 : vector<8x512xf32>
      %select_n3A_443 = arith.select %lt3A_442, %slice3A_441, %select_n3A_436 : vector<8x512xi1>, vector<8x512xf32>
      %add3A_444 = arith.constant 7072 : i32
      %add3A_445 = vector.broadcast %add3A_444 : i32 to vector<8x512xi32>
      %add3A_446 = arith.addi %iota3A_138, %add3A_445 : vector<8x512xi32>
      %select_n3A_447 = arith.select %lt3A_442, %add3A_446, %select_n3A_440 : vector<8x512xi1>, vector<8x512xi32>
      %slice3A_448 = vector.extract_strided_slice %add3A_15 {offsets = [424, 0], sizes = [8, 512], strides = [1, 1]} : vector<512x512xf32> to vector<8x512xf32>
      %lt3A_449 = arith.cmpf olt, %slice3A_448, %select_n3A_443 : vector<8x512xf32>
      %select_n3A_450 = arith.select %lt3A_449, %slice3A_448, %select_n3A_443 : vector<8x512xi1>, vector<8x512xf32>
      %add3A_451 = arith.constant 7080 : i32
      %add3A_452 = vector.broadcast %add3A_451 : i32 to vector<8x512xi32>
      %add3A_453 = arith.addi %iota3A_138, %add3A_452 : vector<8x512xi32>
      %select_n3A_454 = arith.select %lt3A_449, %add3A_453, %select_n3A_447 : vector<8x512xi1>, vector<8x512xi32>
      %slice3A_455 = vector.extract_strided_slice %add3A_15 {offsets = [432, 0], sizes = [8, 512], strides = [1, 1]} : vector<512x512xf32> to vector<8x512xf32>
      %lt3A_456 = arith.cmpf olt, %slice3A_455, %select_n3A_450 : vector<8x512xf32>
      %select_n3A_457 = arith.select %lt3A_456, %slice3A_455, %select_n3A_450 : vector<8x512xi1>, vector<8x512xf32>
      %add3A_458 = arith.constant 7088 : i32
      %add3A_459 = vector.broadcast %add3A_458 : i32 to vector<8x512xi32>
      %add3A_460 = arith.addi %iota3A_138, %add3A_459 : vector<8x512xi32>
      %select_n3A_461 = arith.select %lt3A_456, %add3A_460, %select_n3A_454 : vector<8x512xi1>, vector<8x512xi32>
      %slice3A_462 = vector.extract_strided_slice %add3A_15 {offsets = [440, 0], sizes = [8, 512], strides = [1, 1]} : vector<512x512xf32> to vector<8x512xf32>
      %lt3A_463 = arith.cmpf olt, %slice3A_462, %select_n3A_457 : vector<8x512xf32>
      %select_n3A_464 = arith.select %lt3A_463, %slice3A_462, %select_n3A_457 : vector<8x512xi1>, vector<8x512xf32>
      %add3A_465 = arith.constant 7096 : i32
      %add3A_466 = vector.broadcast %add3A_465 : i32 to vector<8x512xi32>
      %add3A_467 = arith.addi %iota3A_138, %add3A_466 : vector<8x512xi32>
      %select_n3A_468 = arith.select %lt3A_463, %add3A_467, %select_n3A_461 : vector<8x512xi1>, vector<8x512xi32>
      %slice3A_469 = vector.extract_strided_slice %add3A_15 {offsets = [448, 0], sizes = [8, 512], strides = [1, 1]} : vector<512x512xf32> to vector<8x512xf32>
      %lt3A_470 = arith.cmpf olt, %slice3A_469, %select_n3A_464 : vector<8x512xf32>
      %select_n3A_471 = arith.select %lt3A_470, %slice3A_469, %select_n3A_464 : vector<8x512xi1>, vector<8x512xf32>
      %add3A_472 = arith.constant 7104 : i32
      %add3A_473 = vector.broadcast %add3A_472 : i32 to vector<8x512xi32>
      %add3A_474 = arith.addi %iota3A_138, %add3A_473 : vector<8x512xi32>
      %select_n3A_475 = arith.select %lt3A_470, %add3A_474, %select_n3A_468 : vector<8x512xi1>, vector<8x512xi32>
      %slice3A_476 = vector.extract_strided_slice %add3A_15 {offsets = [456, 0], sizes = [8, 512], strides = [1, 1]} : vector<512x512xf32> to vector<8x512xf32>
      %lt3A_477 = arith.cmpf olt, %slice3A_476, %select_n3A_471 : vector<8x512xf32>
      %select_n3A_478 = arith.select %lt3A_477, %slice3A_476, %select_n3A_471 : vector<8x512xi1>, vector<8x512xf32>
      %add3A_479 = arith.constant 7112 : i32
      %add3A_480 = vector.broadcast %add3A_479 : i32 to vector<8x512xi32>
      %add3A_481 = arith.addi %iota3A_138, %add3A_480 : vector<8x512xi32>
      %select_n3A_482 = arith.select %lt3A_477, %add3A_481, %select_n3A_475 : vector<8x512xi1>, vector<8x512xi32>
      %slice3A_483 = vector.extract_strided_slice %add3A_15 {offsets = [464, 0], sizes = [8, 512], strides = [1, 1]} : vector<512x512xf32> to vector<8x512xf32>
      %lt3A_484 = arith.cmpf olt, %slice3A_483, %select_n3A_478 : vector<8x512xf32>
      %select_n3A_485 = arith.select %lt3A_484, %slice3A_483, %select_n3A_478 : vector<8x512xi1>, vector<8x512xf32>
      %add3A_486 = arith.constant 7120 : i32
      %add3A_487 = vector.broadcast %add3A_486 : i32 to vector<8x512xi32>
      %add3A_488 = arith.addi %iota3A_138, %add3A_487 : vector<8x512xi32>
      %select_n3A_489 = arith.select %lt3A_484, %add3A_488, %select_n3A_482 : vector<8x512xi1>, vector<8x512xi32>
      %slice3A_490 = vector.extract_strided_slice %add3A_15 {offsets = [472, 0], sizes = [8, 512], strides = [1, 1]} : vector<512x512xf32> to vector<8x512xf32>
      %lt3A_491 = arith.cmpf olt, %slice3A_490, %select_n3A_485 : vector<8x512xf32>
      %select_n3A_492 = arith.select %lt3A_491, %slice3A_490, %select_n3A_485 : vector<8x512xi1>, vector<8x512xf32>
      %add3A_493 = arith.constant 7128 : i32
      %add3A_494 = vector.broadcast %add3A_493 : i32 to vector<8x512xi32>
      %add3A_495 = arith.addi %iota3A_138, %add3A_494 : vector<8x512xi32>
      %select_n3A_496 = arith.select %lt3A_491, %add3A_495, %select_n3A_489 : vector<8x512xi1>, vector<8x512xi32>
      %slice3A_497 = vector.extract_strided_slice %add3A_15 {offsets = [480, 0], sizes = [8, 512], strides = [1, 1]} : vector<512x512xf32> to vector<8x512xf32>
      %lt3A_498 = arith.cmpf olt, %slice3A_497, %select_n3A_492 : vector<8x512xf32>
      %select_n3A_499 = arith.select %lt3A_498, %slice3A_497, %select_n3A_492 : vector<8x512xi1>, vector<8x512xf32>
      %add3A_500 = arith.constant 7136 : i32
      %add3A_501 = vector.broadcast %add3A_500 : i32 to vector<8x512xi32>
      %add3A_502 = arith.addi %iota3A_138, %add3A_501 : vector<8x512xi32>
      %select_n3A_503 = arith.select %lt3A_498, %add3A_502, %select_n3A_496 : vector<8x512xi1>, vector<8x512xi32>
      %slice3A_504 = vector.extract_strided_slice %add3A_15 {offsets = [488, 0], sizes = [8, 512], strides = [1, 1]} : vector<512x512xf32> to vector<8x512xf32>
      %lt3A_505 = arith.cmpf olt, %slice3A_504, %select_n3A_499 : vector<8x512xf32>
      %select_n3A_506 = arith.select %lt3A_505, %slice3A_504, %select_n3A_499 : vector<8x512xi1>, vector<8x512xf32>
      %add3A_507 = arith.constant 7144 : i32
      %add3A_508 = vector.broadcast %add3A_507 : i32 to vector<8x512xi32>
      %add3A_509 = arith.addi %iota3A_138, %add3A_508 : vector<8x512xi32>
      %select_n3A_510 = arith.select %lt3A_505, %add3A_509, %select_n3A_503 : vector<8x512xi1>, vector<8x512xi32>
      %slice3A_511 = vector.extract_strided_slice %add3A_15 {offsets = [496, 0], sizes = [8, 512], strides = [1, 1]} : vector<512x512xf32> to vector<8x512xf32>
      %lt3A_512 = arith.cmpf olt, %slice3A_511, %select_n3A_506 : vector<8x512xf32>
      %select_n3A_513 = arith.select %lt3A_512, %slice3A_511, %select_n3A_506 : vector<8x512xi1>, vector<8x512xf32>
      %add3A_514 = arith.constant 7152 : i32
      %add3A_515 = vector.broadcast %add3A_514 : i32 to vector<8x512xi32>
      %add3A_516 = arith.addi %iota3A_138, %add3A_515 : vector<8x512xi32>
      %select_n3A_517 = arith.select %lt3A_512, %add3A_516, %select_n3A_510 : vector<8x512xi1>, vector<8x512xi32>
      %slice3A_518 = vector.extract_strided_slice %add3A_15 {offsets = [504, 0], sizes = [8, 512], strides = [1, 1]} : vector<512x512xf32> to vector<8x512xf32>
      %lt3A_519 = arith.cmpf olt, %slice3A_518, %select_n3A_513 : vector<8x512xf32>
      %select_n3A_520 = arith.select %lt3A_519, %slice3A_518, %select_n3A_513 : vector<8x512xi1>, vector<8x512xf32>
      %add3A_521 = arith.constant 7160 : i32
      %add3A_522 = vector.broadcast %add3A_521 : i32 to vector<8x512xi32>
      %add3A_523 = arith.addi %iota3A_138, %add3A_522 : vector<8x512xi32>
      %select_n3A_524 = arith.select %lt3A_519, %add3A_523, %select_n3A_517 : vector<8x512xi1>, vector<8x512xi32>
      %lt3A_525 = arith.cmpf olt, %select_n3A_520, %select_n3A_355 : vector<8x512xf32>
      %select_n3A_526 = arith.select %lt3A_525, %select_n3A_520, %select_n3A_355 : vector<8x512xi1>, vector<8x512xf32>
      %select_n3A_527 = arith.select %lt3A_525, %select_n3A_524, %select_n3A_359 : vector<8x512xi1>, vector<8x512xi32>
      %reduce_min3A_528 = arith.constant dense<0x7F800000> : vector<512xf32>
      %reduce_min3A_529 = vector.multi_reduction <minimumf>, %select_n3A_526, %reduce_min3A_528 [0] : vector<8x512xf32> to vector<512xf32>
      %broadcast_in_dim3A_530 = vector.shape_cast %reduce_min3A_529 : vector<512xf32> to vector<1x512xf32>
      %eq3A_531 = vector.broadcast %broadcast_in_dim3A_530 : vector<1x512xf32> to vector<8x512xf32>
      %eq3A_532 = arith.cmpf oeq, %select_n3A_526, %eq3A_531 : vector<8x512xf32>
      %broadcast_in_dim3A_533 = arith.constant 1073741824 : i32
      %broadcast_in_dim3A_534 = vector.broadcast %broadcast_in_dim3A_533 : i32 to vector<8x512xi32>
      %select_n3A_535 = arith.select %eq3A_532, %select_n3A_527, %broadcast_in_dim3A_534 : vector<8x512xi1>, vector<8x512xi32>
      %reduce_min3A_536 = arith.constant dense<2147483647> : vector<512xi32>
      %reduce_min3A_537 = vector.multi_reduction <minsi>, %select_n3A_535, %reduce_min3A_536 [0] : vector<8x512xi32> to vector<512xi32>
      %broadcast_in_dim3A_538 = vector.shape_cast %reduce_min3A_537 : vector<512xi32> to vector<1x512xi32>
      %get3A_539 = arith.constant 0 : index
      %get3A_540 = arith.index_cast %mul3A_17 : i32 to index
      %get3A_541 = vector.load %arg8[%get3A_539, %get3A_540] : memref<1x8192xf32, #tpu.memory_space<vmem>>, vector<1x512xf32>
      %get3A_542 = arith.constant 0 : index
      %get3A_543 = arith.index_cast %mul3A_17 : i32 to index
      %get3A_544 = vector.load %arg9[%get3A_542, %get3A_543] : memref<1x8192xi32, #tpu.memory_space<vmem>>, vector<1x512xi32>
      %lt3A_545 = arith.cmpf olt, %broadcast_in_dim3A_530, %get3A_541 : vector<1x512xf32>
      %select_n3A_546 = arith.select %lt3A_545, %broadcast_in_dim3A_530, %get3A_541 : vector<1x512xi1>, vector<1x512xf32>
      %swap3A_547 = arith.constant 0 : index
      %swap3A_548 = arith.index_cast %mul3A_17 : i32 to index
      %swap3A_549 = vector.load %arg8[%swap3A_547, %swap3A_548] : memref<1x8192xf32, #tpu.memory_space<vmem>>, vector<1x512xf32>
      tpu.vector_store %arg8[%swap3A_547, %swap3A_548], %select_n3A_546 {strides = array<i32>} : memref<1x8192xf32, #tpu.memory_space<vmem>>, vector<1x512xf32>,
      %select_n3A_550 = arith.select %lt3A_545, %broadcast_in_dim3A_538, %get3A_544 : vector<1x512xi1>, vector<1x512xi32>
      %swap3A_551 = arith.constant 0 : index
      %swap3A_552 = arith.index_cast %mul3A_17 : i32 to index
      %swap3A_553 = vector.load %arg9[%swap3A_551, %swap3A_552] : memref<1x8192xi32, #tpu.memory_space<vmem>>, vector<1x512xi32>
      tpu.vector_store %arg9[%swap3A_551, %swap3A_552], %select_n3A_550 {strides = array<i32>} : memref<1x8192xi32, #tpu.memory_space<vmem>>, vector<1x512xi32>,
      %get3A_554 = arith.constant 0 : index
      %get3A_555 = arith.index_cast %mul3A_17 : i32 to index
      %get3A_556 = vector.load %arg10[%get3A_554, %get3A_555] : memref<1x8192xf32, #tpu.memory_space<vmem>>, vector<1x512xf32>
      %min3A_557 = arith.minimumf %get3A_556, %broadcast_in_dim3A_530 : vector<1x512xf32>
      %swap3A_558 = arith.constant 0 : index
      %swap3A_559 = arith.index_cast %mul3A_17 : i32 to index
      %swap3A_560 = vector.load %arg10[%swap3A_558, %swap3A_559] : memref<1x8192xf32, #tpu.memory_space<vmem>>, vector<1x512xf32>
      tpu.vector_store %arg10[%swap3A_558, %swap3A_559], %min3A_557 {strides = array<i32>} : memref<1x8192xf32, #tpu.memory_space<vmem>>, vector<1x512xf32>,
    } else {
    }
    %eq3A_46 = arith.constant 15 : i32
    %eq3A_47 = arith.cmpi eq, %arg0, %eq3A_46 : i32
    %convert_element_type3A_48 = arith.extui %eq3A_47 : i1 to i32
    %cond3A_49 = arith.constant 0 : i32
    %cond3A_50 = arith.cmpi ne, %convert_element_type3A_48, %cond3A_49 : i32
    scf.if %cond3A_50 {
      %get3A_51 = arith.constant 0 : index
      %get3A_52 = arith.index_cast %mul3A_17 : i32 to index
      %get3A_53 = vector.load %arg9[%get3A_51, %get3A_52] : memref<1x8192xi32, #tpu.memory_space<vmem>>, vector<1x512xi32>
      %swap3A = arith.constant 0 : index
      %swap3A_54 = arith.constant 0 : index
      %swap3A_55 = vector.load %arg6[%swap3A, %swap3A_54] : memref<1x512xi32, #tpu.memory_space<vmem>>, vector<1x512xi32>
      tpu.vector_store %arg6[%swap3A, %swap3A_54], %get3A_53 {strides = array<i32>} : memref<1x512xi32, #tpu.memory_space<vmem>>, vector<1x512xi32>,
      %get3A_56 = arith.constant 0 : index
      %get3A_57 = arith.index_cast %mul3A_17 : i32 to index
      %get3A_58 = vector.load %arg10[%get3A_56, %get3A_57] : memref<1x8192xf32, #tpu.memory_space<vmem>>, vector<1x512xf32>
      %reduce_sum3A = vector.shape_cast %get3A_58 : vector<1x512xf32> to vector<1x1x512xf32>
      %reduce_sum3A_59 = arith.constant dense<0.000000e+00> : vector<1xf32>
      %reduce_sum3A_60 = vector.multi_reduction <add>, %reduce_sum3A, %reduce_sum3A_59 [1, 2] : vector<1x1x512xf32> to vector<1xf32>
      %reduce_sum3A_61 = vector.shape_cast %reduce_sum3A_60 : vector<1xf32> to vector<1x1x1xf32>
      %reduce_sum3A_62 = vector.extract %reduce_sum3A_61[0, 0, 0] : f32 from vector<1x1x1xf32>
      %eq3A_63 = arith.constant 0 : i32
      %eq3A_64 = arith.cmpi eq, %arg1, %eq3A_63 : i32
      %convert_element_type3A_65 = arith.extui %eq3A_64 : i1 to i32
      %cond3A_66 = arith.constant 0 : i32
      %cond3A_67 = arith.cmpi ne, %convert_element_type3A_65, %cond3A_66 : i32
      scf.if %cond3A_67 {
        %swap3A_77 = arith.constant 0 : index
        %swap3A_78 = memref.load %arg11[%swap3A_77] : memref<1xf32, #tpu.memory_space<smem>>
        memref.store %reduce_sum3A_62, %arg11[%swap3A_77] : memref<1xf32, #tpu.memory_space<smem>>
      } else {
      }
      %gt3A = arith.constant 0 : i32
      %gt3A_68 = arith.cmpi sgt, %arg1, %gt3A : i32
      %convert_element_type3A_69 = arith.extui %gt3A_68 : i1 to i32
      %cond3A_70 = arith.constant 0 : i32
      %cond3A_71 = arith.cmpi ne, %convert_element_type3A_69, %cond3A_70 : i32
      scf.if %cond3A_71 {
        %get3A_77 = arith.constant 0 : index
        %get3A_78 = memref.load %arg11[%get3A_77] : memref<1xf32, #tpu.memory_space<smem>>
        %add3A_79 = arith.addf %get3A_78, %reduce_sum3A_62 : f32
        %swap3A_80 = arith.constant 0 : index
        %swap3A_81 = memref.load %arg11[%swap3A_80] : memref<1xf32, #tpu.memory_space<smem>>
        memref.store %add3A_79, %arg11[%swap3A_80] : memref<1xf32, #tpu.memory_space<smem>>
      } else {
      }
      %eq3A_72 = arith.constant 15 : i32
      %eq3A_73 = arith.cmpi eq, %arg1, %eq3A_72 : i32
      %convert_element_type3A_74 = arith.extui %eq3A_73 : i1 to i32
      %cond3A_75 = arith.constant 0 : i32
      %cond3A_76 = arith.cmpi ne, %convert_element_type3A_74, %cond3A_75 : i32
      scf.if %cond3A_76 {
        %get3A_77 = arith.constant 0 : index
        %get3A_78 = memref.load %arg11[%get3A_77] : memref<1xf32, #tpu.memory_space<smem>>
        %mul3A_79 = arith.constant 1.1920929E-7 : f32
        %mul3A_80 = arith.mulf %get3A_78, %mul3A_79 : f32
        %broadcast_in_dim3A = vector.broadcast %mul3A_80 : f32 to vector<1x1xf32>
        %swap3A_81 = arith.constant 0 : index
        %swap3A_82 = arith.constant 0 : index
        %swap3A_83 = vector.load %arg7[%swap3A_81, %swap3A_82] : memref<1x1xf32, #tpu.memory_space<vmem>>, vector<1x1xf32>
        tpu.vector_store %arg7[%swap3A_81, %swap3A_82], %broadcast_in_dim3A {strides = array<i32>} : memref<1x1xf32, #tpu.memory_space<vmem>>, vector<1x1xf32>,
      } else {
      }
    } else {
    }
    return
  }
  func.func @transform_0(%arg0: i32, %arg1: i32) -> (i32, i32) {
    %c0_i32 = arith.constant 0 : i32
    %c0_i32_0 = arith.constant 0 : i32
    return %c0_i32, %arg1 : i32, i32
  }
  func.func @transform_1(%arg0: i32, %arg1: i32) -> (i32, i32) {
    %c0_i32 = arith.constant 0 : i32
    %c0_i32_0 = arith.constant 0 : i32
    return %arg0, %c0_i32 : i32, i32
  }
  func.func @transform_2(%arg0: i32, %arg1: i32) -> (i32, i32) {
    %c0_i32 = arith.constant 0 : i32
    %c0_i32_0 = arith.constant 0 : i32
    return %arg0, %c0_i32 : i32, i32
  }
  func.func @transform_3(%arg0: i32, %arg1: i32) -> (i32, i32) {
    %c0_i32 = arith.constant 0 : i32
    %c0_i32_0 = arith.constant 0 : i32
    return %c0_i32, %arg1 : i32, i32
  }
  func.func @transform_4(%arg0: i32, %arg1: i32) -> (i32, i32) {
    %c0_i32 = arith.constant 0 : i32
    %c0_i32_0 = arith.constant 0 : i32
    return %c0_i32, %arg1 : i32, i32
  }
  func.func @transform_5(%arg0: i32, %arg1: i32) -> (i32, i32) {
    %c0_i32 = arith.constant 0 : i32
    %c0_i32_0 = arith.constant 0 : i32
    %c0_i32_1 = arith.constant 0 : i32
    return %c0_i32, %c0_i32_0 : i32, i32
  }
}

</mosaic_0001>

<sc_bundles>
// kernel: kernel.4.cloned.1.call-start
scs
__scs_entry_jumppad:
0x0: {  	(pc) =	sbr.rel $0x88, $3  }
0x1: {  	(tag) =	ssettag $0x0;
	lr =	simm.s32 $0x1  }
0x2: {  	[smem:$0x3F9F] =	sst lr;
	_ =	strace $0xD0000000  }
0x3: {  	_ = 	snop  }
0x4: {  	_ = 	snop  }
0x5: {  	_ = 	snop  }
0x6: {  	_ = 	snop  }
0x7: {  	_ = 	snop  }
__scs_overlays_trampoline_lowered:
0x8: {  	[smem:$0x3FAE] =	sst s0  }
0x9: {  	[smem:$0x3FAF] =	sst s1  }
0xa: {  	[smem:$0x3FB0] =	sst s2  }
0xb: {  	[smem:$0x3FB1] =	sst s3  }
0xc: {  	[smem:$0x3FB2] =	sst s4  }
0xd: {  	[smem:$0x3FB3] =	sst s5  }
0xe: {  	[smem:$0x3FB4] =	sst s6  }
0xf: {  	[smem:$0x3FB5] =	sst s7  }
0x10: {  	[smem:$0x3FB6] =	sst s8  }
0x11: {  	[smem:$0x3FB7] =	sst s9;
	s0 =	simm.s32 @!p0 $0x0  }
0x12: {  	s1 =	sld [smem:$0x3F9D];
	s0 =	simm.s32 @p0 $0x1  }
0x13: {  	[smem:$0x3FB8] =	sst s0;
	s0 =	simm.s32 @!p1 $0x0  }
0x14: {  	s2 =	sld [smem:$0x3F9C];
	s0 =	simm.s32 @p1 $0x1  }
0x15: {  	[smem:$0x3FB9] =	sst s0;
	s0 =	simm.s32 @!p2 $0x0  }
0x16: {  	s3 =	sld [smem:$0x3FDB];
	s0 =	simm.s32 @p2 $0x1  }
0x17: {  	s4 =	simm.s32 $0x1BF5;
	[smem:$0x3FBB] =	sst s0  }
0x18: {  	s0 =	sld [smem:$0x3F9E];
	_ =	swait.ge [sflag:s4], $0x0  }
0x19: {  	s7 =	sld [smem:$0x3F9F]  }
0x1a: {  	s8 =	sadd.s32 $0xFFFFE003, lr  }
0x1b: {  	s9 =	sadd.s32 $0xFFFFFEF7, lr;
	s5 =	simm.s32 $0xFFFFFFFF;
	p2 =	slt.u32 s8, $0xFFFFF086  }
0x1c: {  	p1 =	slt.u32 s9, $0xF7A;
	s5 =	simm.s32 @!p2 $0x0  }
0x1d: {  	s5 =	simm.s32 @p1 $0x1;
	p0 =	seq.s32 s7, s2  }
0x1e: {  	s7 =	smul.u32 @!p0 $0xF7A, s2;
	p2 =	seq.s32 @!p0 s5, $0x0  }
0x1f: {  	s9 =	smul.u32 $0xF7A, s1;
	s8 =	simm.s32 @!p0 $0x1BF5;
	p2 =	por !p2, p0  }
0x20: {  	[sflag:s8] =	ssyncset.s32 @!p0 $0xFFFFF086;
	s6 =	sadd.s32 @!p0 s3, s7;
	s7 =	simm.s32 @!p0 $0x108  }
0x21: {  	s3 =	sadd.s32 s3, s9;
	s6 =	sadd.s32 @!p0 $0x88, s6;
	s7 =	simm.s32 @p2 $0x1082  }
0x22: {  	[simem:s7], [sflag:s8] =	dma.local @!p0 [hbm:s6], $0xF7A  }
0x23: {  	s9 =	sor.u32 $0xD0000000, s2;
	s6 =	simm.s32 $0x108;
	_ =	swait.ge @!p0 [sflag:s8], $0x0  }
0x24: {  	s3 =	sadd.s32 $0x88, s3;
	s6 =	simm.s32 @!p1 $0x1082;
	[sflag:s4] =	ssyncset.s32 $0xFFFFF086  }
0x25: {  	[simem:s6], [sflag:s4] =	dma.local [hbm:s3], $0xF7A  }
0x26: {  	[smem:$0x3F9F] =	sst s1;
	(tag) =	ssettag s2;
	_ =	strace s9  }
0x27: {  	s1 =	sld [smem:$0x3FAF]  }
0x28: {  	s2 =	sld [smem:$0x3FB0]  }
0x29: {  	s4 =	sld [smem:$0x3FB2]  }
0x2a: {  	p0 =	seq.s32 s5, $0x0;
	s5 =	sld [smem:$0x3FB3]  }
0x2b: {  	s6 =	sld [smem:$0x3FB4]  }
0x2c: {  	s7 =	sld [smem:$0x3FB5]  }
0x2d: {  	s3 =	simm.s32 $0x108;
	s8 =	sld [smem:$0x3FB6]  }
0x2e: {  	s3 =	simm.s32 @!p0 $0x1082;
	s9 =	sld [smem:$0x3FB7]  }
0x2f: {  	lr =	sadd.s32 s0, s3;
	s0 =	sld [smem:$0x3FAE]  }
0x30: {  	s3 =	sld [smem:$0x3FB1]  }
0x31: {  	[smem:$0x3FBA] =	sst s10  }
0x32: {  	s10 =	sld [smem:$0x3FB8];
	_ =	sdelay $0x3  }
0x33: {  	p0 =	seq.s32 s10, $0x1;
	s10 =	sld [smem:$0x3FBA];
	_ =	sdelay $0x3  }
0x34: {  	[smem:$0x3FBA] =	sst s10  }
0x35: {  	s10 =	sld [smem:$0x3FB9];
	_ =	sdelay $0x3  }
0x36: {  	p1 =	seq.s32 s10, $0x1;
	s10 =	sld [smem:$0x3FBA];
	_ =	sdelay $0x3  }
0x37: {  	[smem:$0x3FBA] =	sst s10  }
0x38: {  	s10 =	sld [smem:$0x3FBB]  }
0x39: {  	_ = 	snop;
	(pc) =	sbr.ind lr, $3  }
0x3a: {  	_ = 	snop  }
0x3b: {  	_ = 	snop  }
0x3c: {  	p2 =	seq.s32 s10, $0x1;
	s10 =	sld [smem:$0x3FBA]  }
0x3d: {  	_ =	shalt  }
0x3e: {  	_ =	shalt  }
0x3f: {  	_ =	shalt  }
0x40: {  	_ =	shalt  }
0x41: {  	_ =	shalt  }
0x42: {  	_ =	shalt  }
0x43: {  	_ =	shalt  }
0x44: {  	_ =	shalt  }
0x45: {  	_ =	shalt  }
0x46: {  	_ =	shalt  }
0x47: {  	_ =	shalt  }
0x48: {  	_ =	shalt  }
0x49: {  	_ =	shalt  }
0x4a: {  	_ =	shalt  }
0x4b: {  	_ =	shalt  }
0x4c: {  	_ =	shalt  }
0x4d: {  	_ =	shalt  }
0x4e: {  	_ =	shalt  }
0x4f: {  	_ =	shalt  }
0x50: {  	_ =	shalt  }
0x51: {  	_ =	shalt  }
0x52: {  	_ =	shalt  }
0x53: {  	_ =	shalt  }
0x54: {  	_ =	shalt  }
0x55: {  	_ =	shalt  }
0x56: {  	_ =	shalt  }
0x57: {  	_ =	shalt  }
0x58: {  	_ =	shalt  }
0x59: {  	_ =	shalt  }
0x5a: {  	_ =	shalt  }
0x5b: {  	_ =	shalt  }
0x5c: {  	_ =	shalt  }
0x5d: {  	_ =	shalt  }
0x5e: {  	_ =	shalt  }
0x5f: {  	_ =	shalt  }
0x60: {  	_ =	shalt  }
0x61: {  	_ =	shalt  }
0x62: {  	_ =	shalt  }
0x63: {  	_ =	shalt  }
0x64: {  	_ =	shalt  }
0x65: {  	_ =	shalt  }
0x66: {  	_ =	shalt  }
0x67: {  	_ =	shalt  }
0x68: {  	_ =	shalt  }
0x69: {  	_ =	shalt  }
0x6a: {  	_ =	shalt  }
0x6b: {  	_ =	shalt  }
0x6c: {  	_ =	shalt  }
0x6d: {  	_ =	shalt  }
0x6e: {  	_ =	shalt  }
0x6f: {  	_ =	shalt  }
0x70: {  	_ =	shalt  }
0x71: {  	_ =	shalt  }
0x72: {  	_ =	shalt  }
0x73: {  	_ =	shalt  }
0x74: {  	_ =	shalt  }
0x75: {  	_ =	shalt  }
0x76: {  	_ =	shalt  }
0x77: {  	_ =	shalt  }
0x78: {  	_ =	shalt  }
0x79: {  	_ =	shalt  }
0x7a: {  	_ =	shalt  }
0x7b: {  	_ =	shalt  }
0x7c: {  	_ =	shalt  }
0x7d: {  	_ =	shalt  }
0x7e: {  	_ =	shalt  }
0x7f: {  	_ =	shalt  }
0x80: {  	_ =	shalt  }
0x81: {  	_ =	shalt  }
0x82: {  	_ =	shalt  }
0x83: {  	_ =	shalt  }
0x84: {  	_ =	shalt  }
0x85: {  	_ =	shalt  }
0x86: {  	_ =	shalt  }
0x87: {  	_ =	shalt  }
.Lfunc_end0:
.L_simem_size_0:
called_computation_lowered:
.L_overlay_start_0:
0x88: {  	s2 =	sld [smem:$0x3FD9]  }
0x89: {  	s3 =	sld [smem:$0x3FFE];
	_ =	sdelay $0x1  }
0x8a: {  	s1 =	srdreg.scid  }
0x8b: {  	s0 =	sand.u32 $0x1, s1  }
0x8c: {  	s14 =	sshll.u32 s0, $0xA;
	s2 =	sadd.s32 s3, s2  }
0x8d: {  	s2 =	sadd.s32 s2, s14  }
0x8e: {  	[smem:$0x3FC6] =	sst s2  }
0x8f: {  	_ = 	snop  }
0x90: {  	s2 =	sld [smem:$0x3FD0];
	_ =	sdelay $0x2  }
0x91: {  	s15 =	simm.s32 $0xA;
	s4 =	simm.s32 $0x10  }
0x92: {  	[smem:s4], [sflag:s15] =	dma.local [hbm:s2], $0x1  }
0x93: {  	_ =	swait.eq [sflag:s15], $0x1  }
0x94: {  	[sflag:s15] =	ssyncset.done $0x0  }
0x95: {  	[sflag:s15] =	ssyncadd.s32 $0xFFFFFFFF  }
0x96: {  	s16 =	sld [smem:$0x10];
	(tm) =	ssettm $0x1  }
0x97: {  	s17 =	sld [smem:$0x3FFB];
	_ =	sdelay $0x3  }
0x98: {  	_ =	strace s17  }
0x99: {  	s3 =	sld [smem:$0x3FFC];
	_ =	sdelay $0x3  }
0x9a: {  	_ =	strace s3  }
0x9b: {  	s3 =	sld [smem:$0x3FFD];
	_ =	sdelay $0x3  }
0x9c: {  	_ =	strace s3  }
0x9d: {  	_ =	strace $0x8FFFFFFF  }
0x9e: {  	s18 =	sld [smem:$0x3FDB];
	_ =	sdelay $0x1  }
0x9f: {  	s19 =	simm.s32 $_scs_section_size  }
0xa0: {  	s5 =	simm.s32 $_size__tile_overlayer_lowered;
	s6 =	simm.s32 $_tile_overlayer_lowered  }
0xa1: {  	s22 =	simm.s32 $0x1BFF;
	s21 =	sshll.u32 s6, $0x1;
	s3 =	sadd.s32 s19, s18  }
0xa2: {  	s7 =	simm.s32 $0x0;
	s20 =	sshll.u32 s5, $0x1;
	s5 =	sadd.s32 s21, s3  }
0xa3: {  	[timem:s7], [sflag:s22] =	dma.local [hbm:s5], s20  }
0xa4: {  	_ =	swait.ge [sflag:s22], s20  }
0xa5: {  	s4 =	ssub.s32 $0x0, s20;
	[sflag:s22] =	ssyncset.done $0x0  }
0xa6: {  	[sflag:s22] =	ssyncadd.s32 s4;
	_ =	sdelay $0x1  }
0xa7: {  	s23 =	simm.s32 $0x1B8B  }
0xa8: {  	_ =	swait.ge [sflag:s23], $0x1  }
0xa9: {  	[sflag:s23] =	ssyncset.done $0x0  }
0xaa: {  	s25 =	simm.s32 $0x1B8E;
	s24 =	sld [smem:$0x3FFE];
	[sflag:s23] =	ssyncadd.s32 $0xFFFFFFFF  }
0xab: {  	s26 =	simm.s32 $execute0_lowered;
	[smem:$0x3FD2] =	sst s25  }
0xac: {  	s5 =	sshll.u32 s26, $0x1;
	_ =	strace $0x80000046;
	[dreg:$0x1] =	wrdreg $0xFFFFFFFF  }
0xad: {  	s28 =	simm.s32 $_size_execute0_lowered;
	s3 =	sadd.s32 s3, s5;
	[dreg:$0x0] =	wrdreg $0x0  }
0xae: {  	s5 =	sshll.u32 s28, $0x1;
	[dreg:$0x2] =	wrdreg s3  }
0xaf: {  	[dreg:$0x3] =	wrdreg s5  }
0xb0: {  	[dreg:$0x4] =	wrdreg $0xC0  }
0xb1: {  	_ =	task [dreg:s7], $0x5FFFF  }
0xb2: {  	[dreg:$0x1] =	wrdreg $0xFFFFFFFF  }
0xb3: {  	[dreg:$0x0] =	wrdreg $0x60  }
0xb4: {  	[dreg:$0x2] =	wrdreg s24  }
0xb5: {  	[dreg:$0x3] =	wrdreg s16  }
0xb6: {  	[dreg:$0x4] =	wrdreg $0x9  }
0xb7: {  	_ =	task.clear_ibuf [dreg:s7], $0x5FFFF;
	_ =	strace $0x90000046  }
0xb8: {  	s29 =	simm.s32 $0x9;
	_ =	strace $0x80000048  }
0xb9: {  	_ =	swait.ge [sflag:s29], $0x1  }
0xba: {  	[sflag:s29] =	ssyncadd.s32 $0xFFFFFFFF  }
0xbb: {  	_ =	strace $0x90000048  }
0xbc: {  	_ =	sfence  }
0xbd: {  	s30 =	sld [smem:$0x0];
	_ =	sdelay $0x2  }
0xbe: {  	s31 =	sshll.u32 s1, $0xD;
	s1 =	sshrl.u32 s1, $0x2  }
0xbf: {  	s3 =	sand.u32 $0x4000, s31;
	s1 =	sadd.s32 s1, s30  }
0xc0: {  	s0 =	sor.u32 s3, s0;
	s1 =	sshll.u32 s1, $0x11  }
0xc1: {  	s0 =	sor.u32 s1, s0  }
0xc2: {  	s0 =	sadd.s32 $0x8F2B, s0  }
0xc3: {  	[sflag:s0] =	ssyncadd.remote.s32 $0x1  }
0xc4: {  	_ =	sfence.sel $0xFFFF  }
0xc5: {  	[dreg:$0x0] =	wrdreg $0xFFFFFFFF;
	(pc) =	sbr.abs _section_cstart, $3  }
0xc6: {  	[dreg:$0x1] =	wrdreg $0xFFFFFFFF  }
0xc7: {  	_ =	task.clear_ibuf [dreg:s7], $0x2FFFF;
	_ =	strace $0x9FFFFFFF  }
0xc8: {  	(tm) =	ssettm $0x7FFFFFFF  }
0xc9: {  	_ =	shalt  }
tec
execute0_lowered:
.L_overlay_start_1:
0x0: {  	(tag) =	ssettag $0x1  }
0x1: {  	s1 =	srdreg.scid;
	s3 =	rddreg [dreg:$0x0]  }
0x2: {  	s0 =	stileid.u32;
	s4 =	rddreg [dreg:$0x1];
	s19 =	simm.s32 $0x900  }
0x3: {  	s20 =	simm.s32 $0x1100;
	s21 =	simm.s32 $0x1900;
	s23 =	simm.s32 $0x2100  }
0x4: {  	s24 =	simm.s32 $0x2900;
	s25 =	simm.s32 $0x3100;
	s26 =	simm.s32 $0x3900  }
0x5: {  	s8 =	simm.s32 $0x4900;
	s9 =	simm.s32 $0x5100;
	s10 =	simm.s32 $0x5900  }
0x6: {  	s11 =	simm.s32 $0x6100;
	s12 =	simm.s32 $0x6900;
	s13 =	simm.s32 $0x7100  }
0x7: {  	s14 =	simm.s32 $0x7900;
	s15 =	simm.s32 $0x8100;
	s16 =	simm.s32 $0x8900  }
0x8: {  	s17 =	simm.s32 $0x9100;
	s1 =	sand.u32 $0x1, s1;
	s2 =	sshll.u32 s0, $0x1  }
0x9: {  	s18 =	simm.s32 $0x9900;
	s5 =	sor.u32 s1, s2;
	s2 =	simm.s32 $0x0  }
0xa: {  	s28 =	simm.s32 $0xE100;
	s29 =	simm.s32 $0xE900;
	[smem:$0x7FF] =	sst s2  }
0xb: {  	s30 =	simm.s32 $0xF100;
	_ =	strace $0x80000047;
	[dreg:$0x5] =	wrdreg s19  }
0xc: {  	s31 =	simm.s32 $0xF900;
	s1 =	ssub.s32 $0x2, s1;
	[dreg:$0x6] =	wrdreg s20  }
0xd: {  	s6 =	sshll.u32 s5, $0x5;
	s5 =	sshll.u32 s5, $0xD;
	[dreg:$0x7] =	wrdreg s21  }
0xe: {  	s22 =	sshrl.u32 s1, $0x1;
	s6 =	sadd.s32 s6, s3;
	[dreg:$0x8] =	wrdreg s23  }
0xf: {  	s4 =	sadd.s32 s4, s5;
	s3 =	sadd.s32 $0xA00, s3;
	[dreg:$0x9] =	wrdreg s24  }
0x10: {  	s1 =	ssub.s32 s1, s22;
	s5 =	simm.s32 $0x2;
	[dreg:$0xa] =	wrdreg s25  }
0x11: {  	[dreg:$0xb] =	wrdreg s26;
	s19 =	simm.s32 $0xA100;
	s20 =	simm.s32 $0xA900  }
0x12: {  	s21 =	simm.s32 $0xB100;
	s22 =	simm.s32 $0xB900;
	s23 =	simm.s32 $0xC100  }
0x13: {  	v2 =	vlaneseq.u32;
	s24 =	simm.s32 $0xC900;
	s25 =	simm.s32 $0xD100;
	s26 =	simm.s32 $0xD900  }
0x14: {  	vm0 =	vmmov $0xffff;
	v1 =	vshrl.u32 v2, $0x3;
	s6 =	sadd.s32 $0x40A00, s6;
	[dreg:$0x4] =	wrdreg s4;
	s4 =	smax.u32 s1, $0x1  }
0x15: {  	v0 =	vand.u32 $0x7, v2;
	v2 =	vor.u32 $0x8, v2;
	v1 =	vmul.u32 $0x8, v1;
	s1 =	simm.s32 $0x1;
	[dreg:$0x3] =	wrdreg s6;
	s6 =	simm.s32 $0x100  }
.LBB2_1:
0x16: {  	s0 =	rddreg [dreg:$0x3]  }
0x17: {  	[tilespmem:s2], [sflag:$0x2] =	stream.linear.gather [hbm4b:s0+s2], $0x100, $0x38;
	[tilespmem:$0x10100] =	vst v63  }
0x18: {  	_ =	swait.ge [sflag:s5], $0x100  }
0x19: {  	[sflag:s5] =	ssyncset.done $0x0  }
0x1a: {  	[sflag:s5] =	ssyncadd.s32 $0xFFFFFF00  }
0x1b: {  	v3 =	vld [tilespmem:$0x0];
	_ =	sdelay $0x4  }
0x1c: {  	v4 =	vshll.u32 v3, $0x1  }
0x1d: {  	v3 =	vand.u32 $0x7, v3;
	v4 =	vand.u32 $0xFFFFFFF0, v4  }
0x1e: {  	v3 =	vor.u32 v3, v4  }
0x1f: {  	v4 =	vperm.xlane v3, v0;
	_ =	sdelay $0x1  }
0x20: {  	v3 =	vperm.xlane v3, v2;
	v4 =	vadd.s32 v1, v4;
	_ =	sdelay $0x1  }
0x21: {  	v3 =	vadd.s32 v1, v3;
	_ =	sdelay $0x2  }
0x22: {  	[tilespmem:s6], [sflag:$0x1] =	stream.indirect_vreg.gather [hbm4b:s3+s2], $0x80, v4, vm0, $0xb8;
	[tilespmem:$0x10100] =	vst v63  }
0x23: {  	s7 =	rddreg [dreg:$0x5]  }
0x24: {  	[tilespmem:s7], [sflag:$0x1] =	stream.indirect_vreg.gather [hbm4b:s3+s2], $0x80, v3, vm0, $0xb8;
	[tilespmem:$0x10100] =	vst v63  }
0x25: {  	v3 =	vld [tilespmem:$0x10];
	_ =	sdelay $0x4  }
0x26: {  	v49 =	vshll.u32 v3, $0x1  }
0x27: {  	v3 =	vand.u32 $0x7, v3;
	v4 =	vand.u32 $0xFFFFFFF0, v49  }
0x28: {  	v3 =	vor.u32 v3, v4  }
0x29: {  	v4 =	vperm.xlane v3, v0;
	_ =	sdelay $0x1  }
0x2a: {  	v3 =	vperm.xlane v3, v2;
	v4 =	vadd.s32 v1, v4;
	_ =	sdelay $0x1  }
0x2b: {  	v3 =	vadd.s32 v1, v3;
	_ =	sdelay $0x1  }
0x2c: {  	s0 =	rddreg [dreg:$0x6]  }
0x2d: {  	[tilespmem:s0], [sflag:$0x1] =	stream.indirect_vreg.gather [hbm4b:s3+s2], $0x80, v4, vm0, $0xb8;
	[tilespmem:$0x10100] =	vst v63  }
0x2e: {  	s7 =	rddreg [dreg:$0x7]  }
0x2f: {  	[tilespmem:s7], [sflag:$0x1] =	stream.indirect_vreg.gather [hbm4b:s3+s2], $0x80, v3, vm0, $0xb8;
	[tilespmem:$0x10100] =	vst v63  }
0x30: {  	v3 =	vld [tilespmem:$0x20];
	_ =	sdelay $0x4  }
0x31: {  	v50 =	vshll.u32 v3, $0x1  }
0x32: {  	v3 =	vand.u32 $0x7, v3;
	v4 =	vand.u32 $0xFFFFFFF0, v50  }
0x33: {  	v3 =	vor.u32 v3, v4  }
0x34: {  	v4 =	vperm.xlane v3, v0;
	_ =	sdelay $0x1  }
0x35: {  	v3 =	vperm.xlane v3, v2;
	v4 =	vadd.s32 v1, v4;
	_ =	sdelay $0x1  }
0x36: {  	v3 =	vadd.s32 v1, v3;
	_ =	sdelay $0x1  }
0x37: {  	s0 =	rddreg [dreg:$0x8]  }
0x38: {  	[tilespmem:s0], [sflag:$0x1] =	stream.indirect_vreg.gather [hbm4b:s3+s2], $0x80, v4, vm0, $0xb8;
	[tilespmem:$0x10100] =	vst v63  }
0x39: {  	s7 =	rddreg [dreg:$0x9]  }
0x3a: {  	[tilespmem:s7], [sflag:$0x1] =	stream.indirect_vreg.gather [hbm4b:s3+s2], $0x80, v3, vm0, $0xb8;
	[tilespmem:$0x10100] =	vst v63  }
0x3b: {  	v3 =	vld [tilespmem:$0x30];
	_ =	sdelay $0x4  }
0x3c: {  	v51 =	vshll.u32 v3, $0x1  }
0x3d: {  	v3 =	vand.u32 $0x7, v3;
	v4 =	vand.u32 $0xFFFFFFF0, v51  }
0x3e: {  	v3 =	vor.u32 v3, v4  }
0x3f: {  	v4 =	vperm.xlane v3, v0;
	_ =	sdelay $0x1  }
0x40: {  	v3 =	vperm.xlane v3, v2;
	v4 =	vadd.s32 v1, v4;
	_ =	sdelay $0x1  }
0x41: {  	v3 =	vadd.s32 v1, v3;
	_ =	sdelay $0x1  }
0x42: {  	s0 =	rddreg [dreg:$0xa]  }
0x43: {  	[tilespmem:s0], [sflag:$0x1] =	stream.indirect_vreg.gather [hbm4b:s3+s2], $0x80, v4, vm0, $0xb8;
	[tilespmem:$0x10100] =	vst v63  }
0x44: {  	s7 =	rddreg [dreg:$0xb]  }
0x45: {  	[tilespmem:s7], [sflag:$0x1] =	stream.indirect_vreg.gather [hbm4b:s3+s2], $0x80, v3, vm0, $0xb8;
	[tilespmem:$0x10100] =	vst v63  }
0x46: {  	v3 =	vld [tilespmem:$0x40];
	_ =	sdelay $0x4  }
0x47: {  	v52 =	vshll.u32 v3, $0x1  }
0x48: {  	v3 =	vand.u32 $0x7, v3;
	v4 =	vand.u32 $0xFFFFFFF0, v52  }
0x49: {  	v3 =	vor.u32 v3, v4  }
0x4a: {  	v4 =	vperm.xlane v3, v0;
	_ =	sdelay $0x1  }
0x4b: {  	v3 =	vperm.xlane v3, v2;
	v4 =	vadd.s32 v1, v4;
	_ =	sdelay $0x1  }
0x4c: {  	v3 =	vadd.s32 v1, v3;
	_ =	sdelay $0x1  }
0x4d: {  	s7 =	simm.s32 $0x4100  }
0x4e: {  	[tilespmem:s7], [sflag:$0x1] =	stream.indirect_vreg.gather [hbm4b:s3+s2], $0x80, v4, vm0, $0xb8;
	[tilespmem:$0x10100] =	vst v63  }
0x4f: {  	_ = 	snop  }
0x50: {  	[tilespmem:s8], [sflag:$0x1] =	stream.indirect_vreg.gather [hbm4b:s3+s2], $0x80, v3, vm0, $0xb8;
	[tilespmem:$0x10100] =	vst v63  }
0x51: {  	v3 =	vld [tilespmem:$0x50];
	_ =	sdelay $0x4  }
0x52: {  	v53 =	vshll.u32 v3, $0x1  }
0x53: {  	v3 =	vand.u32 $0x7, v3;
	v4 =	vand.u32 $0xFFFFFFF0, v53  }
0x54: {  	v3 =	vor.u32 v3, v4  }
0x55: {  	v4 =	vperm.xlane v3, v0;
	_ =	sdelay $0x1  }
0x56: {  	v3 =	vperm.xlane v3, v2;
	v4 =	vadd.s32 v1, v4;
	_ =	sdelay $0x1  }
0x57: {  	v3 =	vadd.s32 v1, v3;
	_ =	sdelay $0x2  }
0x58: {  	[tilespmem:s9], [sflag:$0x1] =	stream.indirect_vreg.gather [hbm4b:s3+s2], $0x80, v4, vm0, $0xb8;
	[tilespmem:$0x10100] =	vst v63  }
0x59: {  	_ = 	snop  }
0x5a: {  	[tilespmem:s10], [sflag:$0x1] =	stream.indirect_vreg.gather [hbm4b:s3+s2], $0x80, v3, vm0, $0xb8;
	[tilespmem:$0x10100] =	vst v63  }
0x5b: {  	v3 =	vld [tilespmem:$0x60];
	_ =	sdelay $0x4  }
0x5c: {  	v54 =	vshll.u32 v3, $0x1  }
0x5d: {  	v3 =	vand.u32 $0x7, v3;
	v4 =	vand.u32 $0xFFFFFFF0, v54  }
0x5e: {  	v3 =	vor.u32 v3, v4  }
0x5f: {  	v4 =	vperm.xlane v3, v0;
	_ =	sdelay $0x1  }
0x60: {  	v3 =	vperm.xlane v3, v2;
	v4 =	vadd.s32 v1, v4;
	_ =	sdelay $0x1  }
0x61: {  	v3 =	vadd.s32 v1, v3;
	_ =	sdelay $0x2  }
0x62: {  	[tilespmem:s11], [sflag:$0x1] =	stream.indirect_vreg.gather [hbm4b:s3+s2], $0x80, v4, vm0, $0xb8;
	[tilespmem:$0x10100] =	vst v63  }
0x63: {  	_ = 	snop  }
0x64: {  	[tilespmem:s12], [sflag:$0x1] =	stream.indirect_vreg.gather [hbm4b:s3+s2], $0x80, v3, vm0, $0xb8;
	[tilespmem:$0x10100] =	vst v63  }
0x65: {  	v3 =	vld [tilespmem:$0x70];
	_ =	sdelay $0x4  }
0x66: {  	v55 =	vshll.u32 v3, $0x1  }
0x67: {  	v3 =	vand.u32 $0x7, v3;
	v4 =	vand.u32 $0xFFFFFFF0, v55  }
0x68: {  	v3 =	vor.u32 v3, v4  }
0x69: {  	v4 =	vperm.xlane v3, v0;
	_ =	sdelay $0x1  }
0x6a: {  	v3 =	vperm.xlane v3, v2;
	v4 =	vadd.s32 v1, v4;
	_ =	sdelay $0x1  }
0x6b: {  	v3 =	vadd.s32 v1, v3;
	_ =	sdelay $0x2  }
0x6c: {  	[tilespmem:s13], [sflag:$0x1] =	stream.indirect_vreg.gather [hbm4b:s3+s2], $0x80, v4, vm0, $0xb8;
	[tilespmem:$0x10100] =	vst v63  }
0x6d: {  	_ = 	snop  }
0x6e: {  	[tilespmem:s14], [sflag:$0x1] =	stream.indirect_vreg.gather [hbm4b:s3+s2], $0x80, v3, vm0, $0xb8;
	[tilespmem:$0x10100] =	vst v63  }
0x6f: {  	v3 =	vld [tilespmem:$0x80];
	_ =	sdelay $0x4  }
0x70: {  	v56 =	vshll.u32 v3, $0x1  }
0x71: {  	v3 =	vand.u32 $0x7, v3;
	v4 =	vand.u32 $0xFFFFFFF0, v56  }
0x72: {  	v3 =	vor.u32 v3, v4  }
0x73: {  	v4 =	vperm.xlane v3, v0;
	_ =	sdelay $0x1  }
0x74: {  	v3 =	vperm.xlane v3, v2;
	v4 =	vadd.s32 v1, v4;
	_ =	sdelay $0x1  }
0x75: {  	v3 =	vadd.s32 v1, v3;
	_ =	sdelay $0x2  }
0x76: {  	[tilespmem:s15], [sflag:$0x1] =	stream.indirect_vreg.gather [hbm4b:s3+s2], $0x80, v4, vm0, $0xb8;
	[tilespmem:$0x10100] =	vst v63  }
0x77: {  	_ = 	snop  }
0x78: {  	[tilespmem:s16], [sflag:$0x1] =	stream.indirect_vreg.gather [hbm4b:s3+s2], $0x80, v3, vm0, $0xb8;
	[tilespmem:$0x10100] =	vst v63  }
0x79: {  	v3 =	vld [tilespmem:$0x90];
	_ =	sdelay $0x4  }
0x7a: {  	v57 =	vshll.u32 v3, $0x1  }
0x7b: {  	v3 =	vand.u32 $0x7, v3;
	v4 =	vand.u32 $0xFFFFFFF0, v57  }
0x7c: {  	v3 =	vor.u32 v3, v4  }
0x7d: {  	v4 =	vperm.xlane v3, v0;
	_ =	sdelay $0x1  }
0x7e: {  	v3 =	vperm.xlane v3, v2;
	v4 =	vadd.s32 v1, v4;
	_ =	sdelay $0x1  }
0x7f: {  	v3 =	vadd.s32 v1, v3;
	_ =	sdelay $0x2  }
0x80: {  	[tilespmem:s17], [sflag:$0x1] =	stream.indirect_vreg.gather [hbm4b:s3+s2], $0x80, v4, vm0, $0xb8;
	[tilespmem:$0x10100] =	vst v63  }
0x81: {  	_ = 	snop  }
0x82: {  	[tilespmem:s18], [sflag:$0x1] =	stream.indirect_vreg.gather [hbm4b:s3+s2], $0x80, v3, vm0, $0xb8;
	[tilespmem:$0x10100] =	vst v63  }
0x83: {  	v3 =	vld [tilespmem:$0xA0];
	_ =	sdelay $0x4  }
0x84: {  	v58 =	vshll.u32 v3, $0x1  }
0x85: {  	v3 =	vand.u32 $0x7, v3;
	v4 =	vand.u32 $0xFFFFFFF0, v58  }
0x86: {  	v3 =	vor.u32 v3, v4  }
0x87: {  	v4 =	vperm.xlane v3, v0;
	_ =	sdelay $0x1  }
0x88: {  	v3 =	vperm.xlane v3, v2;
	v4 =	vadd.s32 v1, v4;
	_ =	sdelay $0x1  }
0x89: {  	v3 =	vadd.s32 v1, v3;
	_ =	sdelay $0x2  }
0x8a: {  	[tilespmem:s19], [sflag:$0x1] =	stream.indirect_vreg.gather [hbm4b:s3+s2], $0x80, v4, vm0, $0xb8;
	[tilespmem:$0x10100] =	vst v63  }
0x8b: {  	_ = 	snop  }
0x8c: {  	[tilespmem:s20], [sflag:$0x1] =	stream.indirect_vreg.gather [hbm4b:s3+s2], $0x80, v3, vm0, $0xb8;
	[tilespmem:$0x10100] =	vst v63  }
0x8d: {  	v3 =	vld [tilespmem:$0xB0];
	_ =	sdelay $0x4  }
0x8e: {  	v59 =	vshll.u32 v3, $0x1  }
0x8f: {  	v3 =	vand.u32 $0x7, v3;
	v4 =	vand.u32 $0xFFFFFFF0, v59  }
0x90: {  	v3 =	vor.u32 v3, v4  }
0x91: {  	v4 =	vperm.xlane v3, v0;
	_ =	sdelay $0x1  }
0x92: {  	v3 =	vperm.xlane v3, v2;
	v4 =	vadd.s32 v1, v4;
	_ =	sdelay $0x1  }
0x93: {  	v3 =	vadd.s32 v1, v3;
	_ =	sdelay $0x2  }
0x94: {  	[tilespmem:s21], [sflag:$0x1] =	stream.indirect_vreg.gather [hbm4b:s3+s2], $0x80, v4, vm0, $0xb8;
	[tilespmem:$0x10100] =	vst v63  }
0x95: {  	_ = 	snop  }
0x96: {  	[tilespmem:s22], [sflag:$0x1] =	stream.indirect_vreg.gather [hbm4b:s3+s2], $0x80, v3, vm0, $0xb8;
	[tilespmem:$0x10100] =	vst v63  }
0x97: {  	v3 =	vld [tilespmem:$0xC0];
	_ =	sdelay $0x4  }
0x98: {  	v60 =	vshll.u32 v3, $0x1  }
0x99: {  	v3 =	vand.u32 $0x7, v3;
	v4 =	vand.u32 $0xFFFFFFF0, v60  }
0x9a: {  	v3 =	vor.u32 v3, v4  }
0x9b: {  	v4 =	vperm.xlane v3, v0;
	_ =	sdelay $0x1  }
0x9c: {  	v3 =	vperm.xlane v3, v2;
	v4 =	vadd.s32 v1, v4;
	_ =	sdelay $0x1  }
0x9d: {  	v3 =	vadd.s32 v1, v3;
	_ =	sdelay $0x2  }
0x9e: {  	[tilespmem:s23], [sflag:$0x1] =	stream.indirect_vreg.gather [hbm4b:s3+s2], $0x80, v4, vm0, $0xb8;
	[tilespmem:$0x10100] =	vst v63  }
0x9f: {  	_ = 	snop  }
0xa0: {  	[tilespmem:s24], [sflag:$0x1] =	stream.indirect_vreg.gather [hbm4b:s3+s2], $0x80, v3, vm0, $0xb8;
	[tilespmem:$0x10100] =	vst v63  }
0xa1: {  	v3 =	vld [tilespmem:$0xD0];
	_ =	sdelay $0x4  }
0xa2: {  	v61 =	vshll.u32 v3, $0x1  }
0xa3: {  	v3 =	vand.u32 $0x7, v3;
	v4 =	vand.u32 $0xFFFFFFF0, v61  }
0xa4: {  	v3 =	vor.u32 v3, v4  }
0xa5: {  	v4 =	vperm.xlane v3, v0;
	_ =	sdelay $0x1  }
0xa6: {  	v3 =	vperm.xlane v3, v2;
	v4 =	vadd.s32 v1, v4;
	_ =	sdelay $0x1  }
0xa7: {  	v3 =	vadd.s32 v1, v3;
	_ =	sdelay $0x2  }
0xa8: {  	[tilespmem:s25], [sflag:$0x1] =	stream.indirect_vreg.gather [hbm4b:s3+s2], $0x80, v4, vm0, $0xb8;
	[tilespmem:$0x10100] =	vst v63  }
0xa9: {  	_ = 	snop  }
0xaa: {  	[tilespmem:s26], [sflag:$0x1] =	stream.indirect_vreg.gather [hbm4b:s3+s2], $0x80, v3, vm0, $0xb8;
	[tilespmem:$0x10100] =	vst v63  }
0xab: {  	v3 =	vld [tilespmem:$0xE0];
	_ =	sdelay $0x4  }
0xac: {  	v62 =	vshll.u32 v3, $0x1  }
0xad: {  	v3 =	vand.u32 $0x7, v3;
	v4 =	vand.u32 $0xFFFFFFF0, v62  }
0xae: {  	v3 =	vor.u32 v3, v4  }
0xaf: {  	v4 =	vperm.xlane v3, v0;
	_ =	sdelay $0x1  }
0xb0: {  	v3 =	vperm.xlane v3, v2;
	v4 =	vadd.s32 v1, v4;
	_ =	sdelay $0x1  }
0xb1: {  	v3 =	vadd.s32 v1, v3;
	_ =	sdelay $0x2  }
0xb2: {  	[tilespmem:s28], [sflag:$0x1] =	stream.indirect_vreg.gather [hbm4b:s3+s2], $0x80, v4, vm0, $0xb8;
	[tilespmem:$0x10100] =	vst v63  }
0xb3: {  	_ = 	snop  }
0xb4: {  	[tilespmem:s29], [sflag:$0x1] =	stream.indirect_vreg.gather [hbm4b:s3+s2], $0x80, v3, vm0, $0xb8;
	[tilespmem:$0x10100] =	vst v63  }
0xb5: {  	v3 =	vld [tilespmem:$0xF0];
	_ =	sdelay $0x4  }
0xb6: {  	v63 =	vshll.u32 v3, $0x1  }
0xb7: {  	v3 =	vand.u32 $0x7, v3;
	v4 =	vand.u32 $0xFFFFFFF0, v63  }
0xb8: {  	v3 =	vor.u32 v3, v4  }
0xb9: {  	v4 =	vperm.xlane v3, v0;
	_ =	sdelay $0x1  }
0xba: {  	v3 =	vperm.xlane v3, v2;
	v4 =	vadd.s32 v1, v4;
	_ =	sdelay $0x1  }
0xbb: {  	v3 =	vadd.s32 v1, v3;
	_ =	sdelay $0x2  }
0xbc: {  	[tilespmem:s30], [sflag:$0x1] =	stream.indirect_vreg.gather [hbm4b:s3+s2], $0x80, v4, vm0, $0xb8;
	[tilespmem:$0x10100] =	vst v63  }
0xbd: {  	_ = 	snop  }
0xbe: {  	[tilespmem:s31], [sflag:$0x1] =	stream.indirect_vreg.gather [hbm4b:s3+s2], $0x80, v3, vm0, $0xb8;
	[tilespmem:$0x10100] =	vst v63  }
0xbf: {  	_ =	swait.ge [sflag:s1], $0x8000  }
0xc0: {  	[sflag:s1] =	ssyncset.done $0x0  }
0xc1: {  	[sflag:s1] =	ssyncadd.s32 $0xFFFF8000  }
0xc2: {  	_ =	swait.ge [sflag:s1], $0x8000  }
0xc3: {  	p0 =	sne.s32 s4, $0x1;
	[sflag:s1] =	ssyncset.done $0x0  }
.Ltmp0:
0xc4: {  	s7 =	rddreg [dreg:$0x4];
	[sflag:s1] =	ssyncadd.s32 $0xFFFF8000;
	(pc) =	sbr.rel @p0 .LBB2_1-.Ltmp0, $4  }
0xc5: {  	[hbm4b:s7+s2] =	stream.linear.scatter [tilespmem:s6], [sflag:$0x2], $0x10000, $0x38;
	[tilespmem:$0x10100] =	vst v63  }
0xc6: {  	_ =	swait.ge [sflag:s5], $0x10000  }
0xc7: {  	[sflag:s5] =	ssyncset.done $0x0  }
0xc8: {  	s4 =	sadd.s32 $0xFFFFFFFF, s4;
	[sflag:s5] =	ssyncadd.s32 $0xFFFF0000  }
0xc9: {  	_ =	sfence.sel $0x180000  }
0xca: {  	[bflag:$0x0] =	sbarrier.arrive $0xFFFF  }
0xcb: {  	_ =	strace $0x90000047  }
0xcc: {  	s0 =	stileid.u32;
	[bflag:$0x2] =	sbarrier.arrive $0xFFFF  }
0xcd: {  	p0 =	sne.s32 s0, $0x0;
	s0 =	rddreg [dreg:$0x2]  }
0xce: {  	s0 =	sadd.s32 @!p0 $0x100000, s0  }
0xcf: {  	[sflag:s0] =	ssyncadd.tile.s32 @!p0 $0x1;
	_ =	shalt  }
.Lfunc_end2:
_tile_overlayer_lowered:
.L_overlay_start_2:
0xd0: {  	(tag) =	ssettag $0x2  }
0xd1: {  	s0 =	rddreg [dreg:$0x0];
	s2 =	stileid.u32  }
0xd2: {  	s1 =	rddreg [dreg:$0x1];
	p0 =	sne.s32 s2, $0x0  }
0xd3: {  	s3 =	rddreg [dreg:$0x2];
	[bflag:$0x3] =	sbarrier.arrive $0xFFFF;
	s2 =	simm.s32 @!p0 $0x1C02  }
0xd4: {  	[timem:s3], [sflag:s2] =	dma.local @!p0 [hbm:s0], s1  }
0xd5: {  	s0 =	simm.s32 @!p0 $0x2  }
0xd6: {  	_ =	swait.ge @!p0 [sflag:s0], s1  }
0xd7: {  	s1 =	ssub.s32 @!p0 $0x0, s1;
	[sflag:s0] =	ssyncset.done @!p0 $0x0  }
0xd8: {  	[sflag:s0] =	ssyncadd.s32 @!p0 s1  }
0xd9: {  	[bflag:$0x3] =	sbarrier.arrive $0xFFFF  }
0xda: {  	_ =	shalt  }

</sc_bundles>
